<compile_context>
chip_gen: v7x
topology: tpu7x:2x2x1
jax: 0.10.2.dev20260603
libtpu: 0.0.44.dev20260713+nightly
codegen_flags: <defaults>
</compile_context>

<pallas_src>
import functools

import jax
import jax.numpy as jnp
from jax import lax
from jax.experimental import pallas as pl
from jax.experimental.pallas import tpu as pltpu
from jax.experimental.pallas import tpu_sc as plsc

D_MODEL = 2048
D_LATENT = 512
D_HIDDEN = 1024
NUM_EXPERTS = 8
TOP_K = 2
N_TOKENS = 4096
TILE = 256
TILE_A = 1024
TILE_E = 512
TILE_G = 256
NT = N_TOKENS * TOP_K // TILE_G + NUM_EXPERTS - 1
S_PAD = NT * TILE_G

_NEG_BIG = -3.0e38



def _col_to_rows(v):
    T = v.shape[0]
    n0 = lax.broadcasted_iota(jnp.int32, (T, 128), 0)
    c1 = lax.broadcasted_iota(jnp.int32, (T, 128), 1)
    b1 = (n0 % 128 == c1).astype(jnp.float32)
    r0 = lax.broadcasted_iota(jnp.int32, (T // 128, T), 0)
    n1 = lax.broadcasted_iota(jnp.int32, (T // 128, T), 1)
    a1 = (n1 // 128 == r0).astype(jnp.float32)
    return jnp.dot(a1, v * b1, preferred_element_type=jnp.float32)


def _rows_to_col(g):
    R = g.shape[0]
    T = R * 128
    n0 = lax.broadcasted_iota(jnp.int32, (T, R), 0)
    r1 = lax.broadcasted_iota(jnp.int32, (T, R), 1)
    a2 = (n0 // 128 == r1).astype(jnp.float32)
    t1 = jnp.dot(a2, g, preferred_element_type=jnp.float32,
                 precision=lax.Precision.HIGHEST)
    n0b = lax.broadcasted_iota(jnp.int32, (T, 128), 0)
    c1b = lax.broadcasted_iota(jnp.int32, (T, 128), 1)
    b2 = (n0b % 128 == c1b).astype(jnp.float32)
    return jnp.dot(t1 * b2, jnp.ones((128, 1), jnp.float32),
                   preferred_element_type=jnp.float32,
                   precision=lax.Precision.HIGHEST)


def _router_z_body(x_ref, wr_ref, wd_ref, z_ref,
                   topi0_ref, topi1_ref, gates0_ref, gates1_ref):
    x = x_ref[0]
    logits = jnp.dot(x, wr_ref[...], preferred_element_type=jnp.float32)
    col = lax.broadcasted_iota(jnp.int32, logits.shape, 1)
    m1 = jnp.max(logits, axis=-1, keepdims=True)
    i1 = jnp.min(jnp.where(logits == m1, col, NUM_EXPERTS), axis=-1, keepdims=True)
    masked = jnp.where(col == i1, _NEG_BIG, logits)
    m2 = jnp.max(masked, axis=-1, keepdims=True)
    i2 = jnp.min(jnp.where(masked == m2, col, NUM_EXPERTS), axis=-1, keepdims=True)
    g0 = 1.0 / (1.0 + jnp.exp(m2 - m1))
    topi0_ref[...] = _col_to_rows(i1.astype(jnp.float32)).astype(jnp.int32)
    topi1_ref[...] = _col_to_rows(i2.astype(jnp.float32)).astype(jnp.int32)
    gates0_ref[...] = g0
    gates1_ref[...] = 1.0 - g0
    z_ref[...] = jnp.dot(x.astype(jnp.bfloat16),
                         wd_ref[...].astype(jnp.bfloat16),
                         preferred_element_type=jnp.float32)



_MR = 64
_MC = 128


def _metadata_body(eid0_ref, eid1_ref, slot0_ref, slot1_ref, tile_eid_ref):
    eid = jnp.concatenate([eid0_ref[...], eid1_ref[...]], axis=0)
    row = lax.broadcasted_iota(jnp.int32, (_MR, _MR), 0)
    rowp = lax.broadcasted_iota(jnp.int32, (_MR, _MR), 1)
    l_strict = (rowp < row).astype(jnp.float32)
    colp = lax.broadcasted_iota(jnp.int32, (_MC, _MC), 0)
    colc = lax.broadcasted_iota(jnp.int32, (_MC, _MC), 1)
    u_strict = (colp < colc).astype(jnp.float32)
    ones_c = jnp.ones((_MC, _MC), jnp.float32)

    slot_f = jnp.zeros((_MR, _MC), jnp.float32)
    off = 0
    starts = []
    ntiles = []
    for e in range(NUM_EXPERTS):
        m_e = (eid == e).astype(jnp.float32)
        prior_rows = jnp.dot(
            jnp.dot(l_strict, m_e, preferred_element_type=jnp.float32),
            ones_c, preferred_element_type=jnp.float32)
        in_row = jnp.dot(m_e, u_strict, preferred_element_type=jnp.float32)
        rank = prior_rows + in_row
        c_e = jnp.sum(m_e).astype(jnp.int32)
        off_f = off.astype(jnp.float32) if e > 0 else jnp.float32(0.0)
        slot_f = slot_f + m_e * (off_f + rank)
        nt_e = (c_e + (TILE_G - 1)) // TILE_G
        start_e = (off // TILE_G) if e > 0 else jnp.int32(0)
        starts.append(start_e)
        ntiles.append(nt_e)
        off = (off if e > 0 else jnp.int32(0)) + nt_e * TILE_G
    slot = slot_f.astype(jnp.int32)
    slot0_ref[...] = slot[:_MR // 2, :]
    slot1_ref[...] = slot[_MR // 2:, :]

    tcol = lax.broadcasted_iota(jnp.int32, (8, 128), 1)
    acc = jnp.zeros((8, 128), jnp.int32)
    acc_run = jnp.zeros((8, 128), jnp.int32)
    acc_reid = jnp.zeros((8, 128), jnp.int32)
    prefix_present = jnp.int32(0)
    for e in range(NUM_EXPERTS):
        hit = ((tcol >= starts[e]) & (tcol < starts[e] + ntiles[e])
               ).astype(jnp.int32)
        acc = acc + e * hit
        acc_run = acc_run + prefix_present * hit
        present = (ntiles[e] > 0).astype(jnp.int32)
        acc_reid = acc_reid + e * ((tcol == prefix_present).astype(jnp.int32)
                                   * present)
        prefix_present = prefix_present + present
    total_used = off // TILE_G
    acc_run = acc_run + (prefix_present - 1) * (tcol >= total_used).astype(
        jnp.int32)
    tile_eid_ref[...] = jnp.concatenate(
        [acc[0:1, :], acc_run[0:1, :], acc_reid[0:1, :], acc[0:5, :]], axis=0)



TPW = N_TOKENS // 32


def _sc_dispatch_body(z_hbm, s0_hbm, s1_hbm, zs_hbm, i0_v, i1_v, rows_v, sem):
    wid = lax.axis_index("s") * 2 + lax.axis_index("c")
    base = wid * TPW
    pltpu.sync_copy(s0_hbm.at[pl.ds(base, TPW)], i0_v)
    pltpu.sync_copy(s1_hbm.at[pl.ds(base, TPW)], i1_v)
    pltpu.sync_copy(z_hbm.at[pl.ds(base, TPW)], rows_v)
    pltpu.async_copy(rows_v, zs_hbm.at[i0_v], sem).wait()
    pltpu.async_copy(rows_v, zs_hbm.at[i1_v], sem).wait()


def _sc_combine_body(os_hbm, s0_hbm, s1_hbm, y0_hbm, y1_hbm,
                     i_v, rows_v, sem):
    wid = lax.axis_index("s") * 2 + lax.axis_index("c")
    base = wid * TPW
    pltpu.sync_copy(s0_hbm.at[pl.ds(base, TPW)], i_v)
    pltpu.async_copy(os_hbm.at[i_v], rows_v, sem).wait()
    pltpu.sync_copy(rows_v, y0_hbm.at[pl.ds(base, TPW)])
    pltpu.sync_copy(s1_hbm.at[pl.ds(base, TPW)], i_v)
    pltpu.async_copy(os_hbm.at[i_v], rows_v, sem).wait()
    pltpu.sync_copy(rows_v, y1_hbm.at[pl.ds(base, TPW)])




def _weight_dmas(meta_ref, wg_hbm, w1_hbm, w2_hbm,
                 wg_scr, w1_scr, w2_scr, sems, run, buf):
    e = meta_ref[2, jnp.minimum(run, NUM_EXPERTS - 1)]
    return [
        pltpu.make_async_copy(wg_hbm.at[e], wg_scr.at[buf], sems.at[0, buf]),
        pltpu.make_async_copy(w1_hbm.at[e], w1_scr.at[buf], sems.at[1, buf]),
        pltpu.make_async_copy(w2_hbm.at[e], w2_scr.at[buf], sems.at[2, buf]),
    ]


def _group_mm_body(meta_ref, zs_ref, wg_hbm, w1_hbm, w2_hbm, out_ref,
                   wg_scr, w1_scr, w2_scr, sems):
    i = pl.program_id(0)
    run = meta_ref[1, i]
    run_prev = meta_ref[1, jnp.maximum(i - 1, 0)]
    last_run = meta_ref[1, NT - 1]
    is_run_start = jnp.logical_or(i == 0, run != run_prev)
    buf = jnp.remainder(run, 2)

    @pl.when(i == 0)
    def _():
        for d in _weight_dmas(meta_ref, wg_hbm, w1_hbm, w2_hbm,
                              wg_scr, w1_scr, w2_scr, sems, run, buf):
            d.start()

    @pl.when(is_run_start)
    def _():
        for d in _weight_dmas(meta_ref, wg_hbm, w1_hbm, w2_hbm,
                              wg_scr, w1_scr, w2_scr, sems, run, buf):
            d.wait()

    @pl.when(jnp.logical_and(is_run_start, run < last_run))
    def _():
        for d in _weight_dmas(meta_ref, wg_hbm, w1_hbm, w2_hbm,
                              wg_scr, w1_scr, w2_scr, sems,
                              run + 1, jnp.remainder(run + 1, 2)):
            d.start()

    z = zs_ref[...].astype(jnp.bfloat16)
    g = jnp.dot(z, wg_scr[buf].astype(jnp.bfloat16),
                preferred_element_type=jnp.float32)
    a = jnp.dot(z, w1_scr[buf].astype(jnp.bfloat16),
                preferred_element_type=jnp.float32)
    h = (g / (1.0 + jnp.exp(-g))) * a
    out_ref[...] = jnp.dot(h.astype(jnp.bfloat16),
                           w2_scr[buf].astype(jnp.bfloat16),
                           preferred_element_type=jnp.float32)




def _combine_up_body(y0_ref, y1_ref, g0_ref, g1_ref, wu_ref, y_ref):
    y_lat = g0_ref[...] * y0_ref[...] + g1_ref[...] * y1_ref[...]
    y_ref[...] = jnp.dot(y_lat.astype(jnp.bfloat16),
                         wu_ref[...].astype(jnp.bfloat16),
                         preferred_element_type=jnp.float32)




@jax.jit
def kernel(x, Wr, Wd, Wu, w1, wg, w2):
    B, S, D = x.shape
    N = B * S
    t = x.reshape(N, D)
    n_tiles = N // TILE

    z, topi0, topi1, gates0, gates1 = pl.pallas_call(
        _router_z_body,
        grid=(N // TILE_A,),
        in_specs=[
            pl.BlockSpec((1, TILE_A, D_MODEL), lambda i: (0, i, 0)),
            pl.BlockSpec((D_MODEL, NUM_EXPERTS), lambda i: (0, 0)),
            pl.BlockSpec((D_MODEL, D_LATENT), lambda i: (0, 0)),
        ],
        out_specs=[
            pl.BlockSpec((TILE_A, D_LATENT), lambda i: (i, 0)),
            pl.BlockSpec((TILE_A // 128, 128), lambda i: (i, 0)),
            pl.BlockSpec((TILE_A // 128, 128), lambda i: (i, 0)),
            pl.BlockSpec((TILE_A, 1), lambda i: (i, 0)),
            pl.BlockSpec((TILE_A, 1), lambda i: (i, 0)),
        ],
        out_shape=[
            jax.ShapeDtypeStruct((N, D_LATENT), jnp.float32),
            jax.ShapeDtypeStruct((N // 128, 128), jnp.int32),
            jax.ShapeDtypeStruct((N // 128, 128), jnp.int32),
            jax.ShapeDtypeStruct((N, 1), jnp.float32),
            jax.ShapeDtypeStruct((N, 1), jnp.float32),
        ],
    )(x, Wr, Wd)

    slot0m, slot1m, tile_eid8 = pl.pallas_call(
        _metadata_body,
        grid=(1,),
        in_specs=[
            pl.BlockSpec((_MR // 2, _MC), lambda i: (0, 0)),
            pl.BlockSpec((_MR // 2, _MC), lambda i: (0, 0)),
        ],
        out_specs=[
            pl.BlockSpec((_MR // 2, _MC), lambda i: (0, 0)),
            pl.BlockSpec((_MR // 2, _MC), lambda i: (0, 0)),
            pl.BlockSpec((8, 128), lambda i: (0, 0)),
        ],
        out_shape=[
            jax.ShapeDtypeStruct((_MR // 2, _MC), jnp.int32),
            jax.ShapeDtypeStruct((_MR // 2, _MC), jnp.int32),
            jax.ShapeDtypeStruct((8, 128), jnp.int32),
        ],
    )(topi0, topi1)

    slot0 = slot0m.reshape(N)
    slot1 = slot1m.reshape(N)

    sc_mesh = plsc.VectorSubcoreMesh(core_axis_name="c", subcore_axis_name="s")

    z_sorted = pl.kernel(
        _sc_dispatch_body,
        out_type=jax.ShapeDtypeStruct((S_PAD, D_LATENT), jnp.float32),
        mesh=sc_mesh,
        scratch_types=[
            pltpu.VMEM((TPW,), jnp.int32),
            pltpu.VMEM((TPW,), jnp.int32),
            pltpu.VMEM((TPW, D_LATENT), jnp.float32),
            pltpu.SemaphoreType.DMA,
        ],
    )(z, slot0, slot1)

    out_sorted = pl.pallas_call(
        _group_mm_body,
        grid_spec=pltpu.PrefetchScalarGridSpec(
            num_scalar_prefetch=1,
            grid=(NT,),
            in_specs=[
                pl.BlockSpec((TILE_G, D_LATENT), lambda i, eids: (i, 0)),
                pl.BlockSpec(memory_space=pl.ANY),
                pl.BlockSpec(memory_space=pl.ANY),
                pl.BlockSpec(memory_space=pl.ANY),
            ],
            out_specs=pl.BlockSpec((TILE_G, D_LATENT), lambda i, eids: (i, 0)),
            scratch_shapes=[
                pltpu.VMEM((2, D_LATENT, D_HIDDEN), jnp.float32),
                pltpu.VMEM((2, D_LATENT, D_HIDDEN), jnp.float32),
                pltpu.VMEM((2, D_HIDDEN, D_LATENT), jnp.float32),
                pltpu.SemaphoreType.DMA((3, 2)),
            ],
        ),
        out_shape=jax.ShapeDtypeStruct((S_PAD, D_LATENT), jnp.float32),
    )(tile_eid8, z_sorted, wg, w1, w2)

    y0, y1 = pl.kernel(
        _sc_combine_body,
        out_type=[
            jax.ShapeDtypeStruct((N, D_LATENT), jnp.float32),
            jax.ShapeDtypeStruct((N, D_LATENT), jnp.float32),
        ],
        mesh=sc_mesh,
        scratch_types=[
            pltpu.VMEM((TPW,), jnp.int32),
            pltpu.VMEM((TPW, D_LATENT), jnp.float32),
            pltpu.SemaphoreType.DMA,
        ],
    )(out_sorted, slot0, slot1)

    y = pl.pallas_call(
        _combine_up_body,
        grid=(N // TILE_E,),
        in_specs=[
            pl.BlockSpec((TILE_E, D_LATENT), lambda i: (i, 0)),
            pl.BlockSpec((TILE_E, D_LATENT), lambda i: (i, 0)),
            pl.BlockSpec((TILE_E, 1), lambda i: (i, 0)),
            pl.BlockSpec((TILE_E, 1), lambda i: (i, 0)),
            pl.BlockSpec((D_LATENT, D_MODEL), lambda i: (0, 0)),
        ],
        out_specs=pl.BlockSpec((TILE_E, D_MODEL), lambda i: (i, 0)),
        out_shape=jax.ShapeDtypeStruct((N, D_MODEL), jnp.float32),
    )(y0, y1, gates0, gates1, Wu)

    return y.reshape(B, S, D)

# --- scband reference (transcript-rebuilt; emitter-appended) ---
"""Pipeline reference for scband-latent-mo-elayer-2877628088578 (READ-ONLY COPY).

The authoritative reference and input builder live on the scoring server;
editing this copy changes nothing except your own understanding.
"""

import jax, jax.numpy as jnp
import numpy as np

D_MODEL = 2048
D_LATENT = 512
D_HIDDEN = 1024
NUM_EXPERTS = 8
TOP_K = 2
BATCH = 1
SEQ = 4096


def setup_inputs(seed: int = 0) -> dict:
    key = jax.random.key(seed)
    ks = jax.random.split(key, 8)
    x = jax.random.normal(ks[0], (BATCH, SEQ, D_MODEL), dtype=jnp.float32)
    # learned parameters sized per init_kwargs
    Wr = jax.random.normal(ks[1], (D_MODEL, NUM_EXPERTS), dtype=jnp.float32) * 0.02
    Wd = jax.random.normal(ks[2], (D_MODEL, D_LATENT), dtype=jnp.float32) * 0.02
    Wu = jax.random.normal(ks[3], (D_LATENT, D_MODEL), dtype=jnp.float32) * 0.02
    w1 = jax.random.normal(ks[4], (NUM_EXPERTS, D_LATENT, D_HIDDEN), dtype=jnp.float32) * 0.02
    wg = jax.random.normal(ks[5], (NUM_EXPERTS, D_LATENT, D_HIDDEN), dtype=jnp.float32) * 0.02
    w2 = jax.random.normal(ks[6], (NUM_EXPERTS, D_HIDDEN, D_LATENT), dtype=jnp.float32) * 0.02
    return {"x": x, "Wr": Wr, "Wd": Wd, "Wu": Wu, "w1": w1, "wg": wg, "w2": w2}


def reference(x, Wr, Wd, Wu, w1, wg, w2):
    B, S, D = x.shape
    t = x.reshape(-1, D)
    # router in fp32, softmax over experts, top-k selection, renormalize gates
    logits = t.astype(jnp.float32) @ Wr.astype(jnp.float32)
    probs = jax.nn.softmax(logits, axis=-1)
    topv, topi = jax.lax.top_k(probs, TOP_K)
    gates = topv / jnp.sum(topv, axis=-1, keepdims=True)  # [N, K]
    # shared down-projection into latent space
    z = t @ Wd  # [N, d_latent]
    y_lat = jnp.zeros_like(z)
    for e in range(NUM_EXPERTS):
        # combine gate weight for tokens routed to expert e (zero otherwise)
        w_e = jnp.sum(gates * (topi == e).astype(gates.dtype), axis=-1)  # [N]
        # SwiGLU expert MLP in latent dim: W2( silu(Wg z) * (W1 z) )
        h = jax.nn.silu(z @ wg[e]) * (z @ w1[e])  # [N, d_hidden]
        out_e = h @ w2[e]  # [N, d_latent]
        y_lat = y_lat + w_e[:, None] * out_e
    # shared up-projection back to model dim
    y = y_lat @ Wu
    return y.reshape(B, S, D)

if __name__ == "__main__":
    import jax
    _d = setup_inputs()
    print(jax.jit(kernel)(*tuple(_d.values())))

</pallas_src>

<mosaic_0001>
#map = affine_map<(d0, d1) -> (0, 0)>
#map1 = affine_map<(d0, d1) -> (0)>
module attributes {stable_mosaic.version = 14 : i64} {
  func.func @_sc_combine_body(%arg0: i32, %arg1: i32, %arg2: memref<9984x512xf32, #tpu.memory_space<hbm>>, %arg3: memref<4096xi32, #tpu.memory_space<hbm>>, %arg4: memref<4096xi32, #tpu.memory_space<hbm>>, %arg5: memref<4096x512xf32, #tpu.memory_space<hbm>>, %arg6: memref<4096x512xf32, #tpu.memory_space<hbm>>, %arg7: memref<128xi32, #tpu.memory_space<vmem>>, %arg8: memref<128x512xf32, #tpu.memory_space<vmem>>, %arg9: memref<!tpu.dma_semaphore, #tpu.memory_space<semaphore_mem>>) attributes {dimension_semantics = [#tpu.dimension_semantics<core_parallel>, #tpu.dimension_semantics<subcore_parallel>], iteration_bounds = array<i64: 2, 16>, scalar_prefetch = 0 : i64, scratch_operands = 3 : i64, tpu.core_type = #tpu.core_type<sc_vector_subcore>, window_params = [{transform_indices = #map}, {transform_indices = #map1}, {transform_indices = #map1}, {transform_indices = #map}, {transform_indices = #map}]} {
    %mul3A = arith.constant 2 : i32
    %mul3A_0 = arith.muli %arg1, %mul3A : i32
    %add3A = arith.addi %mul3A_0, %arg0 : i32
    %mul3A_1 = arith.constant 128 : i32
    %mul3A_2 = arith.muli %add3A, %mul3A_1 : i32
    "tpu.region"() ({
      %run_scoped3A = tpu.sem_alloc : memref<!tpu.dma_semaphore, #tpu.memory_space<semaphore_mem>>
      %dma_start3A_13 = tpu.memref_slice %arg3[%mul3A_2] : memref<4096xi32, #tpu.memory_space<hbm>> -> memref<128xi32, #tpu.memory_space<hbm>>
      %dma_start3A_14 = tpu.memref_slice %arg3[%mul3A_2] : memref<4096xi32, #tpu.memory_space<hbm>> -> memref<128xi32, #tpu.memory_space<hbm>>
      tpu.enqueue_dma source(%dma_start3A_14 : memref<128xi32, #tpu.memory_space<hbm>>) target(%arg7 : memref<128xi32, #tpu.memory_space<vmem>>) target_semaphore(%run_scoped3A : memref<!tpu.dma_semaphore, #tpu.memory_space<semaphore_mem>>)
      %dma_wait3A_15 = tpu.memref_slice %arg3[%mul3A_2] : memref<4096xi32, #tpu.memory_space<hbm>> -> memref<128xi32, #tpu.memory_space<hbm>>
      %dma_wait3A_16 = tpu.memref_slice %arg3[%mul3A_2] : memref<4096xi32, #tpu.memory_space<hbm>> -> memref<128xi32, #tpu.memory_space<hbm>>
      tpu.wait_dma2 semaphore(%run_scoped3A : memref<!tpu.dma_semaphore, #tpu.memory_space<semaphore_mem>>) src(%dma_wait3A_16 : memref<128xi32, #tpu.memory_space<hbm>>) dst(%arg7 : memref<128xi32, #tpu.memory_space<vmem>>)
      tpu.yield
    }) : () -> ()
    %dma_start3A = arith.constant 0 : i32
    %dma_start3A_3 = arith.constant 0 : i32
    %dma_start3A_4 = tpu.memref_slice %arg2[%dma_start3A, %dma_start3A_3] : memref<9984x512xf32, #tpu.memory_space<hbm>> -> memref<9984x512xf32, #tpu.memory_space<hbm>>
    tpu.enqueue_indirect_dma source(%dma_start3A_4 : memref<9984x512xf32, #tpu.memory_space<hbm>>) target(%arg8 : memref<128x512xf32, #tpu.memory_space<vmem>>) offsets(%arg7 : memref<128xi32, #tpu.memory_space<vmem>>) semaphore(%arg9 : memref<!tpu.dma_semaphore, #tpu.memory_space<semaphore_mem>>)
    %dma_wait3A = arith.constant 0 : i32
    %dma_wait3A_5 = arith.constant 0 : i32
    %dma_wait3A_6 = tpu.memref_slice %arg2[%dma_wait3A, %dma_wait3A_5] : memref<9984x512xf32, #tpu.memory_space<hbm>> -> memref<9984x512xf32, #tpu.memory_space<hbm>>
    tpu.wait_indirect_dma semaphore(%arg9 : memref<!tpu.dma_semaphore, #tpu.memory_space<semaphore_mem>>) src(%dma_wait3A_6 : memref<9984x512xf32, #tpu.memory_space<hbm>>) dst(%arg8 : memref<128x512xf32, #tpu.memory_space<vmem>>)
    "tpu.region"() ({
      %run_scoped3A = tpu.sem_alloc : memref<!tpu.dma_semaphore, #tpu.memory_space<semaphore_mem>>
      %dma_start3A_13 = arith.constant 0 : i32
      %dma_start3A_14 = tpu.memref_slice %arg5[%mul3A_2, %dma_start3A_13] : memref<4096x512xf32, #tpu.memory_space<hbm>> -> memref<128x512xf32, #tpu.memory_space<hbm>>
      %dma_start3A_15 = arith.constant 0 : i32
      %dma_start3A_16 = tpu.memref_slice %arg5[%mul3A_2, %dma_start3A_15] : memref<4096x512xf32, #tpu.memory_space<hbm>> -> memref<128x512xf32, #tpu.memory_space<hbm>>
      tpu.enqueue_dma source(%arg8 : memref<128x512xf32, #tpu.memory_space<vmem>>) target(%dma_start3A_16 : memref<128x512xf32, #tpu.memory_space<hbm>>) target_semaphore(%run_scoped3A : memref<!tpu.dma_semaphore, #tpu.memory_space<semaphore_mem>>)
      %dma_wait3A_17 = arith.constant 0 : i32
      %dma_wait3A_18 = tpu.memref_slice %arg5[%mul3A_2, %dma_wait3A_17] : memref<4096x512xf32, #tpu.memory_space<hbm>> -> memref<128x512xf32, #tpu.memory_space<hbm>>
      %dma_wait3A_19 = arith.constant 0 : i32
      %dma_wait3A_20 = tpu.memref_slice %arg5[%mul3A_2, %dma_wait3A_19] : memref<4096x512xf32, #tpu.memory_space<hbm>> -> memref<128x512xf32, #tpu.memory_space<hbm>>
      tpu.wait_dma2 semaphore(%run_scoped3A : memref<!tpu.dma_semaphore, #tpu.memory_space<semaphore_mem>>) src(%arg8 : memref<128x512xf32, #tpu.memory_space<vmem>>) dst(%dma_wait3A_20 : memref<128x512xf32, #tpu.memory_space<hbm>>)
      tpu.yield
    }) : () -> ()
    "tpu.region"() ({
      %run_scoped3A = tpu.sem_alloc : memref<!tpu.dma_semaphore, #tpu.memory_space<semaphore_mem>>
      %dma_start3A_13 = tpu.memref_slice %arg4[%mul3A_2] : memref<4096xi32, #tpu.memory_space<hbm>> -> memref<128xi32, #tpu.memory_space<hbm>>
      %dma_start3A_14 = tpu.memref_slice %arg4[%mul3A_2] : memref<4096xi32, #tpu.memory_space<hbm>> -> memref<128xi32, #tpu.memory_space<hbm>>
      tpu.enqueue_dma source(%dma_start3A_14 : memref<128xi32, #tpu.memory_space<hbm>>) target(%arg7 : memref<128xi32, #tpu.memory_space<vmem>>) target_semaphore(%run_scoped3A : memref<!tpu.dma_semaphore, #tpu.memory_space<semaphore_mem>>)
      %dma_wait3A_15 = tpu.memref_slice %arg4[%mul3A_2] : memref<4096xi32, #tpu.memory_space<hbm>> -> memref<128xi32, #tpu.memory_space<hbm>>
      %dma_wait3A_16 = tpu.memref_slice %arg4[%mul3A_2] : memref<4096xi32, #tpu.memory_space<hbm>> -> memref<128xi32, #tpu.memory_space<hbm>>
      tpu.wait_dma2 semaphore(%run_scoped3A : memref<!tpu.dma_semaphore, #tpu.memory_space<semaphore_mem>>) src(%dma_wait3A_16 : memref<128xi32, #tpu.memory_space<hbm>>) dst(%arg7 : memref<128xi32, #tpu.memory_space<vmem>>)
      tpu.yield
    }) : () -> ()
    %dma_start3A_7 = arith.constant 0 : i32
    %dma_start3A_8 = arith.constant 0 : i32
    %dma_start3A_9 = tpu.memref_slice %arg2[%dma_start3A_7, %dma_start3A_8] : memref<9984x512xf32, #tpu.memory_space<hbm>> -> memref<9984x512xf32, #tpu.memory_space<hbm>>
    tpu.enqueue_indirect_dma source(%dma_start3A_9 : memref<9984x512xf32, #tpu.memory_space<hbm>>) target(%arg8 : memref<128x512xf32, #tpu.memory_space<vmem>>) offsets(%arg7 : memref<128xi32, #tpu.memory_space<vmem>>) semaphore(%arg9 : memref<!tpu.dma_semaphore, #tpu.memory_space<semaphore_mem>>)
    %dma_wait3A_10 = arith.constant 0 : i32
    %dma_wait3A_11 = arith.constant 0 : i32
    %dma_wait3A_12 = tpu.memref_slice %arg2[%dma_wait3A_10, %dma_wait3A_11] : memref<9984x512xf32, #tpu.memory_space<hbm>> -> memref<9984x512xf32, #tpu.memory_space<hbm>>
    tpu.wait_indirect_dma semaphore(%arg9 : memref<!tpu.dma_semaphore, #tpu.memory_space<semaphore_mem>>) src(%dma_wait3A_12 : memref<9984x512xf32, #tpu.memory_space<hbm>>) dst(%arg8 : memref<128x512xf32, #tpu.memory_space<vmem>>)
    "tpu.region"() ({
      %run_scoped3A = tpu.sem_alloc : memref<!tpu.dma_semaphore, #tpu.memory_space<semaphore_mem>>
      %dma_start3A_13 = arith.constant 0 : i32
      %dma_start3A_14 = tpu.memref_slice %arg6[%mul3A_2, %dma_start3A_13] : memref<4096x512xf32, #tpu.memory_space<hbm>> -> memref<128x512xf32, #tpu.memory_space<hbm>>
      %dma_start3A_15 = arith.constant 0 : i32
      %dma_start3A_16 = tpu.memref_slice %arg6[%mul3A_2, %dma_start3A_15] : memref<4096x512xf32, #tpu.memory_space<hbm>> -> memref<128x512xf32, #tpu.memory_space<hbm>>
      tpu.enqueue_dma source(%arg8 : memref<128x512xf32, #tpu.memory_space<vmem>>) target(%dma_start3A_16 : memref<128x512xf32, #tpu.memory_space<hbm>>) target_semaphore(%run_scoped3A : memref<!tpu.dma_semaphore, #tpu.memory_space<semaphore_mem>>)
      %dma_wait3A_17 = arith.constant 0 : i32
      %dma_wait3A_18 = tpu.memref_slice %arg6[%mul3A_2, %dma_wait3A_17] : memref<4096x512xf32, #tpu.memory_space<hbm>> -> memref<128x512xf32, #tpu.memory_space<hbm>>
      %dma_wait3A_19 = arith.constant 0 : i32
      %dma_wait3A_20 = tpu.memref_slice %arg6[%mul3A_2, %dma_wait3A_19] : memref<4096x512xf32, #tpu.memory_space<hbm>> -> memref<128x512xf32, #tpu.memory_space<hbm>>
      tpu.wait_dma2 semaphore(%run_scoped3A : memref<!tpu.dma_semaphore, #tpu.memory_space<semaphore_mem>>) src(%arg8 : memref<128x512xf32, #tpu.memory_space<vmem>>) dst(%dma_wait3A_20 : memref<128x512xf32, #tpu.memory_space<hbm>>)
      tpu.yield
    }) : () -> ()
    return
  }
}

#map = affine_map<(d0, d1) -> (0, 0)>
#map1 = affine_map<(d0, d1) -> (0)>
module attributes {stable_mosaic.version = 14 : i64} {
  func.func @_sc_dispatch_body(%arg0: i32, %arg1: i32, %arg2: memref<4096x512xf32, #tpu.memory_space<hbm>>, %arg3: memref<4096xi32, #tpu.memory_space<hbm>>, %arg4: memref<4096xi32, #tpu.memory_space<hbm>>, %arg5: memref<9984x512xf32, #tpu.memory_space<hbm>>, %arg6: memref<128xi32, #tpu.memory_space<vmem>>, %arg7: memref<128xi32, #tpu.memory_space<vmem>>, %arg8: memref<128x512xf32, #tpu.memory_space<vmem>>, %arg9: memref<!tpu.dma_semaphore, #tpu.memory_space<semaphore_mem>>) attributes {dimension_semantics = [#tpu.dimension_semantics<core_parallel>, #tpu.dimension_semantics<subcore_parallel>], iteration_bounds = array<i64: 2, 16>, scalar_prefetch = 0 : i64, scratch_operands = 4 : i64, tpu.core_type = #tpu.core_type<sc_vector_subcore>, window_params = [{transform_indices = #map}, {transform_indices = #map1}, {transform_indices = #map1}, {transform_indices = #map}]} {
    %mul3A = arith.constant 2 : i32
    %mul3A_0 = arith.muli %arg1, %mul3A : i32
    %add3A = arith.addi %mul3A_0, %arg0 : i32
    %mul3A_1 = arith.constant 128 : i32
    %mul3A_2 = arith.muli %add3A, %mul3A_1 : i32
    "tpu.region"() ({
      %run_scoped3A = tpu.sem_alloc : memref<!tpu.dma_semaphore, #tpu.memory_space<semaphore_mem>>
      %dma_start3A_13 = tpu.memref_slice %arg3[%mul3A_2] : memref<4096xi32, #tpu.memory_space<hbm>> -> memref<128xi32, #tpu.memory_space<hbm>>
      %dma_start3A_14 = tpu.memref_slice %arg3[%mul3A_2] : memref<4096xi32, #tpu.memory_space<hbm>> -> memref<128xi32, #tpu.memory_space<hbm>>
      tpu.enqueue_dma source(%dma_start3A_14 : memref<128xi32, #tpu.memory_space<hbm>>) target(%arg6 : memref<128xi32, #tpu.memory_space<vmem>>) target_semaphore(%run_scoped3A : memref<!tpu.dma_semaphore, #tpu.memory_space<semaphore_mem>>)
      %dma_wait3A_15 = tpu.memref_slice %arg3[%mul3A_2] : memref<4096xi32, #tpu.memory_space<hbm>> -> memref<128xi32, #tpu.memory_space<hbm>>
      %dma_wait3A_16 = tpu.memref_slice %arg3[%mul3A_2] : memref<4096xi32, #tpu.memory_space<hbm>> -> memref<128xi32, #tpu.memory_space<hbm>>
      tpu.wait_dma2 semaphore(%run_scoped3A : memref<!tpu.dma_semaphore, #tpu.memory_space<semaphore_mem>>) src(%dma_wait3A_16 : memref<128xi32, #tpu.memory_space<hbm>>) dst(%arg6 : memref<128xi32, #tpu.memory_space<vmem>>)
      tpu.yield
    }) : () -> ()
    "tpu.region"() ({
      %run_scoped3A = tpu.sem_alloc : memref<!tpu.dma_semaphore, #tpu.memory_space<semaphore_mem>>
      %dma_start3A_13 = tpu.memref_slice %arg4[%mul3A_2] : memref<4096xi32, #tpu.memory_space<hbm>> -> memref<128xi32, #tpu.memory_space<hbm>>
      %dma_start3A_14 = tpu.memref_slice %arg4[%mul3A_2] : memref<4096xi32, #tpu.memory_space<hbm>> -> memref<128xi32, #tpu.memory_space<hbm>>
      tpu.enqueue_dma source(%dma_start3A_14 : memref<128xi32, #tpu.memory_space<hbm>>) target(%arg7 : memref<128xi32, #tpu.memory_space<vmem>>) target_semaphore(%run_scoped3A : memref<!tpu.dma_semaphore, #tpu.memory_space<semaphore_mem>>)
      %dma_wait3A_15 = tpu.memref_slice %arg4[%mul3A_2] : memref<4096xi32, #tpu.memory_space<hbm>> -> memref<128xi32, #tpu.memory_space<hbm>>
      %dma_wait3A_16 = tpu.memref_slice %arg4[%mul3A_2] : memref<4096xi32, #tpu.memory_space<hbm>> -> memref<128xi32, #tpu.memory_space<hbm>>
      tpu.wait_dma2 semaphore(%run_scoped3A : memref<!tpu.dma_semaphore, #tpu.memory_space<semaphore_mem>>) src(%dma_wait3A_16 : memref<128xi32, #tpu.memory_space<hbm>>) dst(%arg7 : memref<128xi32, #tpu.memory_space<vmem>>)
      tpu.yield
    }) : () -> ()
    "tpu.region"() ({
      %run_scoped3A = tpu.sem_alloc : memref<!tpu.dma_semaphore, #tpu.memory_space<semaphore_mem>>
      %dma_start3A_13 = arith.constant 0 : i32
      %dma_start3A_14 = tpu.memref_slice %arg2[%mul3A_2, %dma_start3A_13] : memref<4096x512xf32, #tpu.memory_space<hbm>> -> memref<128x512xf32, #tpu.memory_space<hbm>>
      %dma_start3A_15 = arith.constant 0 : i32
      %dma_start3A_16 = tpu.memref_slice %arg2[%mul3A_2, %dma_start3A_15] : memref<4096x512xf32, #tpu.memory_space<hbm>> -> memref<128x512xf32, #tpu.memory_space<hbm>>
      tpu.enqueue_dma source(%dma_start3A_16 : memref<128x512xf32, #tpu.memory_space<hbm>>) target(%arg8 : memref<128x512xf32, #tpu.memory_space<vmem>>) target_semaphore(%run_scoped3A : memref<!tpu.dma_semaphore, #tpu.memory_space<semaphore_mem>>)
      %dma_wait3A_17 = arith.constant 0 : i32
      %dma_wait3A_18 = tpu.memref_slice %arg2[%mul3A_2, %dma_wait3A_17] : memref<4096x512xf32, #tpu.memory_space<hbm>> -> memref<128x512xf32, #tpu.memory_space<hbm>>
      %dma_wait3A_19 = arith.constant 0 : i32
      %dma_wait3A_20 = tpu.memref_slice %arg2[%mul3A_2, %dma_wait3A_19] : memref<4096x512xf32, #tpu.memory_space<hbm>> -> memref<128x512xf32, #tpu.memory_space<hbm>>
      tpu.wait_dma2 semaphore(%run_scoped3A : memref<!tpu.dma_semaphore, #tpu.memory_space<semaphore_mem>>) src(%dma_wait3A_20 : memref<128x512xf32, #tpu.memory_space<hbm>>) dst(%arg8 : memref<128x512xf32, #tpu.memory_space<vmem>>)
      tpu.yield
    }) : () -> ()
    %dma_start3A = arith.constant 0 : i32
    %dma_start3A_3 = arith.constant 0 : i32
    %dma_start3A_4 = tpu.memref_slice %arg5[%dma_start3A, %dma_start3A_3] : memref<9984x512xf32, #tpu.memory_space<hbm>> -> memref<9984x512xf32, #tpu.memory_space<hbm>>
    tpu.enqueue_indirect_dma source(%arg8 : memref<128x512xf32, #tpu.memory_space<vmem>>) target(%dma_start3A_4 : memref<9984x512xf32, #tpu.memory_space<hbm>>) offsets(%arg6 : memref<128xi32, #tpu.memory_space<vmem>>) semaphore(%arg9 : memref<!tpu.dma_semaphore, #tpu.memory_space<semaphore_mem>>)
    %dma_wait3A = arith.constant 0 : i32
    %dma_wait3A_5 = arith.constant 0 : i32
    %dma_wait3A_6 = tpu.memref_slice %arg5[%dma_wait3A, %dma_wait3A_5] : memref<9984x512xf32, #tpu.memory_space<hbm>> -> memref<9984x512xf32, #tpu.memory_space<hbm>>
    tpu.wait_indirect_dma semaphore(%arg9 : memref<!tpu.dma_semaphore, #tpu.memory_space<semaphore_mem>>) src(%arg8 : memref<128x512xf32, #tpu.memory_space<vmem>>) dst(%dma_wait3A_6 : memref<9984x512xf32, #tpu.memory_space<hbm>>)
    %dma_start3A_7 = arith.constant 0 : i32
    %dma_start3A_8 = arith.constant 0 : i32
    %dma_start3A_9 = tpu.memref_slice %arg5[%dma_start3A_7, %dma_start3A_8] : memref<9984x512xf32, #tpu.memory_space<hbm>> -> memref<9984x512xf32, #tpu.memory_space<hbm>>
    tpu.enqueue_indirect_dma source(%arg8 : memref<128x512xf32, #tpu.memory_space<vmem>>) target(%dma_start3A_9 : memref<9984x512xf32, #tpu.memory_space<hbm>>) offsets(%arg7 : memref<128xi32, #tpu.memory_space<vmem>>) semaphore(%arg9 : memref<!tpu.dma_semaphore, #tpu.memory_space<semaphore_mem>>)
    %dma_wait3A_10 = arith.constant 0 : i32
    %dma_wait3A_11 = arith.constant 0 : i32
    %dma_wait3A_12 = tpu.memref_slice %arg5[%dma_wait3A_10, %dma_wait3A_11] : memref<9984x512xf32, #tpu.memory_space<hbm>> -> memref<9984x512xf32, #tpu.memory_space<hbm>>
    tpu.wait_indirect_dma semaphore(%arg9 : memref<!tpu.dma_semaphore, #tpu.memory_space<semaphore_mem>>) src(%arg8 : memref<128x512xf32, #tpu.memory_space<vmem>>) dst(%dma_wait3A_12 : memref<9984x512xf32, #tpu.memory_space<hbm>>)
    return
  }
}

module attributes {stable_mosaic.version = 14 : i64} {
  func.func @_group_mm_body(%arg0: i32, %arg1: memref<8x128xi32, #tpu.memory_space<smem>>, %arg2: memref<256x512xf32, #tpu.memory_space<vmem>>, %arg3: memref<8x512x1024xf32, #tpu.memory_space<any>>, %arg4: memref<8x512x1024xf32, #tpu.memory_space<any>>, %arg5: memref<8x1024x512xf32, #tpu.memory_space<any>>, %arg6: memref<256x512xf32, #tpu.memory_space<vmem>>, %arg7: memref<2x512x1024xf32, #tpu.memory_space<vmem>>, %arg8: memref<2x512x1024xf32, #tpu.memory_space<vmem>>, %arg9: memref<2x1024x512xf32, #tpu.memory_space<vmem>>, %arg10: memref<3x2x!tpu.dma_semaphore, #tpu.memory_space<semaphore_mem>>) attributes {dimension_semantics = [#tpu.dimension_semantics<arbitrary>], iteration_bounds = array<i64: 39>, scalar_prefetch = 1 : i64, scratch_operands = 4 : i64, tpu.core_type = #tpu.core_type<tc>, window_params = [{transform_indices = @transform_0, window_bounds = array<i64: 256, 512>}, {}, {}, {}, {transform_indices = @transform_4, window_bounds = array<i64: 256, 512>}]} {
    %get3A = arith.constant 1 : index
    %get3A_0 = arith.index_cast %arg0 : i32 to index
    %get3A_1 = memref.load %arg1[%get3A, %get3A_0] : memref<8x128xi32, #tpu.memory_space<smem>>
    %sub3A = arith.constant 1 : i32
    %sub3A_2 = arith.subi %arg0, %sub3A : i32
    %max3A = arith.constant 0 : i32
    %max3A_3 = arith.maxsi %sub3A_2, %max3A : i32
    %get3A_4 = arith.constant 1 : index
    %get3A_5 = arith.index_cast %max3A_3 : i32 to index
    %get3A_6 = memref.load %arg1[%get3A_4, %get3A_5] : memref<8x128xi32, #tpu.memory_space<smem>>
    %get3A_7 = arith.constant 1 : index
    %get3A_8 = arith.constant 38 : index
    %get3A_9 = memref.load %arg1[%get3A_7, %get3A_8] : memref<8x128xi32, #tpu.memory_space<smem>>
    %eq3A = arith.constant 0 : i32
    %eq3A_10 = arith.cmpi eq, %arg0, %eq3A : i32
    %ne3A = arith.cmpi ne, %get3A_1, %get3A_6 : i32
    %or3A = arith.ori %eq3A_10, %ne3A : i1
    %jit3A = arith.constant 2 : i32
    %eq3A_11 = arith.constant 0 : i32
    %eq3A_12 = arith.cmpi eq, %jit3A, %eq3A_11 : i32
    %jit3A_13 = arith.constant 1 : i32
    %select_n3A = arith.select %eq3A_12, %jit3A_13, %jit3A : i32
    %rem3A = arith.remsi %get3A_1, %select_n3A : i32
    %ne3A_14 = arith.constant 0 : i32
    %ne3A_15 = arith.cmpi ne, %rem3A, %ne3A_14 : i32
    %lt3A = arith.constant 0 : i32
    %lt3A_16 = arith.cmpi slt, %rem3A, %lt3A : i32
    %lt3A_17 = arith.constant 0 : i32
    %lt3A_18 = arith.cmpi slt, %select_n3A, %lt3A_17 : i32
    %ne3A_19 = arith.xori %lt3A_16, %lt3A_18 : i1
    %and3A = arith.andi %ne3A_19, %ne3A_15 : i1
    %add3A = arith.addi %rem3A, %select_n3A : i32
    %select_n3A_20 = arith.select %and3A, %add3A, %rem3A : i32
    %eq3A_21 = arith.constant 0 : i32
    %eq3A_22 = arith.cmpi eq, %arg0, %eq3A_21 : i32
    %convert_element_type3A = arith.extui %eq3A_22 : i1 to i32
    %cond3A = arith.constant 0 : i32
    %cond3A_23 = arith.cmpi ne, %convert_element_type3A, %cond3A : i32
    scf.if %cond3A_23 {
      %min3A = arith.constant 7 : i32
      %min3A_67 = arith.minsi %get3A_1, %min3A : i32
      %get3A_68 = arith.constant 2 : index
      %get3A_69 = arith.index_cast %min3A_67 : i32 to index
      %get3A_70 = memref.load %arg1[%get3A_68, %get3A_69] : memref<8x128xi32, #tpu.memory_space<smem>>
      %dma_start3A = arith.constant 0 : i32
      %dma_start3A_71 = tpu.memref_slice %arg10[%dma_start3A, %select_n3A_20] : memref<3x2x!tpu.dma_semaphore, #tpu.memory_space<semaphore_mem>> -> memref<1x1x!tpu.dma_semaphore, #tpu.memory_space<semaphore_mem>>
      %dma_start3A_72 = tpu.memref_squeeze %dma_start3A_71 : memref<1x1x!tpu.dma_semaphore, #tpu.memory_space<semaphore_mem>> -> memref<!tpu.dma_semaphore, #tpu.memory_space<semaphore_mem>>
      %dma_start3A_73 = arith.constant 0 : i32
      %dma_start3A_74 = arith.constant 0 : i32
      %dma_start3A_75 = tpu.memref_slice %arg7[%select_n3A_20, %dma_start3A_73, %dma_start3A_74] : memref<2x512x1024xf32, #tpu.memory_space<vmem>> -> memref<1x512x1024xf32, #tpu.memory_space<vmem>>
      %dma_start3A_76 = tpu.memref_squeeze %dma_start3A_75 : memref<1x512x1024xf32, #tpu.memory_space<vmem>> -> memref<512x1024xf32, #tpu.memory_space<vmem>>
      %dma_start3A_77 = arith.constant 0 : i32
      %dma_start3A_78 = arith.constant 0 : i32
      %dma_start3A_79 = tpu.memref_slice %arg3[%get3A_70, %dma_start3A_77, %dma_start3A_78] : memref<8x512x1024xf32, #tpu.memory_space<any>> -> memref<1x512x1024xf32, #tpu.memory_space<any>>
      %dma_start3A_80 = tpu.memref_squeeze %dma_start3A_79 : memref<1x512x1024xf32, #tpu.memory_space<any>> -> memref<512x1024xf32, #tpu.memory_space<any>>
      tpu.enqueue_dma source(%dma_start3A_80 : memref<512x1024xf32, #tpu.memory_space<any>>) target(%dma_start3A_76 : memref<512x1024xf32, #tpu.memory_space<vmem>>) target_semaphore(%dma_start3A_72 : memref<!tpu.dma_semaphore, #tpu.memory_space<semaphore_mem>>)
      %dma_start3A_81 = arith.constant 1 : i32
      %dma_start3A_82 = tpu.memref_slice %arg10[%dma_start3A_81, %select_n3A_20] : memref<3x2x!tpu.dma_semaphore, #tpu.memory_space<semaphore_mem>> -> memref<1x1x!tpu.dma_semaphore, #tpu.memory_space<semaphore_mem>>
      %dma_start3A_83 = tpu.memref_squeeze %dma_start3A_82 : memref<1x1x!tpu.dma_semaphore, #tpu.memory_space<semaphore_mem>> -> memref<!tpu.dma_semaphore, #tpu.memory_space<semaphore_mem>>
      %dma_start3A_84 = arith.constant 0 : i32
      %dma_start3A_85 = arith.constant 0 : i32
      %dma_start3A_86 = tpu.memref_slice %arg8[%select_n3A_20, %dma_start3A_84, %dma_start3A_85] : memref<2x512x1024xf32, #tpu.memory_space<vmem>> -> memref<1x512x1024xf32, #tpu.memory_space<vmem>>
      %dma_start3A_87 = tpu.memref_squeeze %dma_start3A_86 : memref<1x512x1024xf32, #tpu.memory_space<vmem>> -> memref<512x1024xf32, #tpu.memory_space<vmem>>
      %dma_start3A_88 = arith.constant 0 : i32
      %dma_start3A_89 = arith.constant 0 : i32
      %dma_start3A_90 = tpu.memref_slice %arg4[%get3A_70, %dma_start3A_88, %dma_start3A_89] : memref<8x512x1024xf32, #tpu.memory_space<any>> -> memref<1x512x1024xf32, #tpu.memory_space<any>>
      %dma_start3A_91 = tpu.memref_squeeze %dma_start3A_90 : memref<1x512x1024xf32, #tpu.memory_space<any>> -> memref<512x1024xf32, #tpu.memory_space<any>>
      tpu.enqueue_dma source(%dma_start3A_91 : memref<512x1024xf32, #tpu.memory_space<any>>) target(%dma_start3A_87 : memref<512x1024xf32, #tpu.memory_space<vmem>>) target_semaphore(%dma_start3A_83 : memref<!tpu.dma_semaphore, #tpu.memory_space<semaphore_mem>>)
      %dma_start3A_92 = arith.constant 2 : i32
      %dma_start3A_93 = tpu.memref_slice %arg10[%dma_start3A_92, %select_n3A_20] : memref<3x2x!tpu.dma_semaphore, #tpu.memory_space<semaphore_mem>> -> memref<1x1x!tpu.dma_semaphore, #tpu.memory_space<semaphore_mem>>
      %dma_start3A_94 = tpu.memref_squeeze %dma_start3A_93 : memref<1x1x!tpu.dma_semaphore, #tpu.memory_space<semaphore_mem>> -> memref<!tpu.dma_semaphore, #tpu.memory_space<semaphore_mem>>
      %dma_start3A_95 = arith.constant 0 : i32
      %dma_start3A_96 = arith.constant 0 : i32
      %dma_start3A_97 = tpu.memref_slice %arg9[%select_n3A_20, %dma_start3A_95, %dma_start3A_96] : memref<2x1024x512xf32, #tpu.memory_space<vmem>> -> memref<1x1024x512xf32, #tpu.memory_space<vmem>>
      %dma_start3A_98 = tpu.memref_squeeze %dma_start3A_97 : memref<1x1024x512xf32, #tpu.memory_space<vmem>> -> memref<1024x512xf32, #tpu.memory_space<vmem>>
      %dma_start3A_99 = arith.constant 0 : i32
      %dma_start3A_100 = arith.constant 0 : i32
      %dma_start3A_101 = tpu.memref_slice %arg5[%get3A_70, %dma_start3A_99, %dma_start3A_100] : memref<8x1024x512xf32, #tpu.memory_space<any>> -> memref<1x1024x512xf32, #tpu.memory_space<any>>
      %dma_start3A_102 = tpu.memref_squeeze %dma_start3A_101 : memref<1x1024x512xf32, #tpu.memory_space<any>> -> memref<1024x512xf32, #tpu.memory_space<any>>
      tpu.enqueue_dma source(%dma_start3A_102 : memref<1024x512xf32, #tpu.memory_space<any>>) target(%dma_start3A_98 : memref<1024x512xf32, #tpu.memory_space<vmem>>) target_semaphore(%dma_start3A_94 : memref<!tpu.dma_semaphore, #tpu.memory_space<semaphore_mem>>)
    } else {
    }
    %convert_element_type3A_24 = arith.extui %or3A : i1 to i32
    %cond3A_25 = arith.constant 0 : i32
    %cond3A_26 = arith.cmpi ne, %convert_element_type3A_24, %cond3A_25 : i32
    scf.if %cond3A_26 {
      %min3A = arith.constant 7 : i32
      %min3A_67 = arith.minsi %get3A_1, %min3A : i32
      %get3A_68 = arith.constant 2 : index
      %get3A_69 = arith.index_cast %min3A_67 : i32 to index
      %get3A_70 = memref.load %arg1[%get3A_68, %get3A_69] : memref<8x128xi32, #tpu.memory_space<smem>>
      %dma_wait3A = arith.constant 0 : i32
      %dma_wait3A_71 = tpu.memref_slice %arg10[%dma_wait3A, %select_n3A_20] : memref<3x2x!tpu.dma_semaphore, #tpu.memory_space<semaphore_mem>> -> memref<1x1x!tpu.dma_semaphore, #tpu.memory_space<semaphore_mem>>
      %dma_wait3A_72 = tpu.memref_squeeze %dma_wait3A_71 : memref<1x1x!tpu.dma_semaphore, #tpu.memory_space<semaphore_mem>> -> memref<!tpu.dma_semaphore, #tpu.memory_space<semaphore_mem>>
      %dma_wait3A_73 = arith.constant 0 : i32
      %dma_wait3A_74 = arith.constant 0 : i32
      %dma_wait3A_75 = tpu.memref_slice %arg7[%select_n3A_20, %dma_wait3A_73, %dma_wait3A_74] : memref<2x512x1024xf32, #tpu.memory_space<vmem>> -> memref<1x512x1024xf32, #tpu.memory_space<vmem>>
      %dma_wait3A_76 = tpu.memref_squeeze %dma_wait3A_75 : memref<1x512x1024xf32, #tpu.memory_space<vmem>> -> memref<512x1024xf32, #tpu.memory_space<vmem>>
      %dma_wait3A_77 = arith.constant 0 : i32
      %dma_wait3A_78 = arith.constant 0 : i32
      %dma_wait3A_79 = tpu.memref_slice %arg3[%get3A_70, %dma_wait3A_77, %dma_wait3A_78] : memref<8x512x1024xf32, #tpu.memory_space<any>> -> memref<1x512x1024xf32, #tpu.memory_space<any>>
      %dma_wait3A_80 = tpu.memref_squeeze %dma_wait3A_79 : memref<1x512x1024xf32, #tpu.memory_space<any>> -> memref<512x1024xf32, #tpu.memory_space<any>>
      tpu.wait_dma2 semaphore(%dma_wait3A_72 : memref<!tpu.dma_semaphore, #tpu.memory_space<semaphore_mem>>) src(%dma_wait3A_80 : memref<512x1024xf32, #tpu.memory_space<any>>) dst(%dma_wait3A_76 : memref<512x1024xf32, #tpu.memory_space<vmem>>)
      %dma_wait3A_81 = arith.constant 1 : i32
      %dma_wait3A_82 = tpu.memref_slice %arg10[%dma_wait3A_81, %select_n3A_20] : memref<3x2x!tpu.dma_semaphore, #tpu.memory_space<semaphore_mem>> -> memref<1x1x!tpu.dma_semaphore, #tpu.memory_space<semaphore_mem>>
      %dma_wait3A_83 = tpu.memref_squeeze %dma_wait3A_82 : memref<1x1x!tpu.dma_semaphore, #tpu.memory_space<semaphore_mem>> -> memref<!tpu.dma_semaphore, #tpu.memory_space<semaphore_mem>>
      %dma_wait3A_84 = arith.constant 0 : i32
      %dma_wait3A_85 = arith.constant 0 : i32
      %dma_wait3A_86 = tpu.memref_slice %arg8[%select_n3A_20, %dma_wait3A_84, %dma_wait3A_85] : memref<2x512x1024xf32, #tpu.memory_space<vmem>> -> memref<1x512x1024xf32, #tpu.memory_space<vmem>>
      %dma_wait3A_87 = tpu.memref_squeeze %dma_wait3A_86 : memref<1x512x1024xf32, #tpu.memory_space<vmem>> -> memref<512x1024xf32, #tpu.memory_space<vmem>>
      %dma_wait3A_88 = arith.constant 0 : i32
      %dma_wait3A_89 = arith.constant 0 : i32
      %dma_wait3A_90 = tpu.memref_slice %arg4[%get3A_70, %dma_wait3A_88, %dma_wait3A_89] : memref<8x512x1024xf32, #tpu.memory_space<any>> -> memref<1x512x1024xf32, #tpu.memory_space<any>>
      %dma_wait3A_91 = tpu.memref_squeeze %dma_wait3A_90 : memref<1x512x1024xf32, #tpu.memory_space<any>> -> memref<512x1024xf32, #tpu.memory_space<any>>
      tpu.wait_dma2 semaphore(%dma_wait3A_83 : memref<!tpu.dma_semaphore, #tpu.memory_space<semaphore_mem>>) src(%dma_wait3A_91 : memref<512x1024xf32, #tpu.memory_space<any>>) dst(%dma_wait3A_87 : memref<512x1024xf32, #tpu.memory_space<vmem>>)
      %dma_wait3A_92 = arith.constant 2 : i32
      %dma_wait3A_93 = tpu.memref_slice %arg10[%dma_wait3A_92, %select_n3A_20] : memref<3x2x!tpu.dma_semaphore, #tpu.memory_space<semaphore_mem>> -> memref<1x1x!tpu.dma_semaphore, #tpu.memory_space<semaphore_mem>>
      %dma_wait3A_94 = tpu.memref_squeeze %dma_wait3A_93 : memref<1x1x!tpu.dma_semaphore, #tpu.memory_space<semaphore_mem>> -> memref<!tpu.dma_semaphore, #tpu.memory_space<semaphore_mem>>
      %dma_wait3A_95 = arith.constant 0 : i32
      %dma_wait3A_96 = arith.constant 0 : i32
      %dma_wait3A_97 = tpu.memref_slice %arg9[%select_n3A_20, %dma_wait3A_95, %dma_wait3A_96] : memref<2x1024x512xf32, #tpu.memory_space<vmem>> -> memref<1x1024x512xf32, #tpu.memory_space<vmem>>
      %dma_wait3A_98 = tpu.memref_squeeze %dma_wait3A_97 : memref<1x1024x512xf32, #tpu.memory_space<vmem>> -> memref<1024x512xf32, #tpu.memory_space<vmem>>
      %dma_wait3A_99 = arith.constant 0 : i32
      %dma_wait3A_100 = arith.constant 0 : i32
      %dma_wait3A_101 = tpu.memref_slice %arg5[%get3A_70, %dma_wait3A_99, %dma_wait3A_100] : memref<8x1024x512xf32, #tpu.memory_space<any>> -> memref<1x1024x512xf32, #tpu.memory_space<any>>
      %dma_wait3A_102 = tpu.memref_squeeze %dma_wait3A_101 : memref<1x1024x512xf32, #tpu.memory_space<any>> -> memref<1024x512xf32, #tpu.memory_space<any>>
      tpu.wait_dma2 semaphore(%dma_wait3A_94 : memref<!tpu.dma_semaphore, #tpu.memory_space<semaphore_mem>>) src(%dma_wait3A_102 : memref<1024x512xf32, #tpu.memory_space<any>>) dst(%dma_wait3A_98 : memref<1024x512xf32, #tpu.memory_space<vmem>>)
    } else {
    }
    %lt3A_27 = arith.cmpi slt, %get3A_1, %get3A_9 : i32
    %and3A_28 = arith.andi %or3A, %lt3A_27 : i1
    %convert_element_type3A_29 = arith.extui %and3A_28 : i1 to i32
    %cond3A_30 = arith.constant 0 : i32
    %cond3A_31 = arith.cmpi ne, %convert_element_type3A_29, %cond3A_30 : i32
    scf.if %cond3A_31 {
      %add3A_67 = arith.constant 1 : i32
      %add3A_68 = arith.addi %get3A_1, %add3A_67 : i32
      %add3A_69 = arith.constant 1 : i32
      %add3A_70 = arith.addi %get3A_1, %add3A_69 : i32
      %jit3A_71 = arith.constant 2 : i32
      %eq3A_72 = arith.constant 0 : i32
      %eq3A_73 = arith.cmpi eq, %jit3A_71, %eq3A_72 : i32
      %jit3A_74 = arith.constant 1 : i32
      %select_n3A_75 = arith.select %eq3A_73, %jit3A_74, %jit3A_71 : i32
      %rem3A_76 = arith.remsi %add3A_70, %select_n3A_75 : i32
      %ne3A_77 = arith.constant 0 : i32
      %ne3A_78 = arith.cmpi ne, %rem3A_76, %ne3A_77 : i32
      %lt3A_79 = arith.constant 0 : i32
      %lt3A_80 = arith.cmpi slt, %rem3A_76, %lt3A_79 : i32
      %lt3A_81 = arith.constant 0 : i32
      %lt3A_82 = arith.cmpi slt, %select_n3A_75, %lt3A_81 : i32
      %ne3A_83 = arith.xori %lt3A_80, %lt3A_82 : i1
      %and3A_84 = arith.andi %ne3A_83, %ne3A_78 : i1
      %add3A_85 = arith.addi %rem3A_76, %select_n3A_75 : i32
      %select_n3A_86 = arith.select %and3A_84, %add3A_85, %rem3A_76 : i32
      %min3A = arith.constant 7 : i32
      %min3A_87 = arith.minsi %add3A_68, %min3A : i32
      %get3A_88 = arith.constant 2 : index
      %get3A_89 = arith.index_cast %min3A_87 : i32 to index
      %get3A_90 = memref.load %arg1[%get3A_88, %get3A_89] : memref<8x128xi32, #tpu.memory_space<smem>>
      %dma_start3A = arith.constant 0 : i32
      %dma_start3A_91 = tpu.memref_slice %arg10[%dma_start3A, %select_n3A_86] : memref<3x2x!tpu.dma_semaphore, #tpu.memory_space<semaphore_mem>> -> memref<1x1x!tpu.dma_semaphore, #tpu.memory_space<semaphore_mem>>
      %dma_start3A_92 = tpu.memref_squeeze %dma_start3A_91 : memref<1x1x!tpu.dma_semaphore, #tpu.memory_space<semaphore_mem>> -> memref<!tpu.dma_semaphore, #tpu.memory_space<semaphore_mem>>
      %dma_start3A_93 = arith.constant 0 : i32
      %dma_start3A_94 = arith.constant 0 : i32
      %dma_start3A_95 = tpu.memref_slice %arg7[%select_n3A_86, %dma_start3A_93, %dma_start3A_94] : memref<2x512x1024xf32, #tpu.memory_space<vmem>> -> memref<1x512x1024xf32, #tpu.memory_space<vmem>>
      %dma_start3A_96 = tpu.memref_squeeze %dma_start3A_95 : memref<1x512x1024xf32, #tpu.memory_space<vmem>> -> memref<512x1024xf32, #tpu.memory_space<vmem>>
      %dma_start3A_97 = arith.constant 0 : i32
      %dma_start3A_98 = arith.constant 0 : i32
      %dma_start3A_99 = tpu.memref_slice %arg3[%get3A_90, %dma_start3A_97, %dma_start3A_98] : memref<8x512x1024xf32, #tpu.memory_space<any>> -> memref<1x512x1024xf32, #tpu.memory_space<any>>
      %dma_start3A_100 = tpu.memref_squeeze %dma_start3A_99 : memref<1x512x1024xf32, #tpu.memory_space<any>> -> memref<512x1024xf32, #tpu.memory_space<any>>
      tpu.enqueue_dma source(%dma_start3A_100 : memref<512x1024xf32, #tpu.memory_space<any>>) target(%dma_start3A_96 : memref<512x1024xf32, #tpu.memory_space<vmem>>) target_semaphore(%dma_start3A_92 : memref<!tpu.dma_semaphore, #tpu.memory_space<semaphore_mem>>)
      %dma_start3A_101 = arith.constant 1 : i32
      %dma_start3A_102 = tpu.memref_slice %arg10[%dma_start3A_101, %select_n3A_86] : memref<3x2x!tpu.dma_semaphore, #tpu.memory_space<semaphore_mem>> -> memref<1x1x!tpu.dma_semaphore, #tpu.memory_space<semaphore_mem>>
      %dma_start3A_103 = tpu.memref_squeeze %dma_start3A_102 : memref<1x1x!tpu.dma_semaphore, #tpu.memory_space<semaphore_mem>> -> memref<!tpu.dma_semaphore, #tpu.memory_space<semaphore_mem>>
      %dma_start3A_104 = arith.constant 0 : i32
      %dma_start3A_105 = arith.constant 0 : i32
      %dma_start3A_106 = tpu.memref_slice %arg8[%select_n3A_86, %dma_start3A_104, %dma_start3A_105] : memref<2x512x1024xf32, #tpu.memory_space<vmem>> -> memref<1x512x1024xf32, #tpu.memory_space<vmem>>
      %dma_start3A_107 = tpu.memref_squeeze %dma_start3A_106 : memref<1x512x1024xf32, #tpu.memory_space<vmem>> -> memref<512x1024xf32, #tpu.memory_space<vmem>>
      %dma_start3A_108 = arith.constant 0 : i32
      %dma_start3A_109 = arith.constant 0 : i32
      %dma_start3A_110 = tpu.memref_slice %arg4[%get3A_90, %dma_start3A_108, %dma_start3A_109] : memref<8x512x1024xf32, #tpu.memory_space<any>> -> memref<1x512x1024xf32, #tpu.memory_space<any>>
      %dma_start3A_111 = tpu.memref_squeeze %dma_start3A_110 : memref<1x512x1024xf32, #tpu.memory_space<any>> -> memref<512x1024xf32, #tpu.memory_space<any>>
      tpu.enqueue_dma source(%dma_start3A_111 : memref<512x1024xf32, #tpu.memory_space<any>>) target(%dma_start3A_107 : memref<512x1024xf32, #tpu.memory_space<vmem>>) target_semaphore(%dma_start3A_103 : memref<!tpu.dma_semaphore, #tpu.memory_space<semaphore_mem>>)
      %dma_start3A_112 = arith.constant 2 : i32
      %dma_start3A_113 = tpu.memref_slice %arg10[%dma_start3A_112, %select_n3A_86] : memref<3x2x!tpu.dma_semaphore, #tpu.memory_space<semaphore_mem>> -> memref<1x1x!tpu.dma_semaphore, #tpu.memory_space<semaphore_mem>>
      %dma_start3A_114 = tpu.memref_squeeze %dma_start3A_113 : memref<1x1x!tpu.dma_semaphore, #tpu.memory_space<semaphore_mem>> -> memref<!tpu.dma_semaphore, #tpu.memory_space<semaphore_mem>>
      %dma_start3A_115 = arith.constant 0 : i32
      %dma_start3A_116 = arith.constant 0 : i32
      %dma_start3A_117 = tpu.memref_slice %arg9[%select_n3A_86, %dma_start3A_115, %dma_start3A_116] : memref<2x1024x512xf32, #tpu.memory_space<vmem>> -> memref<1x1024x512xf32, #tpu.memory_space<vmem>>
      %dma_start3A_118 = tpu.memref_squeeze %dma_start3A_117 : memref<1x1024x512xf32, #tpu.memory_space<vmem>> -> memref<1024x512xf32, #tpu.memory_space<vmem>>
      %dma_start3A_119 = arith.constant 0 : i32
      %dma_start3A_120 = arith.constant 0 : i32
      %dma_start3A_121 = tpu.memref_slice %arg5[%get3A_90, %dma_start3A_119, %dma_start3A_120] : memref<8x1024x512xf32, #tpu.memory_space<any>> -> memref<1x1024x512xf32, #tpu.memory_space<any>>
      %dma_start3A_122 = tpu.memref_squeeze %dma_start3A_121 : memref<1x1024x512xf32, #tpu.memory_space<any>> -> memref<1024x512xf32, #tpu.memory_space<any>>
      tpu.enqueue_dma source(%dma_start3A_122 : memref<1024x512xf32, #tpu.memory_space<any>>) target(%dma_start3A_118 : memref<1024x512xf32, #tpu.memory_space<vmem>>) target_semaphore(%dma_start3A_114 : memref<!tpu.dma_semaphore, #tpu.memory_space<semaphore_mem>>)
    } else {
    }
    %get3A_32 = arith.constant 0 : index
    %get3A_33 = arith.constant 0 : index
    %get3A_34 = vector.load %arg2[%get3A_32, %get3A_33] : memref<256x512xf32, #tpu.memory_space<vmem>>, vector<256x512xf32>
    %convert_element_type3A_35 = arith.truncf %get3A_34 : vector<256x512xf32> to vector<256x512xbf16>
    %get3A_36 = arith.index_cast %select_n3A_20 : i32 to index
    %get3A_37 = arith.constant 0 : index
    %get3A_38 = arith.constant 0 : index
    %get3A_39 = vector.load %arg7[%get3A_36, %get3A_37, %get3A_38] : memref<2x512x1024xf32, #tpu.memory_space<vmem>>, vector<1x512x1024xf32>
    %get3A_40 = vector.shape_cast %get3A_39 : vector<1x512x1024xf32> to vector<512x1024xf32>
    %convert_element_type3A_41 = arith.truncf %get3A_40 : vector<512x1024xf32> to vector<512x1024xbf16>
    %dot_general3A = arith.constant dense<0.000000e+00> : vector<256x1024xf32>
    %dot_general3A_42 = tpu.matmul %convert_element_type3A_35, %convert_element_type3A_41, %dot_general3A {dimension_numbers = #tpu.dot_dimension_numbers<[1], [0], [0], [1], [0, 0, 1, 1], [], []>, transpose_lhs_hint = false} : vector<256x512xbf16>, vector<512x1024xbf16>, vector<256x1024xf32> -> vector<256x1024xf32>
    %get3A_43 = arith.index_cast %select_n3A_20 : i32 to index
    %get3A_44 = arith.constant 0 : index
    %get3A_45 = arith.constant 0 : index
    %get3A_46 = vector.load %arg8[%get3A_43, %get3A_44, %get3A_45] : memref<2x512x1024xf32, #tpu.memory_space<vmem>>, vector<1x512x1024xf32>
    %get3A_47 = vector.shape_cast %get3A_46 : vector<1x512x1024xf32> to vector<512x1024xf32>
    %convert_element_type3A_48 = arith.truncf %get3A_47 : vector<512x1024xf32> to vector<512x1024xbf16>
    %dot_general3A_49 = arith.constant dense<0.000000e+00> : vector<256x1024xf32>
    %dot_general3A_50 = tpu.matmul %convert_element_type3A_35, %convert_element_type3A_48, %dot_general3A_49 {dimension_numbers = #tpu.dot_dimension_numbers<[1], [0], [0], [1], [0, 0, 1, 1], [], []>, transpose_lhs_hint = false} : vector<256x512xbf16>, vector<512x1024xbf16>, vector<256x1024xf32> -> vector<256x1024xf32>
    %neg3A = arith.constant 0.000000e+00 : f32
    %neg3A_51 = vector.broadcast %neg3A : f32 to vector<256x1024xf32>
    %neg3A_52 = arith.subf %neg3A_51, %dot_general3A_42 : vector<256x1024xf32>
    %exp3A = math.exp %neg3A_52 : vector<256x1024xf32>
    %add3A_53 = arith.constant 1.000000e+00 : f32
    %add3A_54 = vector.broadcast %add3A_53 : f32 to vector<256x1024xf32>
    %add3A_55 = arith.addf %add3A_54, %exp3A : vector<256x1024xf32>
    %div3A = arith.divf %dot_general3A_42, %add3A_55 : vector<256x1024xf32>
    %mul3A = arith.mulf %div3A, %dot_general3A_50 : vector<256x1024xf32>
    %convert_element_type3A_56 = arith.truncf %mul3A : vector<256x1024xf32> to vector<256x1024xbf16>
    %get3A_57 = arith.index_cast %select_n3A_20 : i32 to index
    %get3A_58 = arith.constant 0 : index
    %get3A_59 = arith.constant 0 : index
    %get3A_60 = vector.load %arg9[%get3A_57, %get3A_58, %get3A_59] : memref<2x1024x512xf32, #tpu.memory_space<vmem>>, vector<1x1024x512xf32>
    %get3A_61 = vector.shape_cast %get3A_60 : vector<1x1024x512xf32> to vector<1024x512xf32>
    %convert_element_type3A_62 = arith.truncf %get3A_61 : vector<1024x512xf32> to vector<1024x512xbf16>
    %dot_general3A_63 = arith.constant dense<0.000000e+00> : vector<256x512xf32>
    %dot_general3A_64 = tpu.matmul %convert_element_type3A_56, %convert_element_type3A_62, %dot_general3A_63 {dimension_numbers = #tpu.dot_dimension_numbers<[1], [0], [0], [1], [0, 0, 1, 1], [], []>, transpose_lhs_hint = false} : vector<256x1024xbf16>, vector<1024x512xbf16>, vector<256x512xf32> -> vector<256x512xf32>
    %swap3A = arith.constant 0 : index
    %swap3A_65 = arith.constant 0 : index
    %swap3A_66 = vector.load %arg6[%swap3A, %swap3A_65] : memref<256x512xf32, #tpu.memory_space<vmem>>, vector<256x512xf32>
    tpu.vector_store %arg6[%swap3A, %swap3A_65], %dot_general3A_64 {strides = array<i32>} : memref<256x512xf32, #tpu.memory_space<vmem>>, vector<256x512xf32>,
    return
  }
  func.func @transform_0(%arg0: i32, %arg1: memref<8x128xi32, #tpu.memory_space<smem>>) -> (i32, i32) {
    %c0_i32 = arith.constant 0 : i32
    %c0_i32_0 = arith.constant 0 : i32
    return %arg0, %c0_i32 : i32, i32
  }
  func.func @transform_4(%arg0: i32, %arg1: memref<8x128xi32, #tpu.memory_space<smem>>) -> (i32, i32) {
    %c0_i32 = arith.constant 0 : i32
    %c0_i32_0 = arith.constant 0 : i32
    return %arg0, %c0_i32 : i32, i32
  }
}

module attributes {stable_mosaic.version = 14 : i64} {
  func.func @_router_z_body(%arg0: i32, %arg1: memref<1x1024x2048xf32, #tpu.memory_space<vmem>>, %arg2: memref<2048x8xf32, #tpu.memory_space<vmem>>, %arg3: memref<2048x512xf32, #tpu.memory_space<vmem>>, %arg4: memref<1024x512xf32, #tpu.memory_space<vmem>>, %arg5: memref<8x128xi32, #tpu.memory_space<vmem>>, %arg6: memref<8x128xi32, #tpu.memory_space<vmem>>, %arg7: memref<1024x1xf32, #tpu.memory_space<vmem>>, %arg8: memref<1024x1xf32, #tpu.memory_space<vmem>>) attributes {dimension_semantics = [#tpu.dimension_semantics<arbitrary>], iteration_bounds = array<i64: 4>, scalar_prefetch = 0 : i64, scratch_operands = 0 : i64, tpu.core_type = #tpu.core_type<tc>, window_params = [{transform_indices = @transform_0, window_bounds = array<i64: 1, 1024, 2048>}, {pipeline_mode = #tpu.pipeline_mode<synchronous>, transform_indices = @transform_1, window_bounds = array<i64: 2048, 8>}, {pipeline_mode = #tpu.pipeline_mode<synchronous>, transform_indices = @transform_2, window_bounds = array<i64: 2048, 512>}, {transform_indices = @transform_3, window_bounds = array<i64: 1024, 512>}, {transform_indices = @transform_4, window_bounds = array<i64: 8, 128>}, {transform_indices = @transform_5, window_bounds = array<i64: 8, 128>}, {transform_indices = @transform_6, window_bounds = array<i64: 1024, 1>}, {transform_indices = @transform_7, window_bounds = array<i64: 1024, 1>}]} {
    %get3A = arith.constant 0 : index
    %get3A_0 = arith.constant 0 : index
    %get3A_1 = arith.constant 0 : index
    %get3A_2 = vector.load %arg1[%get3A, %get3A_0, %get3A_1] : memref<1x1024x2048xf32, #tpu.memory_space<vmem>>, vector<1x1024x2048xf32>
    %get3A_3 = vector.shape_cast %get3A_2 : vector<1x1024x2048xf32> to vector<1024x2048xf32>
    %get3A_4 = arith.constant 0 : index
    %get3A_5 = arith.constant 0 : index
    %get3A_6 = vector.load %arg2[%get3A_4, %get3A_5] : memref<2048x8xf32, #tpu.memory_space<vmem>>, vector<2048x8xf32>
    %dot_general3A = arith.constant dense<0.000000e+00> : vector<1024x8xf32>
    %dot_general3A_7 = tpu.matmul %get3A_3, %get3A_6, %dot_general3A {dimension_numbers = #tpu.dot_dimension_numbers<[1], [0], [0], [1], [0, 0, 1, 1], [], []>, transpose_lhs_hint = false} : vector<1024x2048xf32>, vector<2048x8xf32>, vector<1024x8xf32> -> vector<1024x8xf32>
    %iota3A = tpu.iota {dimensions = array<i32: 1>} : vector<1024x8xi32>
    %reduce_max3A = arith.constant dense<0xFF800000> : vector<1024xf32>
    %reduce_max3A_8 = vector.multi_reduction <maximumf>, %dot_general3A_7, %reduce_max3A [1] : vector<1024x8xf32> to vector<1024xf32>
    %broadcast_in_dim3A = vector.shape_cast %reduce_max3A_8 : vector<1024xf32> to vector<1024x1xf32>
    %eq3A = vector.broadcast %broadcast_in_dim3A : vector<1024x1xf32> to vector<1024x8xf32>
    %eq3A_9 = arith.cmpf oeq, %dot_general3A_7, %eq3A : vector<1024x8xf32>
    %jit3A = arith.constant 8 : i32
    %broadcast_in_dim3A_10 = vector.broadcast %jit3A : i32 to vector<1024x8xi32>
    %select_n3A = arith.select %eq3A_9, %iota3A, %broadcast_in_dim3A_10 : vector<1024x8xi1>, vector<1024x8xi32>
    %reduce_min3A = arith.constant dense<2147483647> : vector<1024xi32>
    %reduce_min3A_11 = vector.multi_reduction <minsi>, %select_n3A, %reduce_min3A [1] : vector<1024x8xi32> to vector<1024xi32>
    %broadcast_in_dim3A_12 = vector.shape_cast %reduce_min3A_11 : vector<1024xi32> to vector<1024x1xi32>
    %eq3A_13 = vector.broadcast %broadcast_in_dim3A_12 : vector<1024x1xi32> to vector<1024x8xi32>
    %eq3A_14 = arith.cmpi eq, %iota3A, %eq3A_13 : vector<1024x8xi32>
    %jit3A_15 = arith.constant -3.000000e+38 : f32
    %broadcast_in_dim3A_16 = vector.broadcast %jit3A_15 : f32 to vector<1024x8xf32>
    %select_n3A_17 = arith.select %eq3A_14, %broadcast_in_dim3A_16, %dot_general3A_7 : vector<1024x8xi1>, vector<1024x8xf32>
    %reduce_max3A_18 = arith.constant dense<0xFF800000> : vector<1024xf32>
    %reduce_max3A_19 = vector.multi_reduction <maximumf>, %select_n3A_17, %reduce_max3A_18 [1] : vector<1024x8xf32> to vector<1024xf32>
    %broadcast_in_dim3A_20 = vector.shape_cast %reduce_max3A_19 : vector<1024xf32> to vector<1024x1xf32>
    %eq3A_21 = vector.broadcast %broadcast_in_dim3A_20 : vector<1024x1xf32> to vector<1024x8xf32>
    %eq3A_22 = arith.cmpf oeq, %select_n3A_17, %eq3A_21 : vector<1024x8xf32>
    %jit3A_23 = arith.constant 8 : i32
    %broadcast_in_dim3A_24 = vector.broadcast %jit3A_23 : i32 to vector<1024x8xi32>
    %select_n3A_25 = arith.select %eq3A_22, %iota3A, %broadcast_in_dim3A_24 : vector<1024x8xi1>, vector<1024x8xi32>
    %reduce_min3A_26 = arith.constant dense<2147483647> : vector<1024xi32>
    %reduce_min3A_27 = vector.multi_reduction <minsi>, %select_n3A_25, %reduce_min3A_26 [1] : vector<1024x8xi32> to vector<1024xi32>
    %broadcast_in_dim3A_28 = vector.shape_cast %reduce_min3A_27 : vector<1024xi32> to vector<1024x1xi32>
    %sub3A = arith.subf %broadcast_in_dim3A_20, %broadcast_in_dim3A : vector<1024x1xf32>
    %exp3A = math.exp %sub3A : vector<1024x1xf32>
    %add3A = arith.constant 1.000000e+00 : f32
    %add3A_29 = vector.broadcast %add3A : f32 to vector<1024x1xf32>
    %add3A_30 = arith.addf %add3A_29, %exp3A : vector<1024x1xf32>
    %div3A = arith.constant 1.000000e+00 : f32
    %div3A_31 = vector.broadcast %div3A : f32 to vector<1024x1xf32>
    %div3A_32 = arith.divf %div3A_31, %add3A_30 : vector<1024x1xf32>
    %convert_element_type3A = arith.sitofp %broadcast_in_dim3A_12 : vector<1024x1xi32> to vector<1024x1xf32>
    %iota3A_33 = tpu.iota {dimensions = array<i32: 0>} : vector<1024x128xi32>
    %iota3A_34 = tpu.iota {dimensions = array<i32: 1>} : vector<1024x128xi32>
    %jit3A_35 = arith.constant 128 : i32
    %eq3A_36 = arith.constant 0 : i32
    %eq3A_37 = arith.cmpi eq, %jit3A_35, %eq3A_36 : i32
    %jit3A_38 = arith.constant 1 : i32
    %select_n3A_39 = arith.select %eq3A_37, %jit3A_38, %jit3A_35 : i32
    %rem3A = vector.broadcast %select_n3A_39 : i32 to vector<1024x128xi32>
    %rem3A_40 = arith.remsi %iota3A_33, %rem3A : vector<1024x128xi32>
    %ne3A = arith.constant 0 : i32
    %ne3A_41 = vector.broadcast %ne3A : i32 to vector<1024x128xi32>
    %ne3A_42 = arith.cmpi ne, %rem3A_40, %ne3A_41 : vector<1024x128xi32>
    %lt3A = arith.constant 0 : i32
    %lt3A_43 = vector.broadcast %lt3A : i32 to vector<1024x128xi32>
    %lt3A_44 = arith.cmpi slt, %rem3A_40, %lt3A_43 : vector<1024x128xi32>
    %lt3A_45 = arith.constant 0 : i32
    %lt3A_46 = arith.cmpi slt, %select_n3A_39, %lt3A_45 : i32
    %ne3A_47 = vector.broadcast %lt3A_46 : i1 to vector<1024x128xi1>
    %ne3A_48 = vector.broadcast %ne3A_47 : vector<1024x128xi1> to vector<1024x128xi1>
    %ne3A_49 = arith.xori %lt3A_44, %ne3A_48 : vector<1024x128xi1>
    %and3A = arith.andi %ne3A_49, %ne3A_42 : vector<1024x128xi1>
    %add3A_50 = vector.broadcast %select_n3A_39 : i32 to vector<1024x128xi32>
    %add3A_51 = arith.addi %rem3A_40, %add3A_50 : vector<1024x128xi32>
    %select_n3A_52 = arith.select %and3A, %add3A_51, %rem3A_40 : vector<1024x128xi1>, vector<1024x128xi32>
    %eq3A_53 = arith.cmpi eq, %select_n3A_52, %iota3A_34 : vector<1024x128xi32>
    %convert_element_type3A_54 = arith.extui %eq3A_53 : vector<1024x128xi1> to vector<1024x128xi32>
    %convert_element_type3A_55 = arith.sitofp %convert_element_type3A_54 : vector<1024x128xi32> to vector<1024x128xf32>
    %iota3A_56 = tpu.iota {dimensions = array<i32: 0>} : vector<8x1024xi32>
    %iota3A_57 = tpu.iota {dimensions = array<i32: 1>} : vector<8x1024xi32>
    %jit3A_58 = arith.constant 128 : i32
    %div3A_59 = vector.broadcast %jit3A_58 : i32 to vector<8x1024xi32>
    %div3A_60 = arith.divsi %iota3A_57, %div3A_59 : vector<8x1024xi32>
    %sign3A = arith.constant 0 : i32
    %sign3A_61 = vector.broadcast %sign3A : i32 to vector<8x1024xi32>
    %sign3A_62 = arith.cmpi sgt, %iota3A_57, %sign3A_61 : vector<8x1024xi32>
    %sign3A_63 = arith.extui %sign3A_62 : vector<8x1024xi1> to vector<8x1024xi32>
    %sign3A_64 = arith.constant 0 : i32
    %sign3A_65 = vector.broadcast %sign3A_64 : i32 to vector<8x1024xi32>
    %sign3A_66 = arith.cmpi slt, %iota3A_57, %sign3A_65 : vector<8x1024xi32>
    %sign3A_67 = arith.extui %sign3A_66 : vector<8x1024xi1> to vector<8x1024xi32>
    %sign3A_68 = arith.subi %sign3A_63, %sign3A_67 : vector<8x1024xi32>
    %sign3A_69 = arith.constant 0 : i32
    %sign3A_70 = arith.cmpi sgt, %jit3A_58, %sign3A_69 : i32
    %sign3A_71 = arith.extui %sign3A_70 : i1 to i32
    %sign3A_72 = arith.constant 0 : i32
    %sign3A_73 = arith.cmpi slt, %jit3A_58, %sign3A_72 : i32
    %sign3A_74 = arith.extui %sign3A_73 : i1 to i32
    %sign3A_75 = arith.subi %sign3A_71, %sign3A_74 : i32
    %ne3A_76 = vector.broadcast %sign3A_75 : i32 to vector<8x1024xi32>
    %ne3A_77 = arith.cmpi ne, %sign3A_68, %ne3A_76 : vector<8x1024xi32>
    %rem3A_78 = vector.broadcast %jit3A_58 : i32 to vector<8x1024xi32>
    %rem3A_79 = arith.remsi %iota3A_57, %rem3A_78 : vector<8x1024xi32>
    %ne3A_80 = arith.constant 0 : i32
    %ne3A_81 = vector.broadcast %ne3A_80 : i32 to vector<8x1024xi32>
    %ne3A_82 = arith.cmpi ne, %rem3A_79, %ne3A_81 : vector<8x1024xi32>
    %and3A_83 = arith.andi %ne3A_77, %ne3A_82 : vector<8x1024xi1>
    %sub3A_84 = arith.constant 1 : i32
    %sub3A_85 = vector.broadcast %sub3A_84 : i32 to vector<8x1024xi32>
    %sub3A_86 = arith.subi %div3A_60, %sub3A_85 : vector<8x1024xi32>
    %select_n3A_87 = arith.select %and3A_83, %sub3A_86, %div3A_60 : vector<8x1024xi1>, vector<8x1024xi32>
    %eq3A_88 = arith.cmpi eq, %select_n3A_87, %iota3A_56 : vector<8x1024xi32>
    %convert_element_type3A_89 = arith.extui %eq3A_88 : vector<8x1024xi1> to vector<8x1024xi32>
    %convert_element_type3A_90 = arith.sitofp %convert_element_type3A_89 : vector<8x1024xi32> to vector<8x1024xf32>
    %mul3A = vector.broadcast %convert_element_type3A : vector<1024x1xf32> to vector<1024x128xf32>
    %mul3A_91 = arith.mulf %mul3A, %convert_element_type3A_55 : vector<1024x128xf32>
    %dot_general3A_92 = arith.constant dense<0.000000e+00> : vector<8x128xf32>
    %dot_general3A_93 = tpu.matmul %convert_element_type3A_90, %mul3A_91, %dot_general3A_92 {dimension_numbers = #tpu.dot_dimension_numbers<[1], [0], [0], [1], [0, 0, 1, 1], [], []>, transpose_lhs_hint = false} : vector<8x1024xf32>, vector<1024x128xf32>, vector<8x128xf32> -> vector<8x128xf32>
    %convert_element_type3A_94 = arith.fptosi %dot_general3A_93 : vector<8x128xf32> to vector<8x128xi32>
    %swap3A = arith.constant 0 : index
    %swap3A_95 = arith.constant 0 : index
    %swap3A_96 = vector.load %arg5[%swap3A, %swap3A_95] : memref<8x128xi32, #tpu.memory_space<vmem>>, vector<8x128xi32>
    tpu.vector_store %arg5[%swap3A, %swap3A_95], %convert_element_type3A_94 {strides = array<i32>} : memref<8x128xi32, #tpu.memory_space<vmem>>, vector<8x128xi32>,
    %convert_element_type3A_97 = arith.sitofp %broadcast_in_dim3A_28 : vector<1024x1xi32> to vector<1024x1xf32>
    %iota3A_98 = tpu.iota {dimensions = array<i32: 0>} : vector<1024x128xi32>
    %iota3A_99 = tpu.iota {dimensions = array<i32: 1>} : vector<1024x128xi32>
    %jit3A_100 = arith.constant 128 : i32
    %eq3A_101 = arith.constant 0 : i32
    %eq3A_102 = arith.cmpi eq, %jit3A_100, %eq3A_101 : i32
    %jit3A_103 = arith.constant 1 : i32
    %select_n3A_104 = arith.select %eq3A_102, %jit3A_103, %jit3A_100 : i32
    %rem3A_105 = vector.broadcast %select_n3A_104 : i32 to vector<1024x128xi32>
    %rem3A_106 = arith.remsi %iota3A_98, %rem3A_105 : vector<1024x128xi32>
    %ne3A_107 = arith.constant 0 : i32
    %ne3A_108 = vector.broadcast %ne3A_107 : i32 to vector<1024x128xi32>
    %ne3A_109 = arith.cmpi ne, %rem3A_106, %ne3A_108 : vector<1024x128xi32>
    %lt3A_110 = arith.constant 0 : i32
    %lt3A_111 = vector.broadcast %lt3A_110 : i32 to vector<1024x128xi32>
    %lt3A_112 = arith.cmpi slt, %rem3A_106, %lt3A_111 : vector<1024x128xi32>
    %lt3A_113 = arith.constant 0 : i32
    %lt3A_114 = arith.cmpi slt, %select_n3A_104, %lt3A_113 : i32
    %ne3A_115 = vector.broadcast %lt3A_114 : i1 to vector<1024x128xi1>
    %ne3A_116 = vector.broadcast %ne3A_115 : vector<1024x128xi1> to vector<1024x128xi1>
    %ne3A_117 = arith.xori %lt3A_112, %ne3A_116 : vector<1024x128xi1>
    %and3A_118 = arith.andi %ne3A_117, %ne3A_109 : vector<1024x128xi1>
    %add3A_119 = vector.broadcast %select_n3A_104 : i32 to vector<1024x128xi32>
    %add3A_120 = arith.addi %rem3A_106, %add3A_119 : vector<1024x128xi32>
    %select_n3A_121 = arith.select %and3A_118, %add3A_120, %rem3A_106 : vector<1024x128xi1>, vector<1024x128xi32>
    %eq3A_122 = arith.cmpi eq, %select_n3A_121, %iota3A_99 : vector<1024x128xi32>
    %convert_element_type3A_123 = arith.extui %eq3A_122 : vector<1024x128xi1> to vector<1024x128xi32>
    %convert_element_type3A_124 = arith.sitofp %convert_element_type3A_123 : vector<1024x128xi32> to vector<1024x128xf32>
    %iota3A_125 = tpu.iota {dimensions = array<i32: 0>} : vector<8x1024xi32>
    %iota3A_126 = tpu.iota {dimensions = array<i32: 1>} : vector<8x1024xi32>
    %jit3A_127 = arith.constant 128 : i32
    %div3A_128 = vector.broadcast %jit3A_127 : i32 to vector<8x1024xi32>
    %div3A_129 = arith.divsi %iota3A_126, %div3A_128 : vector<8x1024xi32>
    %sign3A_130 = arith.constant 0 : i32
    %sign3A_131 = vector.broadcast %sign3A_130 : i32 to vector<8x1024xi32>
    %sign3A_132 = arith.cmpi sgt, %iota3A_126, %sign3A_131 : vector<8x1024xi32>
    %sign3A_133 = arith.extui %sign3A_132 : vector<8x1024xi1> to vector<8x1024xi32>
    %sign3A_134 = arith.constant 0 : i32
    %sign3A_135 = vector.broadcast %sign3A_134 : i32 to vector<8x1024xi32>
    %sign3A_136 = arith.cmpi slt, %iota3A_126, %sign3A_135 : vector<8x1024xi32>
    %sign3A_137 = arith.extui %sign3A_136 : vector<8x1024xi1> to vector<8x1024xi32>
    %sign3A_138 = arith.subi %sign3A_133, %sign3A_137 : vector<8x1024xi32>
    %sign3A_139 = arith.constant 0 : i32
    %sign3A_140 = arith.cmpi sgt, %jit3A_127, %sign3A_139 : i32
    %sign3A_141 = arith.extui %sign3A_140 : i1 to i32
    %sign3A_142 = arith.constant 0 : i32
    %sign3A_143 = arith.cmpi slt, %jit3A_127, %sign3A_142 : i32
    %sign3A_144 = arith.extui %sign3A_143 : i1 to i32
    %sign3A_145 = arith.subi %sign3A_141, %sign3A_144 : i32
    %ne3A_146 = vector.broadcast %sign3A_145 : i32 to vector<8x1024xi32>
    %ne3A_147 = arith.cmpi ne, %sign3A_138, %ne3A_146 : vector<8x1024xi32>
    %rem3A_148 = vector.broadcast %jit3A_127 : i32 to vector<8x1024xi32>
    %rem3A_149 = arith.remsi %iota3A_126, %rem3A_148 : vector<8x1024xi32>
    %ne3A_150 = arith.constant 0 : i32
    %ne3A_151 = vector.broadcast %ne3A_150 : i32 to vector<8x1024xi32>
    %ne3A_152 = arith.cmpi ne, %rem3A_149, %ne3A_151 : vector<8x1024xi32>
    %and3A_153 = arith.andi %ne3A_147, %ne3A_152 : vector<8x1024xi1>
    %sub3A_154 = arith.constant 1 : i32
    %sub3A_155 = vector.broadcast %sub3A_154 : i32 to vector<8x1024xi32>
    %sub3A_156 = arith.subi %div3A_129, %sub3A_155 : vector<8x1024xi32>
    %select_n3A_157 = arith.select %and3A_153, %sub3A_156, %div3A_129 : vector<8x1024xi1>, vector<8x1024xi32>
    %eq3A_158 = arith.cmpi eq, %select_n3A_157, %iota3A_125 : vector<8x1024xi32>
    %convert_element_type3A_159 = arith.extui %eq3A_158 : vector<8x1024xi1> to vector<8x1024xi32>
    %convert_element_type3A_160 = arith.sitofp %convert_element_type3A_159 : vector<8x1024xi32> to vector<8x1024xf32>
    %mul3A_161 = vector.broadcast %convert_element_type3A_97 : vector<1024x1xf32> to vector<1024x128xf32>
    %mul3A_162 = arith.mulf %mul3A_161, %convert_element_type3A_124 : vector<1024x128xf32>
    %dot_general3A_163 = arith.constant dense<0.000000e+00> : vector<8x128xf32>
    %dot_general3A_164 = tpu.matmul %convert_element_type3A_160, %mul3A_162, %dot_general3A_163 {dimension_numbers = #tpu.dot_dimension_numbers<[1], [0], [0], [1], [0, 0, 1, 1], [], []>, transpose_lhs_hint = false} : vector<8x1024xf32>, vector<1024x128xf32>, vector<8x128xf32> -> vector<8x128xf32>
    %convert_element_type3A_165 = arith.fptosi %dot_general3A_164 : vector<8x128xf32> to vector<8x128xi32>
    %swap3A_166 = arith.constant 0 : index
    %swap3A_167 = arith.constant 0 : index
    %swap3A_168 = vector.load %arg6[%swap3A_166, %swap3A_167] : memref<8x128xi32, #tpu.memory_space<vmem>>, vector<8x128xi32>
    tpu.vector_store %arg6[%swap3A_166, %swap3A_167], %convert_element_type3A_165 {strides = array<i32>} : memref<8x128xi32, #tpu.memory_space<vmem>>, vector<8x128xi32>,
    %swap3A_169 = arith.constant 0 : index
    %swap3A_170 = arith.constant 0 : index
    %swap3A_171 = vector.load %arg7[%swap3A_169, %swap3A_170] : memref<1024x1xf32, #tpu.memory_space<vmem>>, vector<1024x1xf32>
    tpu.vector_store %arg7[%swap3A_169, %swap3A_170], %div3A_32 {strides = array<i32>} : memref<1024x1xf32, #tpu.memory_space<vmem>>, vector<1024x1xf32>,
    %sub3A_172 = arith.constant 1.000000e+00 : f32
    %sub3A_173 = vector.broadcast %sub3A_172 : f32 to vector<1024x1xf32>
    %sub3A_174 = arith.subf %sub3A_173, %div3A_32 : vector<1024x1xf32>
    %swap3A_175 = arith.constant 0 : index
    %swap3A_176 = arith.constant 0 : index
    %swap3A_177 = vector.load %arg8[%swap3A_175, %swap3A_176] : memref<1024x1xf32, #tpu.memory_space<vmem>>, vector<1024x1xf32>
    tpu.vector_store %arg8[%swap3A_175, %swap3A_176], %sub3A_174 {strides = array<i32>} : memref<1024x1xf32, #tpu.memory_space<vmem>>, vector<1024x1xf32>,
    %convert_element_type3A_178 = arith.truncf %get3A_3 : vector<1024x2048xf32> to vector<1024x2048xbf16>
    %get3A_179 = arith.constant 0 : index
    %get3A_180 = arith.constant 0 : index
    %get3A_181 = vector.load %arg3[%get3A_179, %get3A_180] : memref<2048x512xf32, #tpu.memory_space<vmem>>, vector<2048x512xf32>
    %convert_element_type3A_182 = arith.truncf %get3A_181 : vector<2048x512xf32> to vector<2048x512xbf16>
    %dot_general3A_183 = arith.constant dense<0.000000e+00> : vector<1024x512xf32>
    %dot_general3A_184 = tpu.matmul %convert_element_type3A_178, %convert_element_type3A_182, %dot_general3A_183 {dimension_numbers = #tpu.dot_dimension_numbers<[1], [0], [0], [1], [0, 0, 1, 1], [], []>, transpose_lhs_hint = false} : vector<1024x2048xbf16>, vector<2048x512xbf16>, vector<1024x512xf32> -> vector<1024x512xf32>
    %swap3A_185 = arith.constant 0 : index
    %swap3A_186 = arith.constant 0 : index
    %swap3A_187 = vector.load %arg4[%swap3A_185, %swap3A_186] : memref<1024x512xf32, #tpu.memory_space<vmem>>, vector<1024x512xf32>
    tpu.vector_store %arg4[%swap3A_185, %swap3A_186], %dot_general3A_184 {strides = array<i32>} : memref<1024x512xf32, #tpu.memory_space<vmem>>, vector<1024x512xf32>,
    return
  }
  func.func @transform_0(%arg0: i32) -> (i32, i32, i32) {
    %c0_i32 = arith.constant 0 : i32
    %c0_i32_0 = arith.constant 0 : i32
    %c0_i32_1 = arith.constant 0 : i32
    return %c0_i32, %arg0, %c0_i32_0 : i32, i32, i32
  }
  func.func @transform_1(%arg0: i32) -> (i32, i32) {
    %c0_i32 = arith.constant 0 : i32
    %c0_i32_0 = arith.constant 0 : i32
    %c0_i32_1 = arith.constant 0 : i32
    return %c0_i32, %c0_i32_0 : i32, i32
  }
  func.func @transform_2(%arg0: i32) -> (i32, i32) {
    %c0_i32 = arith.constant 0 : i32
    %c0_i32_0 = arith.constant 0 : i32
    %c0_i32_1 = arith.constant 0 : i32
    return %c0_i32, %c0_i32_0 : i32, i32
  }
  func.func @transform_3(%arg0: i32) -> (i32, i32) {
    %c0_i32 = arith.constant 0 : i32
    %c0_i32_0 = arith.constant 0 : i32
    return %arg0, %c0_i32 : i32, i32
  }
  func.func @transform_4(%arg0: i32) -> (i32, i32) {
    %c0_i32 = arith.constant 0 : i32
    %c0_i32_0 = arith.constant 0 : i32
    return %arg0, %c0_i32 : i32, i32
  }
  func.func @transform_5(%arg0: i32) -> (i32, i32) {
    %c0_i32 = arith.constant 0 : i32
    %c0_i32_0 = arith.constant 0 : i32
    return %arg0, %c0_i32 : i32, i32
  }
  func.func @transform_6(%arg0: i32) -> (i32, i32) {
    %c0_i32 = arith.constant 0 : i32
    %c0_i32_0 = arith.constant 0 : i32
    return %arg0, %c0_i32 : i32, i32
  }
  func.func @transform_7(%arg0: i32) -> (i32, i32) {
    %c0_i32 = arith.constant 0 : i32
    %c0_i32_0 = arith.constant 0 : i32
    return %arg0, %c0_i32 : i32, i32
  }
}

module attributes {stable_mosaic.version = 14 : i64} {
  func.func @_metadata_body(%arg0: i32, %arg1: memref<32x128xi32, #tpu.memory_space<vmem>>, %arg2: memref<32x128xi32, #tpu.memory_space<vmem>>, %arg3: memref<32x128xi32, #tpu.memory_space<vmem>>, %arg4: memref<32x128xi32, #tpu.memory_space<vmem>>, %arg5: memref<8x128xi32, #tpu.memory_space<vmem>>) attributes {dimension_semantics = [#tpu.dimension_semantics<arbitrary>], iteration_bounds = array<i64: 1>, scalar_prefetch = 0 : i64, scratch_operands = 0 : i64, tpu.core_type = #tpu.core_type<tc>, window_params = [{pipeline_mode = #tpu.pipeline_mode<synchronous>, transform_indices = @transform_0, window_bounds = array<i64: 32, 128>}, {pipeline_mode = #tpu.pipeline_mode<synchronous>, transform_indices = @transform_1, window_bounds = array<i64: 32, 128>}, {pipeline_mode = #tpu.pipeline_mode<synchronous>, transform_indices = @transform_2, window_bounds = array<i64: 32, 128>}, {pipeline_mode = #tpu.pipeline_mode<synchronous>, transform_indices = @transform_3, window_bounds = array<i64: 32, 128>}, {pipeline_mode = #tpu.pipeline_mode<synchronous>, transform_indices = @transform_4, window_bounds = array<i64: 8, 128>}]} {
    %get3A = arith.constant 0 : index
    %get3A_0 = arith.constant 0 : index
    %get3A_1 = vector.load %arg1[%get3A, %get3A_0] : memref<32x128xi32, #tpu.memory_space<vmem>>, vector<32x128xi32>
    %get3A_2 = arith.constant 0 : index
    %get3A_3 = arith.constant 0 : index
    %get3A_4 = vector.load %arg2[%get3A_2, %get3A_3] : memref<32x128xi32, #tpu.memory_space<vmem>>, vector<32x128xi32>
    %concatenate3A = tpu.concatenate %get3A_1, %get3A_4 in 0 : vector<32x128xi32>, vector<32x128xi32> -> vector<64x128xi32>
    %iota3A = tpu.iota {dimensions = array<i32: 0>} : vector<64x64xi32>
    %iota3A_5 = tpu.iota {dimensions = array<i32: 1>} : vector<64x64xi32>
    %lt3A = arith.cmpi slt, %iota3A_5, %iota3A : vector<64x64xi32>
    %convert_element_type3A = arith.extui %lt3A : vector<64x64xi1> to vector<64x64xi32>
    %convert_element_type3A_6 = arith.sitofp %convert_element_type3A : vector<64x64xi32> to vector<64x64xf32>
    %iota3A_7 = tpu.iota {dimensions = array<i32: 0>} : vector<128x128xi32>
    %iota3A_8 = tpu.iota {dimensions = array<i32: 1>} : vector<128x128xi32>
    %lt3A_9 = arith.cmpi slt, %iota3A_7, %iota3A_8 : vector<128x128xi32>
    %convert_element_type3A_10 = arith.extui %lt3A_9 : vector<128x128xi1> to vector<128x128xi32>
    %convert_element_type3A_11 = arith.sitofp %convert_element_type3A_10 : vector<128x128xi32> to vector<128x128xf32>
    %broadcast_in_dim3A = arith.constant 1.000000e+00 : f32
    %broadcast_in_dim3A_12 = vector.broadcast %broadcast_in_dim3A : f32 to vector<128x128xf32>
    %broadcast_in_dim3A_13 = arith.constant 0.000000e+00 : f32
    %broadcast_in_dim3A_14 = vector.broadcast %broadcast_in_dim3A_13 : f32 to vector<64x128xf32>
    %eq3A = arith.constant 0 : i32
    %eq3A_15 = vector.broadcast %eq3A : i32 to vector<64x128xi32>
    %eq3A_16 = arith.cmpi eq, %concatenate3A, %eq3A_15 : vector<64x128xi32>
    %convert_element_type3A_17 = arith.extui %eq3A_16 : vector<64x128xi1> to vector<64x128xi32>
    %convert_element_type3A_18 = arith.sitofp %convert_element_type3A_17 : vector<64x128xi32> to vector<64x128xf32>
    %dot_general3A = arith.constant dense<0.000000e+00> : vector<64x128xf32>
    %dot_general3A_19 = tpu.matmul %convert_element_type3A_6, %convert_element_type3A_18, %dot_general3A {dimension_numbers = #tpu.dot_dimension_numbers<[1], [0], [0], [1], [0, 0, 1, 1], [], []>, transpose_lhs_hint = false} : vector<64x64xf32>, vector<64x128xf32>, vector<64x128xf32> -> vector<64x128xf32>
    %dot_general3A_20 = arith.constant dense<0.000000e+00> : vector<64x128xf32>
    %dot_general3A_21 = tpu.matmul %dot_general3A_19, %broadcast_in_dim3A_12, %dot_general3A_20 {dimension_numbers = #tpu.dot_dimension_numbers<[1], [0], [0], [1], [0, 0, 1, 1], [], []>, transpose_lhs_hint = false} : vector<64x128xf32>, vector<128x128xf32>, vector<64x128xf32> -> vector<64x128xf32>
    %dot_general3A_22 = arith.constant dense<0.000000e+00> : vector<64x128xf32>
    %dot_general3A_23 = tpu.matmul %convert_element_type3A_18, %convert_element_type3A_11, %dot_general3A_22 {dimension_numbers = #tpu.dot_dimension_numbers<[1], [0], [0], [1], [0, 0, 1, 1], [], []>, transpose_lhs_hint = false} : vector<64x128xf32>, vector<128x128xf32>, vector<64x128xf32> -> vector<64x128xf32>
    %add3A = arith.addf %dot_general3A_21, %dot_general3A_23 : vector<64x128xf32>
    %reduce_sum3A = vector.shape_cast %convert_element_type3A_18 : vector<64x128xf32> to vector<1x64x128xf32>
    %reduce_sum3A_24 = arith.constant dense<0.000000e+00> : vector<1xf32>
    %reduce_sum3A_25 = vector.multi_reduction <add>, %reduce_sum3A, %reduce_sum3A_24 [1, 2] : vector<1x64x128xf32> to vector<1xf32>
    %reduce_sum3A_26 = vector.shape_cast %reduce_sum3A_25 : vector<1xf32> to vector<1x1x1xf32>
    %reduce_sum3A_27 = vector.extract %reduce_sum3A_26[0, 0, 0] : f32 from vector<1x1x1xf32>
    %convert_element_type3A_28 = arith.fptosi %reduce_sum3A_27 : f32 to i32
    %add3A_29 = arith.constant 0.000000e+00 : f32
    %add3A_30 = vector.broadcast %add3A_29 : f32 to vector<64x128xf32>
    %add3A_31 = arith.addf %add3A_30, %add3A : vector<64x128xf32>
    %mul3A = arith.mulf %convert_element_type3A_18, %add3A_31 : vector<64x128xf32>
    %add3A_32 = arith.addf %broadcast_in_dim3A_14, %mul3A : vector<64x128xf32>
    %add3A_33 = arith.constant 255 : i32
    %add3A_34 = arith.addi %convert_element_type3A_28, %add3A_33 : i32
    %jit3A = arith.constant 256 : i32
    %div3A = arith.divsi %add3A_34, %jit3A : i32
    %sign3A = arith.constant 0 : i32
    %sign3A_35 = arith.cmpi sgt, %add3A_34, %sign3A : i32
    %sign3A_36 = arith.extui %sign3A_35 : i1 to i32
    %sign3A_37 = arith.constant 0 : i32
    %sign3A_38 = arith.cmpi slt, %add3A_34, %sign3A_37 : i32
    %sign3A_39 = arith.extui %sign3A_38 : i1 to i32
    %sign3A_40 = arith.subi %sign3A_36, %sign3A_39 : i32
    %sign3A_41 = arith.constant 0 : i32
    %sign3A_42 = arith.cmpi sgt, %jit3A, %sign3A_41 : i32
    %sign3A_43 = arith.extui %sign3A_42 : i1 to i32
    %sign3A_44 = arith.constant 0 : i32
    %sign3A_45 = arith.cmpi slt, %jit3A, %sign3A_44 : i32
    %sign3A_46 = arith.extui %sign3A_45 : i1 to i32
    %sign3A_47 = arith.subi %sign3A_43, %sign3A_46 : i32
    %ne3A = arith.cmpi ne, %sign3A_40, %sign3A_47 : i32
    %rem3A = arith.remsi %add3A_34, %jit3A : i32
    %ne3A_48 = arith.constant 0 : i32
    %ne3A_49 = arith.cmpi ne, %rem3A, %ne3A_48 : i32
    %and3A = arith.andi %ne3A, %ne3A_49 : i1
    %sub3A = arith.constant 1 : i32
    %sub3A_50 = arith.subi %div3A, %sub3A : i32
    %select_n3A = arith.select %and3A, %sub3A_50, %div3A : i32
    %mul3A_51 = arith.constant 256 : i32
    %mul3A_52 = arith.muli %select_n3A, %mul3A_51 : i32
    %add3A_53 = arith.constant 0 : i32
    %add3A_54 = arith.addi %add3A_53, %mul3A_52 : i32
    %eq3A_55 = arith.constant 1 : i32
    %eq3A_56 = vector.broadcast %eq3A_55 : i32 to vector<64x128xi32>
    %eq3A_57 = arith.cmpi eq, %concatenate3A, %eq3A_56 : vector<64x128xi32>
    %convert_element_type3A_58 = arith.extui %eq3A_57 : vector<64x128xi1> to vector<64x128xi32>
    %convert_element_type3A_59 = arith.sitofp %convert_element_type3A_58 : vector<64x128xi32> to vector<64x128xf32>
    %dot_general3A_60 = arith.constant dense<0.000000e+00> : vector<64x128xf32>
    %dot_general3A_61 = tpu.matmul %convert_element_type3A_6, %convert_element_type3A_59, %dot_general3A_60 {dimension_numbers = #tpu.dot_dimension_numbers<[1], [0], [0], [1], [0, 0, 1, 1], [], []>, transpose_lhs_hint = false} : vector<64x64xf32>, vector<64x128xf32>, vector<64x128xf32> -> vector<64x128xf32>
    %dot_general3A_62 = arith.constant dense<0.000000e+00> : vector<64x128xf32>
    %dot_general3A_63 = tpu.matmul %dot_general3A_61, %broadcast_in_dim3A_12, %dot_general3A_62 {dimension_numbers = #tpu.dot_dimension_numbers<[1], [0], [0], [1], [0, 0, 1, 1], [], []>, transpose_lhs_hint = false} : vector<64x128xf32>, vector<128x128xf32>, vector<64x128xf32> -> vector<64x128xf32>
    %dot_general3A_64 = arith.constant dense<0.000000e+00> : vector<64x128xf32>
    %dot_general3A_65 = tpu.matmul %convert_element_type3A_59, %convert_element_type3A_11, %dot_general3A_64 {dimension_numbers = #tpu.dot_dimension_numbers<[1], [0], [0], [1], [0, 0, 1, 1], [], []>, transpose_lhs_hint = false} : vector<64x128xf32>, vector<128x128xf32>, vector<64x128xf32> -> vector<64x128xf32>
    %add3A_66 = arith.addf %dot_general3A_63, %dot_general3A_65 : vector<64x128xf32>
    %reduce_sum3A_67 = vector.shape_cast %convert_element_type3A_59 : vector<64x128xf32> to vector<1x64x128xf32>
    %reduce_sum3A_68 = arith.constant dense<0.000000e+00> : vector<1xf32>
    %reduce_sum3A_69 = vector.multi_reduction <add>, %reduce_sum3A_67, %reduce_sum3A_68 [1, 2] : vector<1x64x128xf32> to vector<1xf32>
    %reduce_sum3A_70 = vector.shape_cast %reduce_sum3A_69 : vector<1xf32> to vector<1x1x1xf32>
    %reduce_sum3A_71 = vector.extract %reduce_sum3A_70[0, 0, 0] : f32 from vector<1x1x1xf32>
    %convert_element_type3A_72 = arith.fptosi %reduce_sum3A_71 : f32 to i32
    %convert_element_type3A_73 = arith.sitofp %add3A_54 : i32 to f32
    %add3A_74 = vector.broadcast %convert_element_type3A_73 : f32 to vector<64x128xf32>
    %add3A_75 = arith.addf %add3A_74, %add3A_66 : vector<64x128xf32>
    %mul3A_76 = arith.mulf %convert_element_type3A_59, %add3A_75 : vector<64x128xf32>
    %add3A_77 = arith.addf %add3A_32, %mul3A_76 : vector<64x128xf32>
    %add3A_78 = arith.constant 255 : i32
    %add3A_79 = arith.addi %convert_element_type3A_72, %add3A_78 : i32
    %jit3A_80 = arith.constant 256 : i32
    %div3A_81 = arith.divsi %add3A_79, %jit3A_80 : i32
    %sign3A_82 = arith.constant 0 : i32
    %sign3A_83 = arith.cmpi sgt, %add3A_79, %sign3A_82 : i32
    %sign3A_84 = arith.extui %sign3A_83 : i1 to i32
    %sign3A_85 = arith.constant 0 : i32
    %sign3A_86 = arith.cmpi slt, %add3A_79, %sign3A_85 : i32
    %sign3A_87 = arith.extui %sign3A_86 : i1 to i32
    %sign3A_88 = arith.subi %sign3A_84, %sign3A_87 : i32
    %sign3A_89 = arith.constant 0 : i32
    %sign3A_90 = arith.cmpi sgt, %jit3A_80, %sign3A_89 : i32
    %sign3A_91 = arith.extui %sign3A_90 : i1 to i32
    %sign3A_92 = arith.constant 0 : i32
    %sign3A_93 = arith.cmpi slt, %jit3A_80, %sign3A_92 : i32
    %sign3A_94 = arith.extui %sign3A_93 : i1 to i32
    %sign3A_95 = arith.subi %sign3A_91, %sign3A_94 : i32
    %ne3A_96 = arith.cmpi ne, %sign3A_88, %sign3A_95 : i32
    %rem3A_97 = arith.remsi %add3A_79, %jit3A_80 : i32
    %ne3A_98 = arith.constant 0 : i32
    %ne3A_99 = arith.cmpi ne, %rem3A_97, %ne3A_98 : i32
    %and3A_100 = arith.andi %ne3A_96, %ne3A_99 : i1
    %sub3A_101 = arith.constant 1 : i32
    %sub3A_102 = arith.subi %div3A_81, %sub3A_101 : i32
    %select_n3A_103 = arith.select %and3A_100, %sub3A_102, %div3A_81 : i32
    %jit3A_104 = arith.constant 256 : i32
    %div3A_105 = arith.divsi %add3A_54, %jit3A_104 : i32
    %sign3A_106 = arith.constant 0 : i32
    %sign3A_107 = arith.cmpi sgt, %add3A_54, %sign3A_106 : i32
    %sign3A_108 = arith.extui %sign3A_107 : i1 to i32
    %sign3A_109 = arith.constant 0 : i32
    %sign3A_110 = arith.cmpi slt, %add3A_54, %sign3A_109 : i32
    %sign3A_111 = arith.extui %sign3A_110 : i1 to i32
    %sign3A_112 = arith.subi %sign3A_108, %sign3A_111 : i32
    %sign3A_113 = arith.constant 0 : i32
    %sign3A_114 = arith.cmpi sgt, %jit3A_104, %sign3A_113 : i32
    %sign3A_115 = arith.extui %sign3A_114 : i1 to i32
    %sign3A_116 = arith.constant 0 : i32
    %sign3A_117 = arith.cmpi slt, %jit3A_104, %sign3A_116 : i32
    %sign3A_118 = arith.extui %sign3A_117 : i1 to i32
    %sign3A_119 = arith.subi %sign3A_115, %sign3A_118 : i32
    %ne3A_120 = arith.cmpi ne, %sign3A_112, %sign3A_119 : i32
    %rem3A_121 = arith.remsi %add3A_54, %jit3A_104 : i32
    %ne3A_122 = arith.constant 0 : i32
    %ne3A_123 = arith.cmpi ne, %rem3A_121, %ne3A_122 : i32
    %and3A_124 = arith.andi %ne3A_120, %ne3A_123 : i1
    %sub3A_125 = arith.constant 1 : i32
    %sub3A_126 = arith.subi %div3A_105, %sub3A_125 : i32
    %select_n3A_127 = arith.select %and3A_124, %sub3A_126, %div3A_105 : i32
    %mul3A_128 = arith.constant 256 : i32
    %mul3A_129 = arith.muli %select_n3A_103, %mul3A_128 : i32
    %add3A_130 = arith.addi %add3A_54, %mul3A_129 : i32
    %eq3A_131 = arith.constant 2 : i32
    %eq3A_132 = vector.broadcast %eq3A_131 : i32 to vector<64x128xi32>
    %eq3A_133 = arith.cmpi eq, %concatenate3A, %eq3A_132 : vector<64x128xi32>
    %convert_element_type3A_134 = arith.extui %eq3A_133 : vector<64x128xi1> to vector<64x128xi32>
    %convert_element_type3A_135 = arith.sitofp %convert_element_type3A_134 : vector<64x128xi32> to vector<64x128xf32>
    %dot_general3A_136 = arith.constant dense<0.000000e+00> : vector<64x128xf32>
    %dot_general3A_137 = tpu.matmul %convert_element_type3A_6, %convert_element_type3A_135, %dot_general3A_136 {dimension_numbers = #tpu.dot_dimension_numbers<[1], [0], [0], [1], [0, 0, 1, 1], [], []>, transpose_lhs_hint = false} : vector<64x64xf32>, vector<64x128xf32>, vector<64x128xf32> -> vector<64x128xf32>
    %dot_general3A_138 = arith.constant dense<0.000000e+00> : vector<64x128xf32>
    %dot_general3A_139 = tpu.matmul %dot_general3A_137, %broadcast_in_dim3A_12, %dot_general3A_138 {dimension_numbers = #tpu.dot_dimension_numbers<[1], [0], [0], [1], [0, 0, 1, 1], [], []>, transpose_lhs_hint = false} : vector<64x128xf32>, vector<128x128xf32>, vector<64x128xf32> -> vector<64x128xf32>
    %dot_general3A_140 = arith.constant dense<0.000000e+00> : vector<64x128xf32>
    %dot_general3A_141 = tpu.matmul %convert_element_type3A_135, %convert_element_type3A_11, %dot_general3A_140 {dimension_numbers = #tpu.dot_dimension_numbers<[1], [0], [0], [1], [0, 0, 1, 1], [], []>, transpose_lhs_hint = false} : vector<64x128xf32>, vector<128x128xf32>, vector<64x128xf32> -> vector<64x128xf32>
    %add3A_142 = arith.addf %dot_general3A_139, %dot_general3A_141 : vector<64x128xf32>
    %reduce_sum3A_143 = vector.shape_cast %convert_element_type3A_135 : vector<64x128xf32> to vector<1x64x128xf32>
    %reduce_sum3A_144 = arith.constant dense<0.000000e+00> : vector<1xf32>
    %reduce_sum3A_145 = vector.multi_reduction <add>, %reduce_sum3A_143, %reduce_sum3A_144 [1, 2] : vector<1x64x128xf32> to vector<1xf32>
    %reduce_sum3A_146 = vector.shape_cast %reduce_sum3A_145 : vector<1xf32> to vector<1x1x1xf32>
    %reduce_sum3A_147 = vector.extract %reduce_sum3A_146[0, 0, 0] : f32 from vector<1x1x1xf32>
    %convert_element_type3A_148 = arith.fptosi %reduce_sum3A_147 : f32 to i32
    %convert_element_type3A_149 = arith.sitofp %add3A_130 : i32 to f32
    %add3A_150 = vector.broadcast %convert_element_type3A_149 : f32 to vector<64x128xf32>
    %add3A_151 = arith.addf %add3A_150, %add3A_142 : vector<64x128xf32>
    %mul3A_152 = arith.mulf %convert_element_type3A_135, %add3A_151 : vector<64x128xf32>
    %add3A_153 = arith.addf %add3A_77, %mul3A_152 : vector<64x128xf32>
    %add3A_154 = arith.constant 255 : i32
    %add3A_155 = arith.addi %convert_element_type3A_148, %add3A_154 : i32
    %jit3A_156 = arith.constant 256 : i32
    %div3A_157 = arith.divsi %add3A_155, %jit3A_156 : i32
    %sign3A_158 = arith.constant 0 : i32
    %sign3A_159 = arith.cmpi sgt, %add3A_155, %sign3A_158 : i32
    %sign3A_160 = arith.extui %sign3A_159 : i1 to i32
    %sign3A_161 = arith.constant 0 : i32
    %sign3A_162 = arith.cmpi slt, %add3A_155, %sign3A_161 : i32
    %sign3A_163 = arith.extui %sign3A_162 : i1 to i32
    %sign3A_164 = arith.subi %sign3A_160, %sign3A_163 : i32
    %sign3A_165 = arith.constant 0 : i32
    %sign3A_166 = arith.cmpi sgt, %jit3A_156, %sign3A_165 : i32
    %sign3A_167 = arith.extui %sign3A_166 : i1 to i32
    %sign3A_168 = arith.constant 0 : i32
    %sign3A_169 = arith.cmpi slt, %jit3A_156, %sign3A_168 : i32
    %sign3A_170 = arith.extui %sign3A_169 : i1 to i32
    %sign3A_171 = arith.subi %sign3A_167, %sign3A_170 : i32
    %ne3A_172 = arith.cmpi ne, %sign3A_164, %sign3A_171 : i32
    %rem3A_173 = arith.remsi %add3A_155, %jit3A_156 : i32
    %ne3A_174 = arith.constant 0 : i32
    %ne3A_175 = arith.cmpi ne, %rem3A_173, %ne3A_174 : i32
    %and3A_176 = arith.andi %ne3A_172, %ne3A_175 : i1
    %sub3A_177 = arith.constant 1 : i32
    %sub3A_178 = arith.subi %div3A_157, %sub3A_177 : i32
    %select_n3A_179 = arith.select %and3A_176, %sub3A_178, %div3A_157 : i32
    %jit3A_180 = arith.constant 256 : i32
    %div3A_181 = arith.divsi %add3A_130, %jit3A_180 : i32
    %sign3A_182 = arith.constant 0 : i32
    %sign3A_183 = arith.cmpi sgt, %add3A_130, %sign3A_182 : i32
    %sign3A_184 = arith.extui %sign3A_183 : i1 to i32
    %sign3A_185 = arith.constant 0 : i32
    %sign3A_186 = arith.cmpi slt, %add3A_130, %sign3A_185 : i32
    %sign3A_187 = arith.extui %sign3A_186 : i1 to i32
    %sign3A_188 = arith.subi %sign3A_184, %sign3A_187 : i32
    %sign3A_189 = arith.constant 0 : i32
    %sign3A_190 = arith.cmpi sgt, %jit3A_180, %sign3A_189 : i32
    %sign3A_191 = arith.extui %sign3A_190 : i1 to i32
    %sign3A_192 = arith.constant 0 : i32
    %sign3A_193 = arith.cmpi slt, %jit3A_180, %sign3A_192 : i32
    %sign3A_194 = arith.extui %sign3A_193 : i1 to i32
    %sign3A_195 = arith.subi %sign3A_191, %sign3A_194 : i32
    %ne3A_196 = arith.cmpi ne, %sign3A_188, %sign3A_195 : i32
    %rem3A_197 = arith.remsi %add3A_130, %jit3A_180 : i32
    %ne3A_198 = arith.constant 0 : i32
    %ne3A_199 = arith.cmpi ne, %rem3A_197, %ne3A_198 : i32
    %and3A_200 = arith.andi %ne3A_196, %ne3A_199 : i1
    %sub3A_201 = arith.constant 1 : i32
    %sub3A_202 = arith.subi %div3A_181, %sub3A_201 : i32
    %select_n3A_203 = arith.select %and3A_200, %sub3A_202, %div3A_181 : i32
    %mul3A_204 = arith.constant 256 : i32
    %mul3A_205 = arith.muli %select_n3A_179, %mul3A_204 : i32
    %add3A_206 = arith.addi %add3A_130, %mul3A_205 : i32
    %eq3A_207 = arith.constant 3 : i32
    %eq3A_208 = vector.broadcast %eq3A_207 : i32 to vector<64x128xi32>
    %eq3A_209 = arith.cmpi eq, %concatenate3A, %eq3A_208 : vector<64x128xi32>
    %convert_element_type3A_210 = arith.extui %eq3A_209 : vector<64x128xi1> to vector<64x128xi32>
    %convert_element_type3A_211 = arith.sitofp %convert_element_type3A_210 : vector<64x128xi32> to vector<64x128xf32>
    %dot_general3A_212 = arith.constant dense<0.000000e+00> : vector<64x128xf32>
    %dot_general3A_213 = tpu.matmul %convert_element_type3A_6, %convert_element_type3A_211, %dot_general3A_212 {dimension_numbers = #tpu.dot_dimension_numbers<[1], [0], [0], [1], [0, 0, 1, 1], [], []>, transpose_lhs_hint = false} : vector<64x64xf32>, vector<64x128xf32>, vector<64x128xf32> -> vector<64x128xf32>
    %dot_general3A_214 = arith.constant dense<0.000000e+00> : vector<64x128xf32>
    %dot_general3A_215 = tpu.matmul %dot_general3A_213, %broadcast_in_dim3A_12, %dot_general3A_214 {dimension_numbers = #tpu.dot_dimension_numbers<[1], [0], [0], [1], [0, 0, 1, 1], [], []>, transpose_lhs_hint = false} : vector<64x128xf32>, vector<128x128xf32>, vector<64x128xf32> -> vector<64x128xf32>
    %dot_general3A_216 = arith.constant dense<0.000000e+00> : vector<64x128xf32>
    %dot_general3A_217 = tpu.matmul %convert_element_type3A_211, %convert_element_type3A_11, %dot_general3A_216 {dimension_numbers = #tpu.dot_dimension_numbers<[1], [0], [0], [1], [0, 0, 1, 1], [], []>, transpose_lhs_hint = false} : vector<64x128xf32>, vector<128x128xf32>, vector<64x128xf32> -> vector<64x128xf32>
    %add3A_218 = arith.addf %dot_general3A_215, %dot_general3A_217 : vector<64x128xf32>
    %reduce_sum3A_219 = vector.shape_cast %convert_element_type3A_211 : vector<64x128xf32> to vector<1x64x128xf32>
    %reduce_sum3A_220 = arith.constant dense<0.000000e+00> : vector<1xf32>
    %reduce_sum3A_221 = vector.multi_reduction <add>, %reduce_sum3A_219, %reduce_sum3A_220 [1, 2] : vector<1x64x128xf32> to vector<1xf32>
    %reduce_sum3A_222 = vector.shape_cast %reduce_sum3A_221 : vector<1xf32> to vector<1x1x1xf32>
    %reduce_sum3A_223 = vector.extract %reduce_sum3A_222[0, 0, 0] : f32 from vector<1x1x1xf32>
    %convert_element_type3A_224 = arith.fptosi %reduce_sum3A_223 : f32 to i32
    %convert_element_type3A_225 = arith.sitofp %add3A_206 : i32 to f32
    %add3A_226 = vector.broadcast %convert_element_type3A_225 : f32 to vector<64x128xf32>
    %add3A_227 = arith.addf %add3A_226, %add3A_218 : vector<64x128xf32>
    %mul3A_228 = arith.mulf %convert_element_type3A_211, %add3A_227 : vector<64x128xf32>
    %add3A_229 = arith.addf %add3A_153, %mul3A_228 : vector<64x128xf32>
    %add3A_230 = arith.constant 255 : i32
    %add3A_231 = arith.addi %convert_element_type3A_224, %add3A_230 : i32
    %jit3A_232 = arith.constant 256 : i32
    %div3A_233 = arith.divsi %add3A_231, %jit3A_232 : i32
    %sign3A_234 = arith.constant 0 : i32
    %sign3A_235 = arith.cmpi sgt, %add3A_231, %sign3A_234 : i32
    %sign3A_236 = arith.extui %sign3A_235 : i1 to i32
    %sign3A_237 = arith.constant 0 : i32
    %sign3A_238 = arith.cmpi slt, %add3A_231, %sign3A_237 : i32
    %sign3A_239 = arith.extui %sign3A_238 : i1 to i32
    %sign3A_240 = arith.subi %sign3A_236, %sign3A_239 : i32
    %sign3A_241 = arith.constant 0 : i32
    %sign3A_242 = arith.cmpi sgt, %jit3A_232, %sign3A_241 : i32
    %sign3A_243 = arith.extui %sign3A_242 : i1 to i32
    %sign3A_244 = arith.constant 0 : i32
    %sign3A_245 = arith.cmpi slt, %jit3A_232, %sign3A_244 : i32
    %sign3A_246 = arith.extui %sign3A_245 : i1 to i32
    %sign3A_247 = arith.subi %sign3A_243, %sign3A_246 : i32
    %ne3A_248 = arith.cmpi ne, %sign3A_240, %sign3A_247 : i32
    %rem3A_249 = arith.remsi %add3A_231, %jit3A_232 : i32
    %ne3A_250 = arith.constant 0 : i32
    %ne3A_251 = arith.cmpi ne, %rem3A_249, %ne3A_250 : i32
    %and3A_252 = arith.andi %ne3A_248, %ne3A_251 : i1
    %sub3A_253 = arith.constant 1 : i32
    %sub3A_254 = arith.subi %div3A_233, %sub3A_253 : i32
    %select_n3A_255 = arith.select %and3A_252, %sub3A_254, %div3A_233 : i32
    %jit3A_256 = arith.constant 256 : i32
    %div3A_257 = arith.divsi %add3A_206, %jit3A_256 : i32
    %sign3A_258 = arith.constant 0 : i32
    %sign3A_259 = arith.cmpi sgt, %add3A_206, %sign3A_258 : i32
    %sign3A_260 = arith.extui %sign3A_259 : i1 to i32
    %sign3A_261 = arith.constant 0 : i32
    %sign3A_262 = arith.cmpi slt, %add3A_206, %sign3A_261 : i32
    %sign3A_263 = arith.extui %sign3A_262 : i1 to i32
    %sign3A_264 = arith.subi %sign3A_260, %sign3A_263 : i32
    %sign3A_265 = arith.constant 0 : i32
    %sign3A_266 = arith.cmpi sgt, %jit3A_256, %sign3A_265 : i32
    %sign3A_267 = arith.extui %sign3A_266 : i1 to i32
    %sign3A_268 = arith.constant 0 : i32
    %sign3A_269 = arith.cmpi slt, %jit3A_256, %sign3A_268 : i32
    %sign3A_270 = arith.extui %sign3A_269 : i1 to i32
    %sign3A_271 = arith.subi %sign3A_267, %sign3A_270 : i32
    %ne3A_272 = arith.cmpi ne, %sign3A_264, %sign3A_271 : i32
    %rem3A_273 = arith.remsi %add3A_206, %jit3A_256 : i32
    %ne3A_274 = arith.constant 0 : i32
    %ne3A_275 = arith.cmpi ne, %rem3A_273, %ne3A_274 : i32
    %and3A_276 = arith.andi %ne3A_272, %ne3A_275 : i1
    %sub3A_277 = arith.constant 1 : i32
    %sub3A_278 = arith.subi %div3A_257, %sub3A_277 : i32
    %select_n3A_279 = arith.select %and3A_276, %sub3A_278, %div3A_257 : i32
    %mul3A_280 = arith.constant 256 : i32
    %mul3A_281 = arith.muli %select_n3A_255, %mul3A_280 : i32
    %add3A_282 = arith.addi %add3A_206, %mul3A_281 : i32
    %eq3A_283 = arith.constant 4 : i32
    %eq3A_284 = vector.broadcast %eq3A_283 : i32 to vector<64x128xi32>
    %eq3A_285 = arith.cmpi eq, %concatenate3A, %eq3A_284 : vector<64x128xi32>
    %convert_element_type3A_286 = arith.extui %eq3A_285 : vector<64x128xi1> to vector<64x128xi32>
    %convert_element_type3A_287 = arith.sitofp %convert_element_type3A_286 : vector<64x128xi32> to vector<64x128xf32>
    %dot_general3A_288 = arith.constant dense<0.000000e+00> : vector<64x128xf32>
    %dot_general3A_289 = tpu.matmul %convert_element_type3A_6, %convert_element_type3A_287, %dot_general3A_288 {dimension_numbers = #tpu.dot_dimension_numbers<[1], [0], [0], [1], [0, 0, 1, 1], [], []>, transpose_lhs_hint = false} : vector<64x64xf32>, vector<64x128xf32>, vector<64x128xf32> -> vector<64x128xf32>
    %dot_general3A_290 = arith.constant dense<0.000000e+00> : vector<64x128xf32>
    %dot_general3A_291 = tpu.matmul %dot_general3A_289, %broadcast_in_dim3A_12, %dot_general3A_290 {dimension_numbers = #tpu.dot_dimension_numbers<[1], [0], [0], [1], [0, 0, 1, 1], [], []>, transpose_lhs_hint = false} : vector<64x128xf32>, vector<128x128xf32>, vector<64x128xf32> -> vector<64x128xf32>
    %dot_general3A_292 = arith.constant dense<0.000000e+00> : vector<64x128xf32>
    %dot_general3A_293 = tpu.matmul %convert_element_type3A_287, %convert_element_type3A_11, %dot_general3A_292 {dimension_numbers = #tpu.dot_dimension_numbers<[1], [0], [0], [1], [0, 0, 1, 1], [], []>, transpose_lhs_hint = false} : vector<64x128xf32>, vector<128x128xf32>, vector<64x128xf32> -> vector<64x128xf32>
    %add3A_294 = arith.addf %dot_general3A_291, %dot_general3A_293 : vector<64x128xf32>
    %reduce_sum3A_295 = vector.shape_cast %convert_element_type3A_287 : vector<64x128xf32> to vector<1x64x128xf32>
    %reduce_sum3A_296 = arith.constant dense<0.000000e+00> : vector<1xf32>
    %reduce_sum3A_297 = vector.multi_reduction <add>, %reduce_sum3A_295, %reduce_sum3A_296 [1, 2] : vector<1x64x128xf32> to vector<1xf32>
    %reduce_sum3A_298 = vector.shape_cast %reduce_sum3A_297 : vector<1xf32> to vector<1x1x1xf32>
    %reduce_sum3A_299 = vector.extract %reduce_sum3A_298[0, 0, 0] : f32 from vector<1x1x1xf32>
    %convert_element_type3A_300 = arith.fptosi %reduce_sum3A_299 : f32 to i32
    %convert_element_type3A_301 = arith.sitofp %add3A_282 : i32 to f32
    %add3A_302 = vector.broadcast %convert_element_type3A_301 : f32 to vector<64x128xf32>
    %add3A_303 = arith.addf %add3A_302, %add3A_294 : vector<64x128xf32>
    %mul3A_304 = arith.mulf %convert_element_type3A_287, %add3A_303 : vector<64x128xf32>
    %add3A_305 = arith.addf %add3A_229, %mul3A_304 : vector<64x128xf32>
    %add3A_306 = arith.constant 255 : i32
    %add3A_307 = arith.addi %convert_element_type3A_300, %add3A_306 : i32
    %jit3A_308 = arith.constant 256 : i32
    %div3A_309 = arith.divsi %add3A_307, %jit3A_308 : i32
    %sign3A_310 = arith.constant 0 : i32
    %sign3A_311 = arith.cmpi sgt, %add3A_307, %sign3A_310 : i32
    %sign3A_312 = arith.extui %sign3A_311 : i1 to i32
    %sign3A_313 = arith.constant 0 : i32
    %sign3A_314 = arith.cmpi slt, %add3A_307, %sign3A_313 : i32
    %sign3A_315 = arith.extui %sign3A_314 : i1 to i32
    %sign3A_316 = arith.subi %sign3A_312, %sign3A_315 : i32
    %sign3A_317 = arith.constant 0 : i32
    %sign3A_318 = arith.cmpi sgt, %jit3A_308, %sign3A_317 : i32
    %sign3A_319 = arith.extui %sign3A_318 : i1 to i32
    %sign3A_320 = arith.constant 0 : i32
    %sign3A_321 = arith.cmpi slt, %jit3A_308, %sign3A_320 : i32
    %sign3A_322 = arith.extui %sign3A_321 : i1 to i32
    %sign3A_323 = arith.subi %sign3A_319, %sign3A_322 : i32
    %ne3A_324 = arith.cmpi ne, %sign3A_316, %sign3A_323 : i32
    %rem3A_325 = arith.remsi %add3A_307, %jit3A_308 : i32
    %ne3A_326 = arith.constant 0 : i32
    %ne3A_327 = arith.cmpi ne, %rem3A_325, %ne3A_326 : i32
    %and3A_328 = arith.andi %ne3A_324, %ne3A_327 : i1
    %sub3A_329 = arith.constant 1 : i32
    %sub3A_330 = arith.subi %div3A_309, %sub3A_329 : i32
    %select_n3A_331 = arith.select %and3A_328, %sub3A_330, %div3A_309 : i32
    %jit3A_332 = arith.constant 256 : i32
    %div3A_333 = arith.divsi %add3A_282, %jit3A_332 : i32
    %sign3A_334 = arith.constant 0 : i32
    %sign3A_335 = arith.cmpi sgt, %add3A_282, %sign3A_334 : i32
    %sign3A_336 = arith.extui %sign3A_335 : i1 to i32
    %sign3A_337 = arith.constant 0 : i32
    %sign3A_338 = arith.cmpi slt, %add3A_282, %sign3A_337 : i32
    %sign3A_339 = arith.extui %sign3A_338 : i1 to i32
    %sign3A_340 = arith.subi %sign3A_336, %sign3A_339 : i32
    %sign3A_341 = arith.constant 0 : i32
    %sign3A_342 = arith.cmpi sgt, %jit3A_332, %sign3A_341 : i32
    %sign3A_343 = arith.extui %sign3A_342 : i1 to i32
    %sign3A_344 = arith.constant 0 : i32
    %sign3A_345 = arith.cmpi slt, %jit3A_332, %sign3A_344 : i32
    %sign3A_346 = arith.extui %sign3A_345 : i1 to i32
    %sign3A_347 = arith.subi %sign3A_343, %sign3A_346 : i32
    %ne3A_348 = arith.cmpi ne, %sign3A_340, %sign3A_347 : i32
    %rem3A_349 = arith.remsi %add3A_282, %jit3A_332 : i32
    %ne3A_350 = arith.constant 0 : i32
    %ne3A_351 = arith.cmpi ne, %rem3A_349, %ne3A_350 : i32
    %and3A_352 = arith.andi %ne3A_348, %ne3A_351 : i1
    %sub3A_353 = arith.constant 1 : i32
    %sub3A_354 = arith.subi %div3A_333, %sub3A_353 : i32
    %select_n3A_355 = arith.select %and3A_352, %sub3A_354, %div3A_333 : i32
    %mul3A_356 = arith.constant 256 : i32
    %mul3A_357 = arith.muli %select_n3A_331, %mul3A_356 : i32
    %add3A_358 = arith.addi %add3A_282, %mul3A_357 : i32
    %eq3A_359 = arith.constant 5 : i32
    %eq3A_360 = vector.broadcast %eq3A_359 : i32 to vector<64x128xi32>
    %eq3A_361 = arith.cmpi eq, %concatenate3A, %eq3A_360 : vector<64x128xi32>
    %convert_element_type3A_362 = arith.extui %eq3A_361 : vector<64x128xi1> to vector<64x128xi32>
    %convert_element_type3A_363 = arith.sitofp %convert_element_type3A_362 : vector<64x128xi32> to vector<64x128xf32>
    %dot_general3A_364 = arith.constant dense<0.000000e+00> : vector<64x128xf32>
    %dot_general3A_365 = tpu.matmul %convert_element_type3A_6, %convert_element_type3A_363, %dot_general3A_364 {dimension_numbers = #tpu.dot_dimension_numbers<[1], [0], [0], [1], [0, 0, 1, 1], [], []>, transpose_lhs_hint = false} : vector<64x64xf32>, vector<64x128xf32>, vector<64x128xf32> -> vector<64x128xf32>
    %dot_general3A_366 = arith.constant dense<0.000000e+00> : vector<64x128xf32>
    %dot_general3A_367 = tpu.matmul %dot_general3A_365, %broadcast_in_dim3A_12, %dot_general3A_366 {dimension_numbers = #tpu.dot_dimension_numbers<[1], [0], [0], [1], [0, 0, 1, 1], [], []>, transpose_lhs_hint = false} : vector<64x128xf32>, vector<128x128xf32>, vector<64x128xf32> -> vector<64x128xf32>
    %dot_general3A_368 = arith.constant dense<0.000000e+00> : vector<64x128xf32>
    %dot_general3A_369 = tpu.matmul %convert_element_type3A_363, %convert_element_type3A_11, %dot_general3A_368 {dimension_numbers = #tpu.dot_dimension_numbers<[1], [0], [0], [1], [0, 0, 1, 1], [], []>, transpose_lhs_hint = false} : vector<64x128xf32>, vector<128x128xf32>, vector<64x128xf32> -> vector<64x128xf32>
    %add3A_370 = arith.addf %dot_general3A_367, %dot_general3A_369 : vector<64x128xf32>
    %reduce_sum3A_371 = vector.shape_cast %convert_element_type3A_363 : vector<64x128xf32> to vector<1x64x128xf32>
    %reduce_sum3A_372 = arith.constant dense<0.000000e+00> : vector<1xf32>
    %reduce_sum3A_373 = vector.multi_reduction <add>, %reduce_sum3A_371, %reduce_sum3A_372 [1, 2] : vector<1x64x128xf32> to vector<1xf32>
    %reduce_sum3A_374 = vector.shape_cast %reduce_sum3A_373 : vector<1xf32> to vector<1x1x1xf32>
    %reduce_sum3A_375 = vector.extract %reduce_sum3A_374[0, 0, 0] : f32 from vector<1x1x1xf32>
    %convert_element_type3A_376 = arith.fptosi %reduce_sum3A_375 : f32 to i32
    %convert_element_type3A_377 = arith.sitofp %add3A_358 : i32 to f32
    %add3A_378 = vector.broadcast %convert_element_type3A_377 : f32 to vector<64x128xf32>
    %add3A_379 = arith.addf %add3A_378, %add3A_370 : vector<64x128xf32>
    %mul3A_380 = arith.mulf %convert_element_type3A_363, %add3A_379 : vector<64x128xf32>
    %add3A_381 = arith.addf %add3A_305, %mul3A_380 : vector<64x128xf32>
    %add3A_382 = arith.constant 255 : i32
    %add3A_383 = arith.addi %convert_element_type3A_376, %add3A_382 : i32
    %jit3A_384 = arith.constant 256 : i32
    %div3A_385 = arith.divsi %add3A_383, %jit3A_384 : i32
    %sign3A_386 = arith.constant 0 : i32
    %sign3A_387 = arith.cmpi sgt, %add3A_383, %sign3A_386 : i32
    %sign3A_388 = arith.extui %sign3A_387 : i1 to i32
    %sign3A_389 = arith.constant 0 : i32
    %sign3A_390 = arith.cmpi slt, %add3A_383, %sign3A_389 : i32
    %sign3A_391 = arith.extui %sign3A_390 : i1 to i32
    %sign3A_392 = arith.subi %sign3A_388, %sign3A_391 : i32
    %sign3A_393 = arith.constant 0 : i32
    %sign3A_394 = arith.cmpi sgt, %jit3A_384, %sign3A_393 : i32
    %sign3A_395 = arith.extui %sign3A_394 : i1 to i32
    %sign3A_396 = arith.constant 0 : i32
    %sign3A_397 = arith.cmpi slt, %jit3A_384, %sign3A_396 : i32
    %sign3A_398 = arith.extui %sign3A_397 : i1 to i32
    %sign3A_399 = arith.subi %sign3A_395, %sign3A_398 : i32
    %ne3A_400 = arith.cmpi ne, %sign3A_392, %sign3A_399 : i32
    %rem3A_401 = arith.remsi %add3A_383, %jit3A_384 : i32
    %ne3A_402 = arith.constant 0 : i32
    %ne3A_403 = arith.cmpi ne, %rem3A_401, %ne3A_402 : i32
    %and3A_404 = arith.andi %ne3A_400, %ne3A_403 : i1
    %sub3A_405 = arith.constant 1 : i32
    %sub3A_406 = arith.subi %div3A_385, %sub3A_405 : i32
    %select_n3A_407 = arith.select %and3A_404, %sub3A_406, %div3A_385 : i32
    %jit3A_408 = arith.constant 256 : i32
    %div3A_409 = arith.divsi %add3A_358, %jit3A_408 : i32
    %sign3A_410 = arith.constant 0 : i32
    %sign3A_411 = arith.cmpi sgt, %add3A_358, %sign3A_410 : i32
    %sign3A_412 = arith.extui %sign3A_411 : i1 to i32
    %sign3A_413 = arith.constant 0 : i32
    %sign3A_414 = arith.cmpi slt, %add3A_358, %sign3A_413 : i32
    %sign3A_415 = arith.extui %sign3A_414 : i1 to i32
    %sign3A_416 = arith.subi %sign3A_412, %sign3A_415 : i32
    %sign3A_417 = arith.constant 0 : i32
    %sign3A_418 = arith.cmpi sgt, %jit3A_408, %sign3A_417 : i32
    %sign3A_419 = arith.extui %sign3A_418 : i1 to i32
    %sign3A_420 = arith.constant 0 : i32
    %sign3A_421 = arith.cmpi slt, %jit3A_408, %sign3A_420 : i32
    %sign3A_422 = arith.extui %sign3A_421 : i1 to i32
    %sign3A_423 = arith.subi %sign3A_419, %sign3A_422 : i32
    %ne3A_424 = arith.cmpi ne, %sign3A_416, %sign3A_423 : i32
    %rem3A_425 = arith.remsi %add3A_358, %jit3A_408 : i32
    %ne3A_426 = arith.constant 0 : i32
    %ne3A_427 = arith.cmpi ne, %rem3A_425, %ne3A_426 : i32
    %and3A_428 = arith.andi %ne3A_424, %ne3A_427 : i1
    %sub3A_429 = arith.constant 1 : i32
    %sub3A_430 = arith.subi %div3A_409, %sub3A_429 : i32
    %select_n3A_431 = arith.select %and3A_428, %sub3A_430, %div3A_409 : i32
    %mul3A_432 = arith.constant 256 : i32
    %mul3A_433 = arith.muli %select_n3A_407, %mul3A_432 : i32
    %add3A_434 = arith.addi %add3A_358, %mul3A_433 : i32
    %eq3A_435 = arith.constant 6 : i32
    %eq3A_436 = vector.broadcast %eq3A_435 : i32 to vector<64x128xi32>
    %eq3A_437 = arith.cmpi eq, %concatenate3A, %eq3A_436 : vector<64x128xi32>
    %convert_element_type3A_438 = arith.extui %eq3A_437 : vector<64x128xi1> to vector<64x128xi32>
    %convert_element_type3A_439 = arith.sitofp %convert_element_type3A_438 : vector<64x128xi32> to vector<64x128xf32>
    %dot_general3A_440 = arith.constant dense<0.000000e+00> : vector<64x128xf32>
    %dot_general3A_441 = tpu.matmul %convert_element_type3A_6, %convert_element_type3A_439, %dot_general3A_440 {dimension_numbers = #tpu.dot_dimension_numbers<[1], [0], [0], [1], [0, 0, 1, 1], [], []>, transpose_lhs_hint = false} : vector<64x64xf32>, vector<64x128xf32>, vector<64x128xf32> -> vector<64x128xf32>
    %dot_general3A_442 = arith.constant dense<0.000000e+00> : vector<64x128xf32>
    %dot_general3A_443 = tpu.matmul %dot_general3A_441, %broadcast_in_dim3A_12, %dot_general3A_442 {dimension_numbers = #tpu.dot_dimension_numbers<[1], [0], [0], [1], [0, 0, 1, 1], [], []>, transpose_lhs_hint = false} : vector<64x128xf32>, vector<128x128xf32>, vector<64x128xf32> -> vector<64x128xf32>
    %dot_general3A_444 = arith.constant dense<0.000000e+00> : vector<64x128xf32>
    %dot_general3A_445 = tpu.matmul %convert_element_type3A_439, %convert_element_type3A_11, %dot_general3A_444 {dimension_numbers = #tpu.dot_dimension_numbers<[1], [0], [0], [1], [0, 0, 1, 1], [], []>, transpose_lhs_hint = false} : vector<64x128xf32>, vector<128x128xf32>, vector<64x128xf32> -> vector<64x128xf32>
    %add3A_446 = arith.addf %dot_general3A_443, %dot_general3A_445 : vector<64x128xf32>
    %reduce_sum3A_447 = vector.shape_cast %convert_element_type3A_439 : vector<64x128xf32> to vector<1x64x128xf32>
    %reduce_sum3A_448 = arith.constant dense<0.000000e+00> : vector<1xf32>
    %reduce_sum3A_449 = vector.multi_reduction <add>, %reduce_sum3A_447, %reduce_sum3A_448 [1, 2] : vector<1x64x128xf32> to vector<1xf32>
    %reduce_sum3A_450 = vector.shape_cast %reduce_sum3A_449 : vector<1xf32> to vector<1x1x1xf32>
    %reduce_sum3A_451 = vector.extract %reduce_sum3A_450[0, 0, 0] : f32 from vector<1x1x1xf32>
    %convert_element_type3A_452 = arith.fptosi %reduce_sum3A_451 : f32 to i32
    %convert_element_type3A_453 = arith.sitofp %add3A_434 : i32 to f32
    %add3A_454 = vector.broadcast %convert_element_type3A_453 : f32 to vector<64x128xf32>
    %add3A_455 = arith.addf %add3A_454, %add3A_446 : vector<64x128xf32>
    %mul3A_456 = arith.mulf %convert_element_type3A_439, %add3A_455 : vector<64x128xf32>
    %add3A_457 = arith.addf %add3A_381, %mul3A_456 : vector<64x128xf32>
    %add3A_458 = arith.constant 255 : i32
    %add3A_459 = arith.addi %convert_element_type3A_452, %add3A_458 : i32
    %jit3A_460 = arith.constant 256 : i32
    %div3A_461 = arith.divsi %add3A_459, %jit3A_460 : i32
    %sign3A_462 = arith.constant 0 : i32
    %sign3A_463 = arith.cmpi sgt, %add3A_459, %sign3A_462 : i32
    %sign3A_464 = arith.extui %sign3A_463 : i1 to i32
    %sign3A_465 = arith.constant 0 : i32
    %sign3A_466 = arith.cmpi slt, %add3A_459, %sign3A_465 : i32
    %sign3A_467 = arith.extui %sign3A_466 : i1 to i32
    %sign3A_468 = arith.subi %sign3A_464, %sign3A_467 : i32
    %sign3A_469 = arith.constant 0 : i32
    %sign3A_470 = arith.cmpi sgt, %jit3A_460, %sign3A_469 : i32
    %sign3A_471 = arith.extui %sign3A_470 : i1 to i32
    %sign3A_472 = arith.constant 0 : i32
    %sign3A_473 = arith.cmpi slt, %jit3A_460, %sign3A_472 : i32
    %sign3A_474 = arith.extui %sign3A_473 : i1 to i32
    %sign3A_475 = arith.subi %sign3A_471, %sign3A_474 : i32
    %ne3A_476 = arith.cmpi ne, %sign3A_468, %sign3A_475 : i32
    %rem3A_477 = arith.remsi %add3A_459, %jit3A_460 : i32
    %ne3A_478 = arith.constant 0 : i32
    %ne3A_479 = arith.cmpi ne, %rem3A_477, %ne3A_478 : i32
    %and3A_480 = arith.andi %ne3A_476, %ne3A_479 : i1
    %sub3A_481 = arith.constant 1 : i32
    %sub3A_482 = arith.subi %div3A_461, %sub3A_481 : i32
    %select_n3A_483 = arith.select %and3A_480, %sub3A_482, %div3A_461 : i32
    %jit3A_484 = arith.constant 256 : i32
    %div3A_485 = arith.divsi %add3A_434, %jit3A_484 : i32
    %sign3A_486 = arith.constant 0 : i32
    %sign3A_487 = arith.cmpi sgt, %add3A_434, %sign3A_486 : i32
    %sign3A_488 = arith.extui %sign3A_487 : i1 to i32
    %sign3A_489 = arith.constant 0 : i32
    %sign3A_490 = arith.cmpi slt, %add3A_434, %sign3A_489 : i32
    %sign3A_491 = arith.extui %sign3A_490 : i1 to i32
    %sign3A_492 = arith.subi %sign3A_488, %sign3A_491 : i32
    %sign3A_493 = arith.constant 0 : i32
    %sign3A_494 = arith.cmpi sgt, %jit3A_484, %sign3A_493 : i32
    %sign3A_495 = arith.extui %sign3A_494 : i1 to i32
    %sign3A_496 = arith.constant 0 : i32
    %sign3A_497 = arith.cmpi slt, %jit3A_484, %sign3A_496 : i32
    %sign3A_498 = arith.extui %sign3A_497 : i1 to i32
    %sign3A_499 = arith.subi %sign3A_495, %sign3A_498 : i32
    %ne3A_500 = arith.cmpi ne, %sign3A_492, %sign3A_499 : i32
    %rem3A_501 = arith.remsi %add3A_434, %jit3A_484 : i32
    %ne3A_502 = arith.constant 0 : i32
    %ne3A_503 = arith.cmpi ne, %rem3A_501, %ne3A_502 : i32
    %and3A_504 = arith.andi %ne3A_500, %ne3A_503 : i1
    %sub3A_505 = arith.constant 1 : i32
    %sub3A_506 = arith.subi %div3A_485, %sub3A_505 : i32
    %select_n3A_507 = arith.select %and3A_504, %sub3A_506, %div3A_485 : i32
    %mul3A_508 = arith.constant 256 : i32
    %mul3A_509 = arith.muli %select_n3A_483, %mul3A_508 : i32
    %add3A_510 = arith.addi %add3A_434, %mul3A_509 : i32
    %eq3A_511 = arith.constant 7 : i32
    %eq3A_512 = vector.broadcast %eq3A_511 : i32 to vector<64x128xi32>
    %eq3A_513 = arith.cmpi eq, %concatenate3A, %eq3A_512 : vector<64x128xi32>
    %convert_element_type3A_514 = arith.extui %eq3A_513 : vector<64x128xi1> to vector<64x128xi32>
    %convert_element_type3A_515 = arith.sitofp %convert_element_type3A_514 : vector<64x128xi32> to vector<64x128xf32>
    %dot_general3A_516 = arith.constant dense<0.000000e+00> : vector<64x128xf32>
    %dot_general3A_517 = tpu.matmul %convert_element_type3A_6, %convert_element_type3A_515, %dot_general3A_516 {dimension_numbers = #tpu.dot_dimension_numbers<[1], [0], [0], [1], [0, 0, 1, 1], [], []>, transpose_lhs_hint = false} : vector<64x64xf32>, vector<64x128xf32>, vector<64x128xf32> -> vector<64x128xf32>
    %dot_general3A_518 = arith.constant dense<0.000000e+00> : vector<64x128xf32>
    %dot_general3A_519 = tpu.matmul %dot_general3A_517, %broadcast_in_dim3A_12, %dot_general3A_518 {dimension_numbers = #tpu.dot_dimension_numbers<[1], [0], [0], [1], [0, 0, 1, 1], [], []>, transpose_lhs_hint = false} : vector<64x128xf32>, vector<128x128xf32>, vector<64x128xf32> -> vector<64x128xf32>
    %dot_general3A_520 = arith.constant dense<0.000000e+00> : vector<64x128xf32>
    %dot_general3A_521 = tpu.matmul %convert_element_type3A_515, %convert_element_type3A_11, %dot_general3A_520 {dimension_numbers = #tpu.dot_dimension_numbers<[1], [0], [0], [1], [0, 0, 1, 1], [], []>, transpose_lhs_hint = false} : vector<64x128xf32>, vector<128x128xf32>, vector<64x128xf32> -> vector<64x128xf32>
    %add3A_522 = arith.addf %dot_general3A_519, %dot_general3A_521 : vector<64x128xf32>
    %reduce_sum3A_523 = vector.shape_cast %convert_element_type3A_515 : vector<64x128xf32> to vector<1x64x128xf32>
    %reduce_sum3A_524 = arith.constant dense<0.000000e+00> : vector<1xf32>
    %reduce_sum3A_525 = vector.multi_reduction <add>, %reduce_sum3A_523, %reduce_sum3A_524 [1, 2] : vector<1x64x128xf32> to vector<1xf32>
    %reduce_sum3A_526 = vector.shape_cast %reduce_sum3A_525 : vector<1xf32> to vector<1x1x1xf32>
    %reduce_sum3A_527 = vector.extract %reduce_sum3A_526[0, 0, 0] : f32 from vector<1x1x1xf32>
    %convert_element_type3A_528 = arith.fptosi %reduce_sum3A_527 : f32 to i32
    %convert_element_type3A_529 = arith.sitofp %add3A_510 : i32 to f32
    %add3A_530 = vector.broadcast %convert_element_type3A_529 : f32 to vector<64x128xf32>
    %add3A_531 = arith.addf %add3A_530, %add3A_522 : vector<64x128xf32>
    %mul3A_532 = arith.mulf %convert_element_type3A_515, %add3A_531 : vector<64x128xf32>
    %add3A_533 = arith.addf %add3A_457, %mul3A_532 : vector<64x128xf32>
    %add3A_534 = arith.constant 255 : i32
    %add3A_535 = arith.addi %convert_element_type3A_528, %add3A_534 : i32
    %jit3A_536 = arith.constant 256 : i32
    %div3A_537 = arith.divsi %add3A_535, %jit3A_536 : i32
    %sign3A_538 = arith.constant 0 : i32
    %sign3A_539 = arith.cmpi sgt, %add3A_535, %sign3A_538 : i32
    %sign3A_540 = arith.extui %sign3A_539 : i1 to i32
    %sign3A_541 = arith.constant 0 : i32
    %sign3A_542 = arith.cmpi slt, %add3A_535, %sign3A_541 : i32
    %sign3A_543 = arith.extui %sign3A_542 : i1 to i32
    %sign3A_544 = arith.subi %sign3A_540, %sign3A_543 : i32
    %sign3A_545 = arith.constant 0 : i32
    %sign3A_546 = arith.cmpi sgt, %jit3A_536, %sign3A_545 : i32
    %sign3A_547 = arith.extui %sign3A_546 : i1 to i32
    %sign3A_548 = arith.constant 0 : i32
    %sign3A_549 = arith.cmpi slt, %jit3A_536, %sign3A_548 : i32
    %sign3A_550 = arith.extui %sign3A_549 : i1 to i32
    %sign3A_551 = arith.subi %sign3A_547, %sign3A_550 : i32
    %ne3A_552 = arith.cmpi ne, %sign3A_544, %sign3A_551 : i32
    %rem3A_553 = arith.remsi %add3A_535, %jit3A_536 : i32
    %ne3A_554 = arith.constant 0 : i32
    %ne3A_555 = arith.cmpi ne, %rem3A_553, %ne3A_554 : i32
    %and3A_556 = arith.andi %ne3A_552, %ne3A_555 : i1
    %sub3A_557 = arith.constant 1 : i32
    %sub3A_558 = arith.subi %div3A_537, %sub3A_557 : i32
    %select_n3A_559 = arith.select %and3A_556, %sub3A_558, %div3A_537 : i32
    %jit3A_560 = arith.constant 256 : i32
    %div3A_561 = arith.divsi %add3A_510, %jit3A_560 : i32
    %sign3A_562 = arith.constant 0 : i32
    %sign3A_563 = arith.cmpi sgt, %add3A_510, %sign3A_562 : i32
    %sign3A_564 = arith.extui %sign3A_563 : i1 to i32
    %sign3A_565 = arith.constant 0 : i32
    %sign3A_566 = arith.cmpi slt, %add3A_510, %sign3A_565 : i32
    %sign3A_567 = arith.extui %sign3A_566 : i1 to i32
    %sign3A_568 = arith.subi %sign3A_564, %sign3A_567 : i32
    %sign3A_569 = arith.constant 0 : i32
    %sign3A_570 = arith.cmpi sgt, %jit3A_560, %sign3A_569 : i32
    %sign3A_571 = arith.extui %sign3A_570 : i1 to i32
    %sign3A_572 = arith.constant 0 : i32
    %sign3A_573 = arith.cmpi slt, %jit3A_560, %sign3A_572 : i32
    %sign3A_574 = arith.extui %sign3A_573 : i1 to i32
    %sign3A_575 = arith.subi %sign3A_571, %sign3A_574 : i32
    %ne3A_576 = arith.cmpi ne, %sign3A_568, %sign3A_575 : i32
    %rem3A_577 = arith.remsi %add3A_510, %jit3A_560 : i32
    %ne3A_578 = arith.constant 0 : i32
    %ne3A_579 = arith.cmpi ne, %rem3A_577, %ne3A_578 : i32
    %and3A_580 = arith.andi %ne3A_576, %ne3A_579 : i1
    %sub3A_581 = arith.constant 1 : i32
    %sub3A_582 = arith.subi %div3A_561, %sub3A_581 : i32
    %select_n3A_583 = arith.select %and3A_580, %sub3A_582, %div3A_561 : i32
    %mul3A_584 = arith.constant 256 : i32
    %mul3A_585 = arith.muli %select_n3A_559, %mul3A_584 : i32
    %add3A_586 = arith.addi %add3A_510, %mul3A_585 : i32
    %convert_element_type3A_587 = arith.fptosi %add3A_533 : vector<64x128xf32> to vector<64x128xi32>
    %slice3A = vector.extract_strided_slice %convert_element_type3A_587 {offsets = [0, 0], sizes = [32, 128], strides = [1, 1]} : vector<64x128xi32> to vector<32x128xi32>
    %swap3A = arith.constant 0 : index
    %swap3A_588 = arith.constant 0 : index
    %swap3A_589 = vector.load %arg3[%swap3A, %swap3A_588] : memref<32x128xi32, #tpu.memory_space<vmem>>, vector<32x128xi32>
    tpu.vector_store %arg3[%swap3A, %swap3A_588], %slice3A {strides = array<i32>} : memref<32x128xi32, #tpu.memory_space<vmem>>, vector<32x128xi32>,
    %slice3A_590 = vector.extract_strided_slice %convert_element_type3A_587 {offsets = [32, 0], sizes = [32, 128], strides = [1, 1]} : vector<64x128xi32> to vector<32x128xi32>
    %swap3A_591 = arith.constant 0 : index
    %swap3A_592 = arith.constant 0 : index
    %swap3A_593 = vector.load %arg4[%swap3A_591, %swap3A_592] : memref<32x128xi32, #tpu.memory_space<vmem>>, vector<32x128xi32>
    tpu.vector_store %arg4[%swap3A_591, %swap3A_592], %slice3A_590 {strides = array<i32>} : memref<32x128xi32, #tpu.memory_space<vmem>>, vector<32x128xi32>,
    %iota3A_594 = tpu.iota {dimensions = array<i32: 1>} : vector<8x128xi32>
    %broadcast_in_dim3A_595 = arith.constant 0 : i32
    %broadcast_in_dim3A_596 = vector.broadcast %broadcast_in_dim3A_595 : i32 to vector<8x128xi32>
    %broadcast_in_dim3A_597 = arith.constant 0 : i32
    %broadcast_in_dim3A_598 = vector.broadcast %broadcast_in_dim3A_597 : i32 to vector<8x128xi32>
    %broadcast_in_dim3A_599 = arith.constant 0 : i32
    %broadcast_in_dim3A_600 = vector.broadcast %broadcast_in_dim3A_599 : i32 to vector<8x128xi32>
    %ge3A = arith.constant 0 : i32
    %ge3A_601 = vector.broadcast %ge3A : i32 to vector<8x128xi32>
    %ge3A_602 = arith.cmpi sge, %iota3A_594, %ge3A_601 : vector<8x128xi32>
    %add3A_603 = arith.constant 0 : i32
    %add3A_604 = arith.addi %add3A_603, %select_n3A : i32
    %lt3A_605 = vector.broadcast %add3A_604 : i32 to vector<8x128xi32>
    %lt3A_606 = arith.cmpi slt, %iota3A_594, %lt3A_605 : vector<8x128xi32>
    %and3A_607 = arith.andi %ge3A_602, %lt3A_606 : vector<8x128xi1>
    %convert_element_type3A_608 = arith.extui %and3A_607 : vector<8x128xi1> to vector<8x128xi32>
    %mul3A_609 = arith.constant 0 : i32
    %mul3A_610 = vector.broadcast %mul3A_609 : i32 to vector<8x128xi32>
    %mul3A_611 = arith.muli %mul3A_610, %convert_element_type3A_608 : vector<8x128xi32>
    %add3A_612 = arith.addi %broadcast_in_dim3A_596, %mul3A_611 : vector<8x128xi32>
    %mul3A_613 = arith.constant 0 : i32
    %mul3A_614 = vector.broadcast %mul3A_613 : i32 to vector<8x128xi32>
    %mul3A_615 = arith.muli %mul3A_614, %convert_element_type3A_608 : vector<8x128xi32>
    %add3A_616 = arith.addi %broadcast_in_dim3A_598, %mul3A_615 : vector<8x128xi32>
    %gt3A = arith.constant 0 : i32
    %gt3A_617 = arith.cmpi sgt, %select_n3A, %gt3A : i32
    %convert_element_type3A_618 = arith.extui %gt3A_617 : i1 to i32
    %eq3A_619 = arith.constant 0 : i32
    %eq3A_620 = vector.broadcast %eq3A_619 : i32 to vector<8x128xi32>
    %eq3A_621 = arith.cmpi eq, %iota3A_594, %eq3A_620 : vector<8x128xi32>
    %convert_element_type3A_622 = arith.extui %eq3A_621 : vector<8x128xi1> to vector<8x128xi32>
    %mul3A_623 = vector.broadcast %convert_element_type3A_618 : i32 to vector<8x128xi32>
    %mul3A_624 = arith.muli %convert_element_type3A_622, %mul3A_623 : vector<8x128xi32>
    %mul3A_625 = arith.constant 0 : i32
    %mul3A_626 = vector.broadcast %mul3A_625 : i32 to vector<8x128xi32>
    %mul3A_627 = arith.muli %mul3A_626, %mul3A_624 : vector<8x128xi32>
    %add3A_628 = arith.addi %broadcast_in_dim3A_600, %mul3A_627 : vector<8x128xi32>
    %add3A_629 = arith.constant 0 : i32
    %add3A_630 = arith.addi %add3A_629, %convert_element_type3A_618 : i32
    %ge3A_631 = vector.broadcast %select_n3A_127 : i32 to vector<8x128xi32>
    %ge3A_632 = arith.cmpi sge, %iota3A_594, %ge3A_631 : vector<8x128xi32>
    %add3A_633 = arith.addi %select_n3A_127, %select_n3A_103 : i32
    %lt3A_634 = vector.broadcast %add3A_633 : i32 to vector<8x128xi32>
    %lt3A_635 = arith.cmpi slt, %iota3A_594, %lt3A_634 : vector<8x128xi32>
    %and3A_636 = arith.andi %ge3A_632, %lt3A_635 : vector<8x128xi1>
    %convert_element_type3A_637 = arith.extui %and3A_636 : vector<8x128xi1> to vector<8x128xi32>
    %mul3A_638 = arith.constant 1 : i32
    %mul3A_639 = vector.broadcast %mul3A_638 : i32 to vector<8x128xi32>
    %mul3A_640 = arith.muli %mul3A_639, %convert_element_type3A_637 : vector<8x128xi32>
    %add3A_641 = arith.addi %add3A_612, %mul3A_640 : vector<8x128xi32>
    %mul3A_642 = vector.broadcast %add3A_630 : i32 to vector<8x128xi32>
    %mul3A_643 = arith.muli %mul3A_642, %convert_element_type3A_637 : vector<8x128xi32>
    %add3A_644 = arith.addi %add3A_616, %mul3A_643 : vector<8x128xi32>
    %gt3A_645 = arith.constant 0 : i32
    %gt3A_646 = arith.cmpi sgt, %select_n3A_103, %gt3A_645 : i32
    %convert_element_type3A_647 = arith.extui %gt3A_646 : i1 to i32
    %eq3A_648 = vector.broadcast %add3A_630 : i32 to vector<8x128xi32>
    %eq3A_649 = arith.cmpi eq, %iota3A_594, %eq3A_648 : vector<8x128xi32>
    %convert_element_type3A_650 = arith.extui %eq3A_649 : vector<8x128xi1> to vector<8x128xi32>
    %mul3A_651 = vector.broadcast %convert_element_type3A_647 : i32 to vector<8x128xi32>
    %mul3A_652 = arith.muli %convert_element_type3A_650, %mul3A_651 : vector<8x128xi32>
    %mul3A_653 = arith.constant 1 : i32
    %mul3A_654 = vector.broadcast %mul3A_653 : i32 to vector<8x128xi32>
    %mul3A_655 = arith.muli %mul3A_654, %mul3A_652 : vector<8x128xi32>
    %add3A_656 = arith.addi %add3A_628, %mul3A_655 : vector<8x128xi32>
    %add3A_657 = arith.addi %add3A_630, %convert_element_type3A_647 : i32
    %ge3A_658 = vector.broadcast %select_n3A_203 : i32 to vector<8x128xi32>
    %ge3A_659 = arith.cmpi sge, %iota3A_594, %ge3A_658 : vector<8x128xi32>
    %add3A_660 = arith.addi %select_n3A_203, %select_n3A_179 : i32
    %lt3A_661 = vector.broadcast %add3A_660 : i32 to vector<8x128xi32>
    %lt3A_662 = arith.cmpi slt, %iota3A_594, %lt3A_661 : vector<8x128xi32>
    %and3A_663 = arith.andi %ge3A_659, %lt3A_662 : vector<8x128xi1>
    %convert_element_type3A_664 = arith.extui %and3A_663 : vector<8x128xi1> to vector<8x128xi32>
    %mul3A_665 = arith.constant 2 : i32
    %mul3A_666 = vector.broadcast %mul3A_665 : i32 to vector<8x128xi32>
    %mul3A_667 = arith.muli %mul3A_666, %convert_element_type3A_664 : vector<8x128xi32>
    %add3A_668 = arith.addi %add3A_641, %mul3A_667 : vector<8x128xi32>
    %mul3A_669 = vector.broadcast %add3A_657 : i32 to vector<8x128xi32>
    %mul3A_670 = arith.muli %mul3A_669, %convert_element_type3A_664 : vector<8x128xi32>
    %add3A_671 = arith.addi %add3A_644, %mul3A_670 : vector<8x128xi32>
    %gt3A_672 = arith.constant 0 : i32
    %gt3A_673 = arith.cmpi sgt, %select_n3A_179, %gt3A_672 : i32
    %convert_element_type3A_674 = arith.extui %gt3A_673 : i1 to i32
    %eq3A_675 = vector.broadcast %add3A_657 : i32 to vector<8x128xi32>
    %eq3A_676 = arith.cmpi eq, %iota3A_594, %eq3A_675 : vector<8x128xi32>
    %convert_element_type3A_677 = arith.extui %eq3A_676 : vector<8x128xi1> to vector<8x128xi32>
    %mul3A_678 = vector.broadcast %convert_element_type3A_674 : i32 to vector<8x128xi32>
    %mul3A_679 = arith.muli %convert_element_type3A_677, %mul3A_678 : vector<8x128xi32>
    %mul3A_680 = arith.constant 2 : i32
    %mul3A_681 = vector.broadcast %mul3A_680 : i32 to vector<8x128xi32>
    %mul3A_682 = arith.muli %mul3A_681, %mul3A_679 : vector<8x128xi32>
    %add3A_683 = arith.addi %add3A_656, %mul3A_682 : vector<8x128xi32>
    %add3A_684 = arith.addi %add3A_657, %convert_element_type3A_674 : i32
    %ge3A_685 = vector.broadcast %select_n3A_279 : i32 to vector<8x128xi32>
    %ge3A_686 = arith.cmpi sge, %iota3A_594, %ge3A_685 : vector<8x128xi32>
    %add3A_687 = arith.addi %select_n3A_279, %select_n3A_255 : i32
    %lt3A_688 = vector.broadcast %add3A_687 : i32 to vector<8x128xi32>
    %lt3A_689 = arith.cmpi slt, %iota3A_594, %lt3A_688 : vector<8x128xi32>
    %and3A_690 = arith.andi %ge3A_686, %lt3A_689 : vector<8x128xi1>
    %convert_element_type3A_691 = arith.extui %and3A_690 : vector<8x128xi1> to vector<8x128xi32>
    %mul3A_692 = arith.constant 3 : i32
    %mul3A_693 = vector.broadcast %mul3A_692 : i32 to vector<8x128xi32>
    %mul3A_694 = arith.muli %mul3A_693, %convert_element_type3A_691 : vector<8x128xi32>
    %add3A_695 = arith.addi %add3A_668, %mul3A_694 : vector<8x128xi32>
    %mul3A_696 = vector.broadcast %add3A_684 : i32 to vector<8x128xi32>
    %mul3A_697 = arith.muli %mul3A_696, %convert_element_type3A_691 : vector<8x128xi32>
    %add3A_698 = arith.addi %add3A_671, %mul3A_697 : vector<8x128xi32>
    %gt3A_699 = arith.constant 0 : i32
    %gt3A_700 = arith.cmpi sgt, %select_n3A_255, %gt3A_699 : i32
    %convert_element_type3A_701 = arith.extui %gt3A_700 : i1 to i32
    %eq3A_702 = vector.broadcast %add3A_684 : i32 to vector<8x128xi32>
    %eq3A_703 = arith.cmpi eq, %iota3A_594, %eq3A_702 : vector<8x128xi32>
    %convert_element_type3A_704 = arith.extui %eq3A_703 : vector<8x128xi1> to vector<8x128xi32>
    %mul3A_705 = vector.broadcast %convert_element_type3A_701 : i32 to vector<8x128xi32>
    %mul3A_706 = arith.muli %convert_element_type3A_704, %mul3A_705 : vector<8x128xi32>
    %mul3A_707 = arith.constant 3 : i32
    %mul3A_708 = vector.broadcast %mul3A_707 : i32 to vector<8x128xi32>
    %mul3A_709 = arith.muli %mul3A_708, %mul3A_706 : vector<8x128xi32>
    %add3A_710 = arith.addi %add3A_683, %mul3A_709 : vector<8x128xi32>
    %add3A_711 = arith.addi %add3A_684, %convert_element_type3A_701 : i32
    %ge3A_712 = vector.broadcast %select_n3A_355 : i32 to vector<8x128xi32>
    %ge3A_713 = arith.cmpi sge, %iota3A_594, %ge3A_712 : vector<8x128xi32>
    %add3A_714 = arith.addi %select_n3A_355, %select_n3A_331 : i32
    %lt3A_715 = vector.broadcast %add3A_714 : i32 to vector<8x128xi32>
    %lt3A_716 = arith.cmpi slt, %iota3A_594, %lt3A_715 : vector<8x128xi32>
    %and3A_717 = arith.andi %ge3A_713, %lt3A_716 : vector<8x128xi1>
    %convert_element_type3A_718 = arith.extui %and3A_717 : vector<8x128xi1> to vector<8x128xi32>
    %mul3A_719 = arith.constant 4 : i32
    %mul3A_720 = vector.broadcast %mul3A_719 : i32 to vector<8x128xi32>
    %mul3A_721 = arith.muli %mul3A_720, %convert_element_type3A_718 : vector<8x128xi32>
    %add3A_722 = arith.addi %add3A_695, %mul3A_721 : vector<8x128xi32>
    %mul3A_723 = vector.broadcast %add3A_711 : i32 to vector<8x128xi32>
    %mul3A_724 = arith.muli %mul3A_723, %convert_element_type3A_718 : vector<8x128xi32>
    %add3A_725 = arith.addi %add3A_698, %mul3A_724 : vector<8x128xi32>
    %gt3A_726 = arith.constant 0 : i32
    %gt3A_727 = arith.cmpi sgt, %select_n3A_331, %gt3A_726 : i32
    %convert_element_type3A_728 = arith.extui %gt3A_727 : i1 to i32
    %eq3A_729 = vector.broadcast %add3A_711 : i32 to vector<8x128xi32>
    %eq3A_730 = arith.cmpi eq, %iota3A_594, %eq3A_729 : vector<8x128xi32>
    %convert_element_type3A_731 = arith.extui %eq3A_730 : vector<8x128xi1> to vector<8x128xi32>
    %mul3A_732 = vector.broadcast %convert_element_type3A_728 : i32 to vector<8x128xi32>
    %mul3A_733 = arith.muli %convert_element_type3A_731, %mul3A_732 : vector<8x128xi32>
    %mul3A_734 = arith.constant 4 : i32
    %mul3A_735 = vector.broadcast %mul3A_734 : i32 to vector<8x128xi32>
    %mul3A_736 = arith.muli %mul3A_735, %mul3A_733 : vector<8x128xi32>
    %add3A_737 = arith.addi %add3A_710, %mul3A_736 : vector<8x128xi32>
    %add3A_738 = arith.addi %add3A_711, %convert_element_type3A_728 : i32
    %ge3A_739 = vector.broadcast %select_n3A_431 : i32 to vector<8x128xi32>
    %ge3A_740 = arith.cmpi sge, %iota3A_594, %ge3A_739 : vector<8x128xi32>
    %add3A_741 = arith.addi %select_n3A_431, %select_n3A_407 : i32
    %lt3A_742 = vector.broadcast %add3A_741 : i32 to vector<8x128xi32>
    %lt3A_743 = arith.cmpi slt, %iota3A_594, %lt3A_742 : vector<8x128xi32>
    %and3A_744 = arith.andi %ge3A_740, %lt3A_743 : vector<8x128xi1>
    %convert_element_type3A_745 = arith.extui %and3A_744 : vector<8x128xi1> to vector<8x128xi32>
    %mul3A_746 = arith.constant 5 : i32
    %mul3A_747 = vector.broadcast %mul3A_746 : i32 to vector<8x128xi32>
    %mul3A_748 = arith.muli %mul3A_747, %convert_element_type3A_745 : vector<8x128xi32>
    %add3A_749 = arith.addi %add3A_722, %mul3A_748 : vector<8x128xi32>
    %mul3A_750 = vector.broadcast %add3A_738 : i32 to vector<8x128xi32>
    %mul3A_751 = arith.muli %mul3A_750, %convert_element_type3A_745 : vector<8x128xi32>
    %add3A_752 = arith.addi %add3A_725, %mul3A_751 : vector<8x128xi32>
    %gt3A_753 = arith.constant 0 : i32
    %gt3A_754 = arith.cmpi sgt, %select_n3A_407, %gt3A_753 : i32
    %convert_element_type3A_755 = arith.extui %gt3A_754 : i1 to i32
    %eq3A_756 = vector.broadcast %add3A_738 : i32 to vector<8x128xi32>
    %eq3A_757 = arith.cmpi eq, %iota3A_594, %eq3A_756 : vector<8x128xi32>
    %convert_element_type3A_758 = arith.extui %eq3A_757 : vector<8x128xi1> to vector<8x128xi32>
    %mul3A_759 = vector.broadcast %convert_element_type3A_755 : i32 to vector<8x128xi32>
    %mul3A_760 = arith.muli %convert_element_type3A_758, %mul3A_759 : vector<8x128xi32>
    %mul3A_761 = arith.constant 5 : i32
    %mul3A_762 = vector.broadcast %mul3A_761 : i32 to vector<8x128xi32>
    %mul3A_763 = arith.muli %mul3A_762, %mul3A_760 : vector<8x128xi32>
    %add3A_764 = arith.addi %add3A_737, %mul3A_763 : vector<8x128xi32>
    %add3A_765 = arith.addi %add3A_738, %convert_element_type3A_755 : i32
    %ge3A_766 = vector.broadcast %select_n3A_507 : i32 to vector<8x128xi32>
    %ge3A_767 = arith.cmpi sge, %iota3A_594, %ge3A_766 : vector<8x128xi32>
    %add3A_768 = arith.addi %select_n3A_507, %select_n3A_483 : i32
    %lt3A_769 = vector.broadcast %add3A_768 : i32 to vector<8x128xi32>
    %lt3A_770 = arith.cmpi slt, %iota3A_594, %lt3A_769 : vector<8x128xi32>
    %and3A_771 = arith.andi %ge3A_767, %lt3A_770 : vector<8x128xi1>
    %convert_element_type3A_772 = arith.extui %and3A_771 : vector<8x128xi1> to vector<8x128xi32>
    %mul3A_773 = arith.constant 6 : i32
    %mul3A_774 = vector.broadcast %mul3A_773 : i32 to vector<8x128xi32>
    %mul3A_775 = arith.muli %mul3A_774, %convert_element_type3A_772 : vector<8x128xi32>
    %add3A_776 = arith.addi %add3A_749, %mul3A_775 : vector<8x128xi32>
    %mul3A_777 = vector.broadcast %add3A_765 : i32 to vector<8x128xi32>
    %mul3A_778 = arith.muli %mul3A_777, %convert_element_type3A_772 : vector<8x128xi32>
    %add3A_779 = arith.addi %add3A_752, %mul3A_778 : vector<8x128xi32>
    %gt3A_780 = arith.constant 0 : i32
    %gt3A_781 = arith.cmpi sgt, %select_n3A_483, %gt3A_780 : i32
    %convert_element_type3A_782 = arith.extui %gt3A_781 : i1 to i32
    %eq3A_783 = vector.broadcast %add3A_765 : i32 to vector<8x128xi32>
    %eq3A_784 = arith.cmpi eq, %iota3A_594, %eq3A_783 : vector<8x128xi32>
    %convert_element_type3A_785 = arith.extui %eq3A_784 : vector<8x128xi1> to vector<8x128xi32>
    %mul3A_786 = vector.broadcast %convert_element_type3A_782 : i32 to vector<8x128xi32>
    %mul3A_787 = arith.muli %convert_element_type3A_785, %mul3A_786 : vector<8x128xi32>
    %mul3A_788 = arith.constant 6 : i32
    %mul3A_789 = vector.broadcast %mul3A_788 : i32 to vector<8x128xi32>
    %mul3A_790 = arith.muli %mul3A_789, %mul3A_787 : vector<8x128xi32>
    %add3A_791 = arith.addi %add3A_764, %mul3A_790 : vector<8x128xi32>
    %add3A_792 = arith.addi %add3A_765, %convert_element_type3A_782 : i32
    %ge3A_793 = vector.broadcast %select_n3A_583 : i32 to vector<8x128xi32>
    %ge3A_794 = arith.cmpi sge, %iota3A_594, %ge3A_793 : vector<8x128xi32>
    %add3A_795 = arith.addi %select_n3A_583, %select_n3A_559 : i32
    %lt3A_796 = vector.broadcast %add3A_795 : i32 to vector<8x128xi32>
    %lt3A_797 = arith.cmpi slt, %iota3A_594, %lt3A_796 : vector<8x128xi32>
    %and3A_798 = arith.andi %ge3A_794, %lt3A_797 : vector<8x128xi1>
    %convert_element_type3A_799 = arith.extui %and3A_798 : vector<8x128xi1> to vector<8x128xi32>
    %mul3A_800 = arith.constant 7 : i32
    %mul3A_801 = vector.broadcast %mul3A_800 : i32 to vector<8x128xi32>
    %mul3A_802 = arith.muli %mul3A_801, %convert_element_type3A_799 : vector<8x128xi32>
    %add3A_803 = arith.addi %add3A_776, %mul3A_802 : vector<8x128xi32>
    %mul3A_804 = vector.broadcast %add3A_792 : i32 to vector<8x128xi32>
    %mul3A_805 = arith.muli %mul3A_804, %convert_element_type3A_799 : vector<8x128xi32>
    %add3A_806 = arith.addi %add3A_779, %mul3A_805 : vector<8x128xi32>
    %gt3A_807 = arith.constant 0 : i32
    %gt3A_808 = arith.cmpi sgt, %select_n3A_559, %gt3A_807 : i32
    %convert_element_type3A_809 = arith.extui %gt3A_808 : i1 to i32
    %eq3A_810 = vector.broadcast %add3A_792 : i32 to vector<8x128xi32>
    %eq3A_811 = arith.cmpi eq, %iota3A_594, %eq3A_810 : vector<8x128xi32>
    %convert_element_type3A_812 = arith.extui %eq3A_811 : vector<8x128xi1> to vector<8x128xi32>
    %mul3A_813 = vector.broadcast %convert_element_type3A_809 : i32 to vector<8x128xi32>
    %mul3A_814 = arith.muli %convert_element_type3A_812, %mul3A_813 : vector<8x128xi32>
    %mul3A_815 = arith.constant 7 : i32
    %mul3A_816 = vector.broadcast %mul3A_815 : i32 to vector<8x128xi32>
    %mul3A_817 = arith.muli %mul3A_816, %mul3A_814 : vector<8x128xi32>
    %add3A_818 = arith.addi %add3A_791, %mul3A_817 : vector<8x128xi32>
    %add3A_819 = arith.addi %add3A_792, %convert_element_type3A_809 : i32
    %jit3A_820 = arith.constant 256 : i32
    %div3A_821 = arith.divsi %add3A_586, %jit3A_820 : i32
    %sign3A_822 = arith.constant 0 : i32
    %sign3A_823 = arith.cmpi sgt, %add3A_586, %sign3A_822 : i32
    %sign3A_824 = arith.extui %sign3A_823 : i1 to i32
    %sign3A_825 = arith.constant 0 : i32
    %sign3A_826 = arith.cmpi slt, %add3A_586, %sign3A_825 : i32
    %sign3A_827 = arith.extui %sign3A_826 : i1 to i32
    %sign3A_828 = arith.subi %sign3A_824, %sign3A_827 : i32
    %sign3A_829 = arith.constant 0 : i32
    %sign3A_830 = arith.cmpi sgt, %jit3A_820, %sign3A_829 : i32
    %sign3A_831 = arith.extui %sign3A_830 : i1 to i32
    %sign3A_832 = arith.constant 0 : i32
    %sign3A_833 = arith.cmpi slt, %jit3A_820, %sign3A_832 : i32
    %sign3A_834 = arith.extui %sign3A_833 : i1 to i32
    %sign3A_835 = arith.subi %sign3A_831, %sign3A_834 : i32
    %ne3A_836 = arith.cmpi ne, %sign3A_828, %sign3A_835 : i32
    %rem3A_837 = arith.remsi %add3A_586, %jit3A_820 : i32
    %ne3A_838 = arith.constant 0 : i32
    %ne3A_839 = arith.cmpi ne, %rem3A_837, %ne3A_838 : i32
    %and3A_840 = arith.andi %ne3A_836, %ne3A_839 : i1
    %sub3A_841 = arith.constant 1 : i32
    %sub3A_842 = arith.subi %div3A_821, %sub3A_841 : i32
    %select_n3A_843 = arith.select %and3A_840, %sub3A_842, %div3A_821 : i32
    %sub3A_844 = arith.constant 1 : i32
    %sub3A_845 = arith.subi %add3A_819, %sub3A_844 : i32
    %ge3A_846 = vector.broadcast %select_n3A_843 : i32 to vector<8x128xi32>
    %ge3A_847 = arith.cmpi sge, %iota3A_594, %ge3A_846 : vector<8x128xi32>
    %convert_element_type3A_848 = arith.extui %ge3A_847 : vector<8x128xi1> to vector<8x128xi32>
    %mul3A_849 = vector.broadcast %sub3A_845 : i32 to vector<8x128xi32>
    %mul3A_850 = arith.muli %mul3A_849, %convert_element_type3A_848 : vector<8x128xi32>
    %add3A_851 = arith.addi %add3A_806, %mul3A_850 : vector<8x128xi32>
    %slice3A_852 = vector.extract_strided_slice %add3A_803 {offsets = [0, 0], sizes = [1, 128], strides = [1, 1]} : vector<8x128xi32> to vector<1x128xi32>
    %slice3A_853 = vector.extract_strided_slice %add3A_851 {offsets = [0, 0], sizes = [1, 128], strides = [1, 1]} : vector<8x128xi32> to vector<1x128xi32>
    %slice3A_854 = vector.extract_strided_slice %add3A_818 {offsets = [0, 0], sizes = [1, 128], strides = [1, 1]} : vector<8x128xi32> to vector<1x128xi32>
    %slice3A_855 = vector.extract_strided_slice %add3A_803 {offsets = [0, 0], sizes = [5, 128], strides = [1, 1]} : vector<8x128xi32> to vector<5x128xi32>
    %concatenate3A_856 = tpu.concatenate %slice3A_852, %slice3A_853, %slice3A_854, %slice3A_855 in 0 : vector<1x128xi32>, vector<1x128xi32>, vector<1x128xi32>, vector<5x128xi32> -> vector<8x128xi32>
    %swap3A_857 = arith.constant 0 : index
    %swap3A_858 = arith.constant 0 : index
    %swap3A_859 = vector.load %arg5[%swap3A_857, %swap3A_858] : memref<8x128xi32, #tpu.memory_space<vmem>>, vector<8x128xi32>
    tpu.vector_store %arg5[%swap3A_857, %swap3A_858], %concatenate3A_856 {strides = array<i32>} : memref<8x128xi32, #tpu.memory_space<vmem>>, vector<8x128xi32>,
    return
  }
  func.func @transform_0(%arg0: i32) -> (i32, i32) {
    %c0_i32 = arith.constant 0 : i32
    %c0_i32_0 = arith.constant 0 : i32
    %c0_i32_1 = arith.constant 0 : i32
    return %c0_i32, %c0_i32_0 : i32, i32
  }
  func.func @transform_1(%arg0: i32) -> (i32, i32) {
    %c0_i32 = arith.constant 0 : i32
    %c0_i32_0 = arith.constant 0 : i32
    %c0_i32_1 = arith.constant 0 : i32
    return %c0_i32, %c0_i32_0 : i32, i32
  }
  func.func @transform_2(%arg0: i32) -> (i32, i32) {
    %c0_i32 = arith.constant 0 : i32
    %c0_i32_0 = arith.constant 0 : i32
    %c0_i32_1 = arith.constant 0 : i32
    return %c0_i32, %c0_i32_0 : i32, i32
  }
  func.func @transform_3(%arg0: i32) -> (i32, i32) {
    %c0_i32 = arith.constant 0 : i32
    %c0_i32_0 = arith.constant 0 : i32
    %c0_i32_1 = arith.constant 0 : i32
    return %c0_i32, %c0_i32_0 : i32, i32
  }
  func.func @transform_4(%arg0: i32) -> (i32, i32) {
    %c0_i32 = arith.constant 0 : i32
    %c0_i32_0 = arith.constant 0 : i32
    %c0_i32_1 = arith.constant 0 : i32
    return %c0_i32, %c0_i32_0 : i32, i32
  }
}

module attributes {stable_mosaic.version = 14 : i64} {
  func.func @_combine_up_body(%arg0: i32, %arg1: memref<512x512xf32, #tpu.memory_space<vmem>>, %arg2: memref<512x512xf32, #tpu.memory_space<vmem>>, %arg3: memref<512x1xf32, #tpu.memory_space<vmem>>, %arg4: memref<512x1xf32, #tpu.memory_space<vmem>>, %arg5: memref<512x2048xf32, #tpu.memory_space<vmem>>, %arg6: memref<512x2048xf32, #tpu.memory_space<vmem>>) attributes {dimension_semantics = [#tpu.dimension_semantics<arbitrary>], iteration_bounds = array<i64: 8>, scalar_prefetch = 0 : i64, scratch_operands = 0 : i64, tpu.core_type = #tpu.core_type<tc>, window_params = [{transform_indices = @transform_0, window_bounds = array<i64: 512, 512>}, {transform_indices = @transform_1, window_bounds = array<i64: 512, 512>}, {transform_indices = @transform_2, window_bounds = array<i64: 512, 1>}, {transform_indices = @transform_3, window_bounds = array<i64: 512, 1>}, {pipeline_mode = #tpu.pipeline_mode<synchronous>, transform_indices = @transform_4, window_bounds = array<i64: 512, 2048>}, {transform_indices = @transform_5, window_bounds = array<i64: 512, 2048>}]} {
    %get3A = arith.constant 0 : index
    %get3A_0 = arith.constant 0 : index
    %get3A_1 = vector.load %arg3[%get3A, %get3A_0] : memref<512x1xf32, #tpu.memory_space<vmem>>, vector<512x1xf32>
    %get3A_2 = arith.constant 0 : index
    %get3A_3 = arith.constant 0 : index
    %get3A_4 = vector.load %arg1[%get3A_2, %get3A_3] : memref<512x512xf32, #tpu.memory_space<vmem>>, vector<512x512xf32>
    %mul3A = vector.broadcast %get3A_1 : vector<512x1xf32> to vector<512x512xf32>
    %mul3A_5 = arith.mulf %mul3A, %get3A_4 : vector<512x512xf32>
    %get3A_6 = arith.constant 0 : index
    %get3A_7 = arith.constant 0 : index
    %get3A_8 = vector.load %arg4[%get3A_6, %get3A_7] : memref<512x1xf32, #tpu.memory_space<vmem>>, vector<512x1xf32>
    %get3A_9 = arith.constant 0 : index
    %get3A_10 = arith.constant 0 : index
    %get3A_11 = vector.load %arg2[%get3A_9, %get3A_10] : memref<512x512xf32, #tpu.memory_space<vmem>>, vector<512x512xf32>
    %mul3A_12 = vector.broadcast %get3A_8 : vector<512x1xf32> to vector<512x512xf32>
    %mul3A_13 = arith.mulf %mul3A_12, %get3A_11 : vector<512x512xf32>
    %add3A = arith.addf %mul3A_5, %mul3A_13 : vector<512x512xf32>
    %convert_element_type3A = arith.truncf %add3A : vector<512x512xf32> to vector<512x512xbf16>
    %get3A_14 = arith.constant 0 : index
    %get3A_15 = arith.constant 0 : index
    %get3A_16 = vector.load %arg5[%get3A_14, %get3A_15] : memref<512x2048xf32, #tpu.memory_space<vmem>>, vector<512x2048xf32>
    %convert_element_type3A_17 = arith.truncf %get3A_16 : vector<512x2048xf32> to vector<512x2048xbf16>
    %dot_general3A = arith.constant dense<0.000000e+00> : vector<512x2048xf32>
    %dot_general3A_18 = tpu.matmul %convert_element_type3A, %convert_element_type3A_17, %dot_general3A {dimension_numbers = #tpu.dot_dimension_numbers<[1], [0], [0], [1], [0, 0, 1, 1], [], []>, transpose_lhs_hint = false} : vector<512x512xbf16>, vector<512x2048xbf16>, vector<512x2048xf32> -> vector<512x2048xf32>
    %swap3A = arith.constant 0 : index
    %swap3A_19 = arith.constant 0 : index
    %swap3A_20 = vector.load %arg6[%swap3A, %swap3A_19] : memref<512x2048xf32, #tpu.memory_space<vmem>>, vector<512x2048xf32>
    tpu.vector_store %arg6[%swap3A, %swap3A_19], %dot_general3A_18 {strides = array<i32>} : memref<512x2048xf32, #tpu.memory_space<vmem>>, vector<512x2048xf32>,
    return
  }
  func.func @transform_0(%arg0: i32) -> (i32, i32) {
    %c0_i32 = arith.constant 0 : i32
    %c0_i32_0 = arith.constant 0 : i32
    return %arg0, %c0_i32 : i32, i32
  }
  func.func @transform_1(%arg0: i32) -> (i32, i32) {
    %c0_i32 = arith.constant 0 : i32
    %c0_i32_0 = arith.constant 0 : i32
    return %arg0, %c0_i32 : i32, i32
  }
  func.func @transform_2(%arg0: i32) -> (i32, i32) {
    %c0_i32 = arith.constant 0 : i32
    %c0_i32_0 = arith.constant 0 : i32
    return %arg0, %c0_i32 : i32, i32
  }
  func.func @transform_3(%arg0: i32) -> (i32, i32) {
    %c0_i32 = arith.constant 0 : i32
    %c0_i32_0 = arith.constant 0 : i32
    return %arg0, %c0_i32 : i32, i32
  }
  func.func @transform_4(%arg0: i32) -> (i32, i32) {
    %c0_i32 = arith.constant 0 : i32
    %c0_i32_0 = arith.constant 0 : i32
    %c0_i32_1 = arith.constant 0 : i32
    return %c0_i32, %c0_i32_0 : i32, i32
  }
  func.func @transform_5(%arg0: i32) -> (i32, i32) {
    %c0_i32 = arith.constant 0 : i32
    %c0_i32_0 = arith.constant 0 : i32
    return %arg0, %c0_i32 : i32, i32
  }
}

</mosaic_0001>

<sc_bundles>
// kernel: kernel.11.cloned.1.call-start
scs
__scs_entry_jumppad:
0x0: {  	(pc) =	sbr.rel $0x88, $3  }
0x1: {  	(tag) =	ssettag $0x0;
	lr =	simm.s32 $0x1  }
0x2: {  	[smem:$0x3F9A] =	sst lr;
	_ =	strace $0xD0000000  }
0x3: {  	_ = 	snop  }
0x4: {  	_ = 	snop  }
0x5: {  	_ = 	snop  }
0x6: {  	_ = 	snop  }
0x7: {  	_ = 	snop  }
__scs_overlays_trampoline_lowered:
0x8: {  	[smem:$0x3FA9] =	sst s0  }
0x9: {  	[smem:$0x3FAA] =	sst s1  }
0xa: {  	[smem:$0x3FAB] =	sst s2  }
0xb: {  	[smem:$0x3FAC] =	sst s3  }
0xc: {  	[smem:$0x3FAD] =	sst s4  }
0xd: {  	[smem:$0x3FAE] =	sst s5  }
0xe: {  	[smem:$0x3FAF] =	sst s6  }
0xf: {  	[smem:$0x3FB0] =	sst s7  }
0x10: {  	[smem:$0x3FB1] =	sst s8  }
0x11: {  	[smem:$0x3FB2] =	sst s9;
	s0 =	simm.s32 @!p0 $0x0  }
0x12: {  	s1 =	sld [smem:$0x3F98];
	s0 =	simm.s32 @p0 $0x1  }
0x13: {  	[smem:$0x3FB3] =	sst s0;
	s0 =	simm.s32 @!p1 $0x0  }
0x14: {  	s2 =	sld [smem:$0x3F97];
	s0 =	simm.s32 @p1 $0x1  }
0x15: {  	[smem:$0x3FB4] =	sst s0;
	s0 =	simm.s32 @!p2 $0x0  }
0x16: {  	s3 =	sld [smem:$0x3FDB];
	s0 =	simm.s32 @p2 $0x1  }
0x17: {  	s4 =	simm.s32 $0x1BF5;
	[smem:$0x3FB6] =	sst s0  }
0x18: {  	s0 =	sld [smem:$0x3F99];
	_ =	swait.ge [sflag:s4], $0x0  }
0x19: {  	s7 =	sld [smem:$0x3F9A]  }
0x1a: {  	s8 =	sadd.s32 $0xFFFFE003, lr  }
0x1b: {  	s9 =	sadd.s32 $0xFFFFFEF7, lr;
	s5 =	simm.s32 $0xFFFFFFFF;
	p2 =	slt.u32 s8, $0xFFFFF086  }
0x1c: {  	p1 =	slt.u32 s9, $0xF7A;
	s5 =	simm.s32 @!p2 $0x0  }
0x1d: {  	s5 =	simm.s32 @p1 $0x1;
	p0 =	seq.s32 s7, s2  }
0x1e: {  	s7 =	smul.u32 @!p0 $0xF7A, s2;
	p2 =	seq.s32 @!p0 s5, $0x0  }
0x1f: {  	s9 =	smul.u32 $0xF7A, s1;
	s8 =	simm.s32 @!p0 $0x1BF5;
	p2 =	por !p2, p0  }
0x20: {  	[sflag:s8] =	ssyncset.s32 @!p0 $0xFFFFF086;
	s6 =	sadd.s32 @!p0 s3, s7;
	s7 =	simm.s32 @!p0 $0x108  }
0x21: {  	s3 =	sadd.s32 s3, s9;
	s6 =	sadd.s32 @!p0 $0x88, s6;
	s7 =	simm.s32 @p2 $0x1082  }
0x22: {  	[simem:s7], [sflag:s8] =	dma.local @!p0 [hbm:s6], $0xF7A  }
0x23: {  	s9 =	sor.u32 $0xD0000000, s2;
	s6 =	simm.s32 $0x108;
	_ =	swait.ge @!p0 [sflag:s8], $0x0  }
0x24: {  	s3 =	sadd.s32 $0x88, s3;
	s6 =	simm.s32 @!p1 $0x1082;
	[sflag:s4] =	ssyncset.s32 $0xFFFFF086  }
0x25: {  	[simem:s6], [sflag:s4] =	dma.local [hbm:s3], $0xF7A  }
0x26: {  	[smem:$0x3F9A] =	sst s1;
	(tag) =	ssettag s2;
	_ =	strace s9  }
0x27: {  	s1 =	sld [smem:$0x3FAA]  }
0x28: {  	s2 =	sld [smem:$0x3FAB]  }
0x29: {  	s4 =	sld [smem:$0x3FAD]  }
0x2a: {  	p0 =	seq.s32 s5, $0x0;
	s5 =	sld [smem:$0x3FAE]  }
0x2b: {  	s6 =	sld [smem:$0x3FAF]  }
0x2c: {  	s7 =	sld [smem:$0x3FB0]  }
0x2d: {  	s3 =	simm.s32 $0x108;
	s8 =	sld [smem:$0x3FB1]  }
0x2e: {  	s3 =	simm.s32 @!p0 $0x1082;
	s9 =	sld [smem:$0x3FB2]  }
0x2f: {  	lr =	sadd.s32 s0, s3;
	s0 =	sld [smem:$0x3FA9]  }
0x30: {  	s3 =	sld [smem:$0x3FAC]  }
0x31: {  	[smem:$0x3FB5] =	sst s10  }
0x32: {  	s10 =	sld [smem:$0x3FB3];
	_ =	sdelay $0x3  }
0x33: {  	p0 =	seq.s32 s10, $0x1;
	s10 =	sld [smem:$0x3FB5];
	_ =	sdelay $0x3  }
0x34: {  	[smem:$0x3FB5] =	sst s10  }
0x35: {  	s10 =	sld [smem:$0x3FB4];
	_ =	sdelay $0x3  }
0x36: {  	p1 =	seq.s32 s10, $0x1;
	s10 =	sld [smem:$0x3FB5];
	_ =	sdelay $0x3  }
0x37: {  	[smem:$0x3FB5] =	sst s10  }
0x38: {  	s10 =	sld [smem:$0x3FB6]  }
0x39: {  	_ = 	snop;
	(pc) =	sbr.ind lr, $3  }
0x3a: {  	_ = 	snop  }
0x3b: {  	_ = 	snop  }
0x3c: {  	p2 =	seq.s32 s10, $0x1;
	s10 =	sld [smem:$0x3FB5]  }
0x3d: {  	_ =	shalt  }
0x3e: {  	_ =	shalt  }
0x3f: {  	_ =	shalt  }
0x40: {  	_ =	shalt  }
0x41: {  	_ =	shalt  }
0x42: {  	_ =	shalt  }
0x43: {  	_ =	shalt  }
0x44: {  	_ =	shalt  }
0x45: {  	_ =	shalt  }
0x46: {  	_ =	shalt  }
0x47: {  	_ =	shalt  }
0x48: {  	_ =	shalt  }
0x49: {  	_ =	shalt  }
0x4a: {  	_ =	shalt  }
0x4b: {  	_ =	shalt  }
0x4c: {  	_ =	shalt  }
0x4d: {  	_ =	shalt  }
0x4e: {  	_ =	shalt  }
0x4f: {  	_ =	shalt  }
0x50: {  	_ =	shalt  }
0x51: {  	_ =	shalt  }
0x52: {  	_ =	shalt  }
0x53: {  	_ =	shalt  }
0x54: {  	_ =	shalt  }
0x55: {  	_ =	shalt  }
0x56: {  	_ =	shalt  }
0x57: {  	_ =	shalt  }
0x58: {  	_ =	shalt  }
0x59: {  	_ =	shalt  }
0x5a: {  	_ =	shalt  }
0x5b: {  	_ =	shalt  }
0x5c: {  	_ =	shalt  }
0x5d: {  	_ =	shalt  }
0x5e: {  	_ =	shalt  }
0x5f: {  	_ =	shalt  }
0x60: {  	_ =	shalt  }
0x61: {  	_ =	shalt  }
0x62: {  	_ =	shalt  }
0x63: {  	_ =	shalt  }
0x64: {  	_ =	shalt  }
0x65: {  	_ =	shalt  }
0x66: {  	_ =	shalt  }
0x67: {  	_ =	shalt  }
0x68: {  	_ =	shalt  }
0x69: {  	_ =	shalt  }
0x6a: {  	_ =	shalt  }
0x6b: {  	_ =	shalt  }
0x6c: {  	_ =	shalt  }
0x6d: {  	_ =	shalt  }
0x6e: {  	_ =	shalt  }
0x6f: {  	_ =	shalt  }
0x70: {  	_ =	shalt  }
0x71: {  	_ =	shalt  }
0x72: {  	_ =	shalt  }
0x73: {  	_ =	shalt  }
0x74: {  	_ =	shalt  }
0x75: {  	_ =	shalt  }
0x76: {  	_ =	shalt  }
0x77: {  	_ =	shalt  }
0x78: {  	_ =	shalt  }
0x79: {  	_ =	shalt  }
0x7a: {  	_ =	shalt  }
0x7b: {  	_ =	shalt  }
0x7c: {  	_ =	shalt  }
0x7d: {  	_ =	shalt  }
0x7e: {  	_ =	shalt  }
0x7f: {  	_ =	shalt  }
0x80: {  	_ =	shalt  }
0x81: {  	_ =	shalt  }
0x82: {  	_ =	shalt  }
0x83: {  	_ =	shalt  }
0x84: {  	_ =	shalt  }
0x85: {  	_ =	shalt  }
0x86: {  	_ =	shalt  }
0x87: {  	_ =	shalt  }
.Lfunc_end0:
.L_simem_size_0:
called_computation.1_lowered:
.L_overlay_start_0:
0x88: {  	s2 =	sld [smem:$0x3FD9]  }
0x89: {  	s3 =	sld [smem:$0x3FFE];
	_ =	sdelay $0x1  }
0x8a: {  	s1 =	srdreg.scid  }
0x8b: {  	s0 =	sand.u32 $0x1, s1  }
0x8c: {  	s17 =	sshll.u32 s0, $0xA;
	s2 =	sadd.s32 s3, s2  }
0x8d: {  	s2 =	sadd.s32 s2, s17  }
0x8e: {  	[smem:$0x3FC1] =	sst s2  }
0x8f: {  	_ = 	snop  }
0x90: {  	s2 =	sld [smem:$0x3FD0];
	(tm) =	ssettm $0x1  }
0x91: {  	s18 =	sld [smem:$0x3FFB];
	_ =	sdelay $0x3  }
0x92: {  	_ =	strace s18  }
0x93: {  	s3 =	sld [smem:$0x3FFC];
	_ =	sdelay $0x3  }
0x94: {  	_ =	strace s3  }
0x95: {  	s3 =	sld [smem:$0x3FFD];
	_ =	sdelay $0x3  }
0x96: {  	_ =	strace s3  }
0x97: {  	_ =	strace $0x8FFFFFFF  }
0x98: {  	s19 =	sld [smem:$0x3FDB];
	_ =	sdelay $0x1  }
0x99: {  	s4 =	simm.s32 $_scs_section_size  }
0x9a: {  	s5 =	simm.s32 $_size__tile_overlayer_lowered;
	s6 =	simm.s32 $_tile_overlayer_lowered  }
0x9b: {  	s22 =	simm.s32 $0x1BFF;
	s21 =	sshll.u32 s6, $0x1;
	s3 =	sadd.s32 s4, s19  }
0x9c: {  	s7 =	simm.s32 $0x0;
	s20 =	sshll.u32 s5, $0x1;
	s5 =	sadd.s32 s21, s3  }
0x9d: {  	[timem:s7], [sflag:s22] =	dma.local [hbm:s5], s20  }
0x9e: {  	_ =	swait.ge [sflag:s22], s20  }
0x9f: {  	s4 =	ssub.s32 $0x0, s20;
	[sflag:s22] =	ssyncset.done $0x0  }
0xa0: {  	[sflag:s22] =	ssyncadd.s32 s4;
	_ =	sdelay $0x1  }
0xa1: {  	s23 =	simm.s32 $0x1B8B  }
0xa2: {  	_ =	swait.ge [sflag:s23], $0x1  }
0xa3: {  	[sflag:s23] =	ssyncset.done $0x0  }
0xa4: {  	s25 =	simm.s32 $0x1B8E;
	s24 =	sld [smem:$0x3FFE];
	[sflag:s23] =	ssyncadd.s32 $0xFFFFFFFF  }
0xa5: {  	s26 =	simm.s32 $execute0_lowered;
	[smem:$0x3FD2] =	sst s25  }
0xa6: {  	s5 =	sshll.u32 s26, $0x1;
	_ =	strace $0x80000049;
	[dreg:$0x1] =	wrdreg $0xFFFFFFFF  }
0xa7: {  	s28 =	simm.s32 $_size_execute0_lowered;
	s3 =	sadd.s32 s3, s5;
	[dreg:$0x0] =	wrdreg $0x0  }
0xa8: {  	s5 =	sshll.u32 s28, $0x1;
	[dreg:$0x2] =	wrdreg s3  }
0xa9: {  	[dreg:$0x3] =	wrdreg s5  }
0xaa: {  	[dreg:$0x4] =	wrdreg $0xC0  }
0xab: {  	_ =	task [dreg:s7], $0x5FFFF  }
0xac: {  	[dreg:$0x1] =	wrdreg $0xFFFFFFFF  }
0xad: {  	[dreg:$0x0] =	wrdreg $0x60  }
0xae: {  	[dreg:$0x2] =	wrdreg s2  }
0xaf: {  	[dreg:$0x3] =	wrdreg s24  }
0xb0: {  	[dreg:$0x4] =	wrdreg $0x9  }
0xb1: {  	_ =	task.clear_ibuf [dreg:s7], $0x5FFFF;
	_ =	strace $0x90000049  }
0xb2: {  	s29 =	simm.s32 $0x9;
	_ =	strace $0x8000004B  }
0xb3: {  	_ =	swait.ge [sflag:s29], $0x1  }
0xb4: {  	[sflag:s29] =	ssyncadd.s32 $0xFFFFFFFF  }
0xb5: {  	_ =	strace $0x9000004B  }
0xb6: {  	_ =	sfence  }
0xb7: {  	s30 =	sld [smem:$0x0];
	_ =	sdelay $0x2  }
0xb8: {  	s31 =	sshll.u32 s1, $0xD;
	s1 =	sshrl.u32 s1, $0x2  }
0xb9: {  	s3 =	sand.u32 $0x4000, s31;
	s1 =	sadd.s32 s1, s30  }
0xba: {  	s0 =	sor.u32 s3, s0;
	s1 =	sshll.u32 s1, $0x11  }
0xbb: {  	s0 =	sor.u32 s1, s0  }
0xbc: {  	s0 =	sadd.s32 $0x8F2B, s0  }
0xbd: {  	[sflag:s0] =	ssyncadd.remote.s32 $0x1  }
0xbe: {  	_ =	sfence.sel $0xFFFF  }
0xbf: {  	[dreg:$0x0] =	wrdreg $0xFFFFFFFF;
	(pc) =	sbr.abs _section_cstart, $3  }
0xc0: {  	[dreg:$0x1] =	wrdreg $0xFFFFFFFF  }
0xc1: {  	_ =	task.clear_ibuf [dreg:s7], $0x2FFFF;
	_ =	strace $0x9FFFFFFF  }
0xc2: {  	(tm) =	ssettm $0x7FFFFFFF  }
0xc3: {  	_ =	shalt  }
tec
execute0_lowered:
.L_overlay_start_1:
0x0: {  	(tag) =	ssettag $0x1  }
0x1: {  	s0 =	srdreg.scid;
	s2 =	rddreg [dreg:$0x0]  }
0x2: {  	s3 =	stileid.u32;
	s1 =	rddreg [dreg:$0x1];
	s14 =	simm.s32 $0x1  }
0x3: {  	s16 =	simm.s32 $0x880;
	s17 =	simm.s32 $0x1080;
	s18 =	simm.s32 $0x1880  }
0x4: {  	s19 =	simm.s32 $0x2080;
	s20 =	simm.s32 $0x2880;
	s21 =	simm.s32 $0x3080  }
0x5: {  	s22 =	simm.s32 $0x3880;
	s23 =	simm.s32 $0x4080;
	s24 =	simm.s32 $0x4880  }
0x6: {  	s28 =	simm.s32 $0x6080;
	s29 =	simm.s32 $0x6880;
	s30 =	simm.s32 $0x7080  }
0x7: {  	s31 =	simm.s32 $0x7880;
	s8 =	simm.s32 $0x9080;
	s9 =	simm.s32 $0x9880  }
0x8: {  	s10 =	simm.s32 $0xA080;
	s11 =	simm.s32 $0xA880;
	s0 =	sand.u32 $0x1, s0  }
0x9: {  	s12 =	simm.s32 $0xB080;
	s4 =	sshll.u32 s3, $0x8;
	s5 =	sshll.u32 s0, $0x7  }
0xa: {  	s13 =	simm.s32 $0xB880;
	s3 =	simm.s32 $0x0;
	s4 =	sor.u32 s5, s4  }
0xb: {  	s7 =	simm.s32 $0xC080;
	[smem:$0x7FF] =	sst s3;
	s5 =	sshrl.u32 s4, $0x3  }
0xc: {  	s0 =	ssub.s32 $0x2, s0;
	s4 =	sshll.u32 s4, $0x6;
	s5 =	sadd.s32 s5, s1  }
0xd: {  	_ =	strace $0x8000004A;
	s1 =	sadd.s32 s4, s1;
	s25 =	sadd.s32 $0x2C00, s5  }
0xe: {  	s6 =	sshrl.u32 s0, $0x1;
	s26 =	sadd.s32 $0x3000, s1;
	[dreg:$0x3] =	wrdreg s25  }
0xf: {  	s0 =	ssub.s32 s0, s6;
	s5 =	sadd.s32 $0x2E00, s5;
	[dreg:$0x4] =	wrdreg s26  }
0x10: {  	v2 =	vlaneseq.u32;
	s6 =	simm.s32 $0x2;
	s1 =	sadd.s32 $0x43000, s1;
	[dreg:$0x5] =	wrdreg s5  }
0x11: {  	vm0 =	vmmov $0xffff;
	v1 =	vshrl.u32 v2, $0x3;
	s4 =	sadd.s32 $0x100, s2;
	[dreg:$0x6] =	wrdreg s1;
	s5 =	smax.u32 s0, $0x1  }
0x12: {  	v0 =	vand.u32 $0x7, v2;
	v2 =	vor.u32 $0x8, v2;
	v1 =	vmul.u32 $0x8, v1;
	s25 =	simm.s32 $0x5080;
	s26 =	simm.s32 $0x5880;
	s1 =	simm.s32 $0x8080  }
.LBB2_1:
0x13: {  	s15 =	rddreg [dreg:$0x3]  }
0x14: {  	[tilespmem:s3], [sflag:$0x2] =	stream.linear.gather [hbm4b:s15+s3], $0x80, $0x38;
	[tilespmem:$0x10080] =	vst v63  }
0x15: {  	_ =	swait.ge [sflag:s6], $0x80  }
0x16: {  	[sflag:s6] =	ssyncset.done $0x0  }
0x17: {  	[sflag:s6] =	ssyncadd.s32 $0xFFFFFF80  }
0x18: {  	v3 =	vld [tilespmem:$0x0];
	_ =	sdelay $0x4  }
0x19: {  	v4 =	vshll.u32 v3, $0x2  }
0x1a: {  	v3 =	vand.u32 $0x7, v3;
	v4 =	vand.u32 $0xFFFFFFE0, v4  }
0x1b: {  	v3 =	vor.u32 v3, v4  }
0x1c: {  	v4 =	vperm.xlane v3, v0;
	_ =	sdelay $0x1  }
0x1d: {  	v4 =	vadd.s32 v1, v4;
	_ =	sdelay $0x1  }
0x1e: {  	v3 =	vperm.xlane v3, v2;
	_ =	sdelay $0x1  }
0x1f: {  	s0 =	simm.s32 $0x80;
	v3 =	vadd.s32 v1, v3  }
0x20: {  	[tilespmem:s0], [sflag:$0x1] =	stream.indirect_vreg.gather [hbm4b:s2+s3], $0x80, v4, vm0, $0xb8;
	[tilespmem:$0x10080] =	vst v63  }
0x21: {  	_ = 	snop  }
0x22: {  	[tilespmem:s16], [sflag:$0x1] =	stream.indirect_vreg.gather [hbm4b:s4+s3], $0x80, v4, vm0, $0xb8;
	[tilespmem:$0x10080] =	vst v63  }
0x23: {  	_ = 	snop  }
0x24: {  	[tilespmem:s17], [sflag:$0x1] =	stream.indirect_vreg.gather [hbm4b:s2+s3], $0x80, v3, vm0, $0xb8;
	[tilespmem:$0x10080] =	vst v63  }
0x25: {  	_ = 	snop  }
0x26: {  	[tilespmem:s18], [sflag:$0x1] =	stream.indirect_vreg.gather [hbm4b:s4+s3], $0x80, v3, vm0, $0xb8;
	[tilespmem:$0x10080] =	vst v63  }
0x27: {  	v3 =	vld [tilespmem:$0x10];
	_ =	sdelay $0x4  }
0x28: {  	v49 =	vshll.u32 v3, $0x2  }
0x29: {  	v3 =	vand.u32 $0x7, v3;
	v4 =	vand.u32 $0xFFFFFFE0, v49  }
0x2a: {  	v3 =	vor.u32 v3, v4  }
0x2b: {  	v4 =	vperm.xlane v3, v0;
	_ =	sdelay $0x1  }
0x2c: {  	v4 =	vadd.s32 v1, v4;
	_ =	sdelay $0x1  }
0x2d: {  	v3 =	vperm.xlane v3, v2;
	_ =	sdelay $0x1  }
0x2e: {  	v3 =	vadd.s32 v1, v3  }
0x2f: {  	[tilespmem:s19], [sflag:$0x1] =	stream.indirect_vreg.gather [hbm4b:s2+s3], $0x80, v4, vm0, $0xb8;
	[tilespmem:$0x10080] =	vst v63  }
0x30: {  	_ = 	snop  }
0x31: {  	[tilespmem:s20], [sflag:$0x1] =	stream.indirect_vreg.gather [hbm4b:s4+s3], $0x80, v4, vm0, $0xb8;
	[tilespmem:$0x10080] =	vst v63  }
0x32: {  	_ = 	snop  }
0x33: {  	[tilespmem:s21], [sflag:$0x1] =	stream.indirect_vreg.gather [hbm4b:s2+s3], $0x80, v3, vm0, $0xb8;
	[tilespmem:$0x10080] =	vst v63  }
0x34: {  	_ = 	snop  }
0x35: {  	[tilespmem:s22], [sflag:$0x1] =	stream.indirect_vreg.gather [hbm4b:s4+s3], $0x80, v3, vm0, $0xb8;
	[tilespmem:$0x10080] =	vst v63  }
0x36: {  	v3 =	vld [tilespmem:$0x20];
	_ =	sdelay $0x4  }
0x37: {  	v50 =	vshll.u32 v3, $0x2  }
0x38: {  	v3 =	vand.u32 $0x7, v3;
	v4 =	vand.u32 $0xFFFFFFE0, v50  }
0x39: {  	v3 =	vor.u32 v3, v4  }
0x3a: {  	v4 =	vperm.xlane v3, v0;
	_ =	sdelay $0x1  }
0x3b: {  	v4 =	vadd.s32 v1, v4;
	_ =	sdelay $0x1  }
0x3c: {  	v3 =	vperm.xlane v3, v2;
	_ =	sdelay $0x1  }
0x3d: {  	v3 =	vadd.s32 v1, v3  }
0x3e: {  	[tilespmem:s23], [sflag:$0x1] =	stream.indirect_vreg.gather [hbm4b:s2+s3], $0x80, v4, vm0, $0xb8;
	[tilespmem:$0x10080] =	vst v63  }
0x3f: {  	_ = 	snop  }
0x40: {  	[tilespmem:s24], [sflag:$0x1] =	stream.indirect_vreg.gather [hbm4b:s4+s3], $0x80, v4, vm0, $0xb8;
	[tilespmem:$0x10080] =	vst v63  }
0x41: {  	_ = 	snop  }
0x42: {  	[tilespmem:s25], [sflag:$0x1] =	stream.indirect_vreg.gather [hbm4b:s2+s3], $0x80, v3, vm0, $0xb8;
	[tilespmem:$0x10080] =	vst v63  }
0x43: {  	_ = 	snop  }
0x44: {  	[tilespmem:s26], [sflag:$0x1] =	stream.indirect_vreg.gather [hbm4b:s4+s3], $0x80, v3, vm0, $0xb8;
	[tilespmem:$0x10080] =	vst v63  }
0x45: {  	v3 =	vld [tilespmem:$0x30];
	_ =	sdelay $0x4  }
0x46: {  	v51 =	vshll.u32 v3, $0x2  }
0x47: {  	v3 =	vand.u32 $0x7, v3;
	v4 =	vand.u32 $0xFFFFFFE0, v51  }
0x48: {  	v3 =	vor.u32 v3, v4  }
0x49: {  	v4 =	vperm.xlane v3, v0;
	_ =	sdelay $0x1  }
0x4a: {  	v4 =	vadd.s32 v1, v4;
	_ =	sdelay $0x1  }
0x4b: {  	v3 =	vperm.xlane v3, v2;
	_ =	sdelay $0x1  }
0x4c: {  	v3 =	vadd.s32 v1, v3  }
0x4d: {  	[tilespmem:s28], [sflag:$0x1] =	stream.indirect_vreg.gather [hbm4b:s2+s3], $0x80, v4, vm0, $0xb8;
	[tilespmem:$0x10080] =	vst v63  }
0x4e: {  	_ = 	snop  }
0x4f: {  	[tilespmem:s29], [sflag:$0x1] =	stream.indirect_vreg.gather [hbm4b:s4+s3], $0x80, v4, vm0, $0xb8;
	[tilespmem:$0x10080] =	vst v63  }
0x50: {  	_ = 	snop  }
0x51: {  	[tilespmem:s30], [sflag:$0x1] =	stream.indirect_vreg.gather [hbm4b:s2+s3], $0x80, v3, vm0, $0xb8;
	[tilespmem:$0x10080] =	vst v63  }
0x52: {  	_ = 	snop  }
0x53: {  	[tilespmem:s31], [sflag:$0x1] =	stream.indirect_vreg.gather [hbm4b:s4+s3], $0x80, v3, vm0, $0xb8;
	[tilespmem:$0x10080] =	vst v63  }
0x54: {  	v3 =	vld [tilespmem:$0x40];
	_ =	sdelay $0x4  }
0x55: {  	v52 =	vshll.u32 v3, $0x2  }
0x56: {  	v3 =	vand.u32 $0x7, v3;
	v4 =	vand.u32 $0xFFFFFFE0, v52  }
0x57: {  	v3 =	vor.u32 v3, v4  }
0x58: {  	v4 =	vperm.xlane v3, v0;
	_ =	sdelay $0x1  }
0x59: {  	v4 =	vadd.s32 v1, v4;
	_ =	sdelay $0x1  }
0x5a: {  	v3 =	vperm.xlane v3, v2;
	_ =	sdelay $0x1  }
0x5b: {  	v3 =	vadd.s32 v1, v3  }
0x5c: {  	[tilespmem:s1], [sflag:$0x1] =	stream.indirect_vreg.gather [hbm4b:s2+s3], $0x80, v4, vm0, $0xb8;
	[tilespmem:$0x10080] =	vst v63  }
0x5d: {  	s15 =	simm.s32 $0x8880  }
0x5e: {  	[tilespmem:s15], [sflag:$0x1] =	stream.indirect_vreg.gather [hbm4b:s4+s3], $0x80, v4, vm0, $0xb8;
	[tilespmem:$0x10080] =	vst v63  }
0x5f: {  	_ = 	snop  }
0x60: {  	[tilespmem:s8], [sflag:$0x1] =	stream.indirect_vreg.gather [hbm4b:s2+s3], $0x80, v3, vm0, $0xb8;
	[tilespmem:$0x10080] =	vst v63  }
0x61: {  	_ = 	snop  }
0x62: {  	[tilespmem:s9], [sflag:$0x1] =	stream.indirect_vreg.gather [hbm4b:s4+s3], $0x80, v3, vm0, $0xb8;
	[tilespmem:$0x10080] =	vst v63  }
0x63: {  	v3 =	vld [tilespmem:$0x50];
	_ =	sdelay $0x4  }
0x64: {  	v53 =	vshll.u32 v3, $0x2  }
0x65: {  	v3 =	vand.u32 $0x7, v3;
	v4 =	vand.u32 $0xFFFFFFE0, v53  }
0x66: {  	v3 =	vor.u32 v3, v4  }
0x67: {  	v4 =	vperm.xlane v3, v0;
	_ =	sdelay $0x1  }
0x68: {  	v4 =	vadd.s32 v1, v4;
	_ =	sdelay $0x1  }
0x69: {  	v3 =	vperm.xlane v3, v2;
	_ =	sdelay $0x1  }
0x6a: {  	v3 =	vadd.s32 v1, v3  }
0x6b: {  	[tilespmem:s10], [sflag:$0x1] =	stream.indirect_vreg.gather [hbm4b:s2+s3], $0x80, v4, vm0, $0xb8;
	[tilespmem:$0x10080] =	vst v63  }
0x6c: {  	_ = 	snop  }
0x6d: {  	[tilespmem:s11], [sflag:$0x1] =	stream.indirect_vreg.gather [hbm4b:s4+s3], $0x80, v4, vm0, $0xb8;
	[tilespmem:$0x10080] =	vst v63  }
0x6e: {  	_ = 	snop  }
0x6f: {  	[tilespmem:s12], [sflag:$0x1] =	stream.indirect_vreg.gather [hbm4b:s2+s3], $0x80, v3, vm0, $0xb8;
	[tilespmem:$0x10080] =	vst v63  }
0x70: {  	_ = 	snop  }
0x71: {  	[tilespmem:s13], [sflag:$0x1] =	stream.indirect_vreg.gather [hbm4b:s4+s3], $0x80, v3, vm0, $0xb8;
	[tilespmem:$0x10080] =	vst v63  }
0x72: {  	v3 =	vld [tilespmem:$0x60];
	_ =	sdelay $0x4  }
0x73: {  	v54 =	vshll.u32 v3, $0x2  }
0x74: {  	v3 =	vand.u32 $0x7, v3;
	v4 =	vand.u32 $0xFFFFFFE0, v54  }
0x75: {  	v3 =	vor.u32 v3, v4  }
0x76: {  	v4 =	vperm.xlane v3, v0;
	_ =	sdelay $0x1  }
0x77: {  	v4 =	vadd.s32 v1, v4;
	_ =	sdelay $0x1  }
0x78: {  	v3 =	vperm.xlane v3, v2;
	_ =	sdelay $0x1  }
0x79: {  	v3 =	vadd.s32 v1, v3  }
0x7a: {  	[tilespmem:s7], [sflag:$0x1] =	stream.indirect_vreg.gather [hbm4b:s2+s3], $0x80, v4, vm0, $0xb8;
	[tilespmem:$0x10080] =	vst v63  }
0x7b: {  	s15 =	simm.s32 $0xC880  }
0x7c: {  	[tilespmem:s15], [sflag:$0x1] =	stream.indirect_vreg.gather [hbm4b:s4+s3], $0x80, v4, vm0, $0xb8;
	[tilespmem:$0x10080] =	vst v63  }
0x7d: {  	s15 =	simm.s32 $0xD080  }
0x7e: {  	[tilespmem:s15], [sflag:$0x1] =	stream.indirect_vreg.gather [hbm4b:s2+s3], $0x80, v3, vm0, $0xb8;
	[tilespmem:$0x10080] =	vst v63  }
0x7f: {  	s15 =	simm.s32 $0xD880  }
0x80: {  	[tilespmem:s15], [sflag:$0x1] =	stream.indirect_vreg.gather [hbm4b:s4+s3], $0x80, v3, vm0, $0xb8;
	[tilespmem:$0x10080] =	vst v63  }
0x81: {  	v3 =	vld [tilespmem:$0x70];
	_ =	sdelay $0x4  }
0x82: {  	v55 =	vshll.u32 v3, $0x2  }
0x83: {  	v3 =	vand.u32 $0x7, v3;
	v4 =	vand.u32 $0xFFFFFFE0, v55  }
0x84: {  	v3 =	vor.u32 v3, v4  }
0x85: {  	v4 =	vperm.xlane v3, v0;
	_ =	sdelay $0x1  }
0x86: {  	v4 =	vadd.s32 v1, v4;
	_ =	sdelay $0x1  }
0x87: {  	v3 =	vperm.xlane v3, v2;
	_ =	sdelay $0x1  }
0x88: {  	s15 =	simm.s32 $0xE080;
	v3 =	vadd.s32 v1, v3  }
0x89: {  	[tilespmem:s15], [sflag:$0x1] =	stream.indirect_vreg.gather [hbm4b:s2+s3], $0x80, v4, vm0, $0xb8;
	[tilespmem:$0x10080] =	vst v63  }
0x8a: {  	s15 =	simm.s32 $0xE880  }
0x8b: {  	[tilespmem:s15], [sflag:$0x1] =	stream.indirect_vreg.gather [hbm4b:s4+s3], $0x80, v4, vm0, $0xb8;
	[tilespmem:$0x10080] =	vst v63  }
0x8c: {  	s15 =	simm.s32 $0xF080  }
0x8d: {  	[tilespmem:s15], [sflag:$0x1] =	stream.indirect_vreg.gather [hbm4b:s2+s3], $0x80, v3, vm0, $0xb8;
	[tilespmem:$0x10080] =	vst v63  }
0x8e: {  	s15 =	simm.s32 $0xF880  }
0x8f: {  	[tilespmem:s15], [sflag:$0x1] =	stream.indirect_vreg.gather [hbm4b:s4+s3], $0x80, v3, vm0, $0xb8;
	[tilespmem:$0x10080] =	vst v63  }
0x90: {  	_ =	swait.ge [sflag:s14], $0x10000  }
0x91: {  	[sflag:s14] =	ssyncset.done $0x0  }
0x92: {  	s0 =	simm.s32 $0x80;
	s15 =	rddreg [dreg:$0x4];
	[sflag:s14] =	ssyncadd.s32 $0xFFFF0000  }
0x93: {  	[hbm4b:s15+s3] =	stream.linear.scatter [tilespmem:s0], [sflag:$0x2], $0x10000, $0x38;
	[tilespmem:$0x10080] =	vst v63  }
0x94: {  	_ =	swait.ge [sflag:s6], $0x10000  }
0x95: {  	[sflag:s6] =	ssyncset.done $0x0  }
0x96: {  	s15 =	rddreg [dreg:$0x5];
	[sflag:s6] =	ssyncadd.s32 $0xFFFF0000  }
0x97: {  	[tilespmem:s3], [sflag:$0x2] =	stream.linear.gather [hbm4b:s15+s3], $0x80, $0x38;
	[tilespmem:$0x10080] =	vst v63  }
0x98: {  	_ =	swait.ge [sflag:s6], $0x80  }
0x99: {  	[sflag:s6] =	ssyncset.done $0x0  }
0x9a: {  	[sflag:s6] =	ssyncadd.s32 $0xFFFFFF80  }
0x9b: {  	v3 =	vld [tilespmem:$0x0];
	_ =	sdelay $0x4  }
0x9c: {  	v56 =	vshll.u32 v3, $0x2  }
0x9d: {  	v3 =	vand.u32 $0x7, v3;
	v4 =	vand.u32 $0xFFFFFFE0, v56  }
0x9e: {  	v3 =	vor.u32 v3, v4  }
0x9f: {  	v4 =	vperm.xlane v3, v0;
	_ =	sdelay $0x1  }
0xa0: {  	v4 =	vadd.s32 v1, v4;
	_ =	sdelay $0x1  }
0xa1: {  	v3 =	vperm.xlane v3, v2;
	_ =	sdelay $0x1  }
0xa2: {  	v3 =	vadd.s32 v1, v3  }
0xa3: {  	[tilespmem:s0], [sflag:$0x1] =	stream.indirect_vreg.gather [hbm4b:s2+s3], $0x80, v4, vm0, $0xb8;
	[tilespmem:$0x10080] =	vst v63  }
0xa4: {  	_ = 	snop  }
0xa5: {  	[tilespmem:s16], [sflag:$0x1] =	stream.indirect_vreg.gather [hbm4b:s4+s3], $0x80, v4, vm0, $0xb8;
	[tilespmem:$0x10080] =	vst v63  }
0xa6: {  	_ = 	snop  }
0xa7: {  	[tilespmem:s17], [sflag:$0x1] =	stream.indirect_vreg.gather [hbm4b:s2+s3], $0x80, v3, vm0, $0xb8;
	[tilespmem:$0x10080] =	vst v63  }
0xa8: {  	_ = 	snop  }
0xa9: {  	[tilespmem:s18], [sflag:$0x1] =	stream.indirect_vreg.gather [hbm4b:s4+s3], $0x80, v3, vm0, $0xb8;
	[tilespmem:$0x10080] =	vst v63  }
0xaa: {  	v3 =	vld [tilespmem:$0x10];
	_ =	sdelay $0x4  }
0xab: {  	v57 =	vshll.u32 v3, $0x2  }
0xac: {  	v3 =	vand.u32 $0x7, v3;
	v4 =	vand.u32 $0xFFFFFFE0, v57  }
0xad: {  	v3 =	vor.u32 v3, v4  }
0xae: {  	v4 =	vperm.xlane v3, v0;
	_ =	sdelay $0x1  }
0xaf: {  	v4 =	vadd.s32 v1, v4;
	_ =	sdelay $0x1  }
0xb0: {  	v3 =	vperm.xlane v3, v2;
	_ =	sdelay $0x1  }
0xb1: {  	v3 =	vadd.s32 v1, v3  }
0xb2: {  	[tilespmem:s19], [sflag:$0x1] =	stream.indirect_vreg.gather [hbm4b:s2+s3], $0x80, v4, vm0, $0xb8;
	[tilespmem:$0x10080] =	vst v63  }
0xb3: {  	_ = 	snop  }
0xb4: {  	[tilespmem:s20], [sflag:$0x1] =	stream.indirect_vreg.gather [hbm4b:s4+s3], $0x80, v4, vm0, $0xb8;
	[tilespmem:$0x10080] =	vst v63  }
0xb5: {  	_ = 	snop  }
0xb6: {  	[tilespmem:s21], [sflag:$0x1] =	stream.indirect_vreg.gather [hbm4b:s2+s3], $0x80, v3, vm0, $0xb8;
	[tilespmem:$0x10080] =	vst v63  }
0xb7: {  	_ = 	snop  }
0xb8: {  	[tilespmem:s22], [sflag:$0x1] =	stream.indirect_vreg.gather [hbm4b:s4+s3], $0x80, v3, vm0, $0xb8;
	[tilespmem:$0x10080] =	vst v63  }
0xb9: {  	v3 =	vld [tilespmem:$0x20];
	_ =	sdelay $0x4  }
0xba: {  	v58 =	vshll.u32 v3, $0x2  }
0xbb: {  	v3 =	vand.u32 $0x7, v3;
	v4 =	vand.u32 $0xFFFFFFE0, v58  }
0xbc: {  	v3 =	vor.u32 v3, v4  }
0xbd: {  	v4 =	vperm.xlane v3, v0;
	_ =	sdelay $0x1  }
0xbe: {  	v4 =	vadd.s32 v1, v4;
	_ =	sdelay $0x1  }
0xbf: {  	v3 =	vperm.xlane v3, v2;
	_ =	sdelay $0x1  }
0xc0: {  	v3 =	vadd.s32 v1, v3  }
0xc1: {  	[tilespmem:s23], [sflag:$0x1] =	stream.indirect_vreg.gather [hbm4b:s2+s3], $0x80, v4, vm0, $0xb8;
	[tilespmem:$0x10080] =	vst v63  }
0xc2: {  	_ = 	snop  }
0xc3: {  	[tilespmem:s24], [sflag:$0x1] =	stream.indirect_vreg.gather [hbm4b:s4+s3], $0x80, v4, vm0, $0xb8;
	[tilespmem:$0x10080] =	vst v63  }
0xc4: {  	_ = 	snop  }
0xc5: {  	[tilespmem:s25], [sflag:$0x1] =	stream.indirect_vreg.gather [hbm4b:s2+s3], $0x80, v3, vm0, $0xb8;
	[tilespmem:$0x10080] =	vst v63  }
0xc6: {  	_ = 	snop  }
0xc7: {  	[tilespmem:s26], [sflag:$0x1] =	stream.indirect_vreg.gather [hbm4b:s4+s3], $0x80, v3, vm0, $0xb8;
	[tilespmem:$0x10080] =	vst v63  }
0xc8: {  	v3 =	vld [tilespmem:$0x30];
	_ =	sdelay $0x4  }
0xc9: {  	v59 =	vshll.u32 v3, $0x2  }
0xca: {  	v3 =	vand.u32 $0x7, v3;
	v4 =	vand.u32 $0xFFFFFFE0, v59  }
0xcb: {  	v3 =	vor.u32 v3, v4  }
0xcc: {  	v4 =	vperm.xlane v3, v0;
	_ =	sdelay $0x1  }
0xcd: {  	v4 =	vadd.s32 v1, v4;
	_ =	sdelay $0x1  }
0xce: {  	v3 =	vperm.xlane v3, v2;
	_ =	sdelay $0x1  }
0xcf: {  	v3 =	vadd.s32 v1, v3  }
0xd0: {  	[tilespmem:s28], [sflag:$0x1] =	stream.indirect_vreg.gather [hbm4b:s2+s3], $0x80, v4, vm0, $0xb8;
	[tilespmem:$0x10080] =	vst v63  }
0xd1: {  	_ = 	snop  }
0xd2: {  	[tilespmem:s29], [sflag:$0x1] =	stream.indirect_vreg.gather [hbm4b:s4+s3], $0x80, v4, vm0, $0xb8;
	[tilespmem:$0x10080] =	vst v63  }
0xd3: {  	_ = 	snop  }
0xd4: {  	[tilespmem:s30], [sflag:$0x1] =	stream.indirect_vreg.gather [hbm4b:s2+s3], $0x80, v3, vm0, $0xb8;
	[tilespmem:$0x10080] =	vst v63  }
0xd5: {  	_ = 	snop  }
0xd6: {  	[tilespmem:s31], [sflag:$0x1] =	stream.indirect_vreg.gather [hbm4b:s4+s3], $0x80, v3, vm0, $0xb8;
	[tilespmem:$0x10080] =	vst v63  }
0xd7: {  	v3 =	vld [tilespmem:$0x40];
	_ =	sdelay $0x4  }
0xd8: {  	v60 =	vshll.u32 v3, $0x2  }
0xd9: {  	v3 =	vand.u32 $0x7, v3;
	v4 =	vand.u32 $0xFFFFFFE0, v60  }
0xda: {  	v3 =	vor.u32 v3, v4  }
0xdb: {  	v4 =	vperm.xlane v3, v0;
	_ =	sdelay $0x1  }
0xdc: {  	v4 =	vadd.s32 v1, v4;
	_ =	sdelay $0x1  }
0xdd: {  	v3 =	vperm.xlane v3, v2;
	_ =	sdelay $0x1  }
0xde: {  	v3 =	vadd.s32 v1, v3  }
0xdf: {  	[tilespmem:s1], [sflag:$0x1] =	stream.indirect_vreg.gather [hbm4b:s2+s3], $0x80, v4, vm0, $0xb8;
	[tilespmem:$0x10080] =	vst v63  }
0xe0: {  	s15 =	simm.s32 $0x8880  }
0xe1: {  	[tilespmem:s15], [sflag:$0x1] =	stream.indirect_vreg.gather [hbm4b:s4+s3], $0x80, v4, vm0, $0xb8;
	[tilespmem:$0x10080] =	vst v63  }
0xe2: {  	_ = 	snop  }
0xe3: {  	[tilespmem:s8], [sflag:$0x1] =	stream.indirect_vreg.gather [hbm4b:s2+s3], $0x80, v3, vm0, $0xb8;
	[tilespmem:$0x10080] =	vst v63  }
0xe4: {  	_ = 	snop  }
0xe5: {  	[tilespmem:s9], [sflag:$0x1] =	stream.indirect_vreg.gather [hbm4b:s4+s3], $0x80, v3, vm0, $0xb8;
	[tilespmem:$0x10080] =	vst v63  }
0xe6: {  	v3 =	vld [tilespmem:$0x50];
	_ =	sdelay $0x4  }
0xe7: {  	v61 =	vshll.u32 v3, $0x2  }
0xe8: {  	v3 =	vand.u32 $0x7, v3;
	v4 =	vand.u32 $0xFFFFFFE0, v61  }
0xe9: {  	v3 =	vor.u32 v3, v4  }
0xea: {  	v4 =	vperm.xlane v3, v0;
	_ =	sdelay $0x1  }
0xeb: {  	v4 =	vadd.s32 v1, v4;
	_ =	sdelay $0x1  }
0xec: {  	v3 =	vperm.xlane v3, v2;
	_ =	sdelay $0x1  }
0xed: {  	v3 =	vadd.s32 v1, v3  }
0xee: {  	[tilespmem:s10], [sflag:$0x1] =	stream.indirect_vreg.gather [hbm4b:s2+s3], $0x80, v4, vm0, $0xb8;
	[tilespmem:$0x10080] =	vst v63  }
0xef: {  	_ = 	snop  }
0xf0: {  	[tilespmem:s11], [sflag:$0x1] =	stream.indirect_vreg.gather [hbm4b:s4+s3], $0x80, v4, vm0, $0xb8;
	[tilespmem:$0x10080] =	vst v63  }
0xf1: {  	_ = 	snop  }
0xf2: {  	[tilespmem:s12], [sflag:$0x1] =	stream.indirect_vreg.gather [hbm4b:s2+s3], $0x80, v3, vm0, $0xb8;
	[tilespmem:$0x10080] =	vst v63  }
0xf3: {  	_ = 	snop  }
0xf4: {  	[tilespmem:s13], [sflag:$0x1] =	stream.indirect_vreg.gather [hbm4b:s4+s3], $0x80, v3, vm0, $0xb8;
	[tilespmem:$0x10080] =	vst v63  }
0xf5: {  	v3 =	vld [tilespmem:$0x60];
	_ =	sdelay $0x4  }
0xf6: {  	v62 =	vshll.u32 v3, $0x2  }
0xf7: {  	v3 =	vand.u32 $0x7, v3;
	v4 =	vand.u32 $0xFFFFFFE0, v62  }
0xf8: {  	v3 =	vor.u32 v3, v4  }
0xf9: {  	v4 =	vperm.xlane v3, v0;
	_ =	sdelay $0x1  }
0xfa: {  	v4 =	vadd.s32 v1, v4;
	_ =	sdelay $0x1  }
0xfb: {  	v3 =	vperm.xlane v3, v2;
	_ =	sdelay $0x1  }
0xfc: {  	v3 =	vadd.s32 v1, v3  }
0xfd: {  	[tilespmem:s7], [sflag:$0x1] =	stream.indirect_vreg.gather [hbm4b:s2+s3], $0x80, v4, vm0, $0xb8;
	[tilespmem:$0x10080] =	vst v63  }
0xfe: {  	s15 =	simm.s32 $0xC880  }
0xff: {  	[tilespmem:s15], [sflag:$0x1] =	stream.indirect_vreg.gather [hbm4b:s4+s3], $0x80, v4, vm0, $0xb8;
	[tilespmem:$0x10080] =	vst v63  }
0x100: {  	s15 =	simm.s32 $0xD080  }
0x101: {  	[tilespmem:s15], [sflag:$0x1] =	stream.indirect_vreg.gather [hbm4b:s2+s3], $0x80, v3, vm0, $0xb8;
	[tilespmem:$0x10080] =	vst v63  }
0x102: {  	s15 =	simm.s32 $0xD880  }
0x103: {  	[tilespmem:s15], [sflag:$0x1] =	stream.indirect_vreg.gather [hbm4b:s4+s3], $0x80, v3, vm0, $0xb8;
	[tilespmem:$0x10080] =	vst v63  }
0x104: {  	v3 =	vld [tilespmem:$0x70];
	_ =	sdelay $0x4  }
0x105: {  	v63 =	vshll.u32 v3, $0x2  }
0x106: {  	v3 =	vand.u32 $0x7, v3;
	v4 =	vand.u32 $0xFFFFFFE0, v63  }
0x107: {  	v3 =	vor.u32 v3, v4  }
0x108: {  	v4 =	vperm.xlane v3, v0;
	_ =	sdelay $0x1  }
0x109: {  	v4 =	vadd.s32 v1, v4;
	_ =	sdelay $0x1  }
0x10a: {  	v3 =	vperm.xlane v3, v2;
	_ =	sdelay $0x1  }
0x10b: {  	s15 =	simm.s32 $0xE080;
	v3 =	vadd.s32 v1, v3  }
0x10c: {  	[tilespmem:s15], [sflag:$0x1] =	stream.indirect_vreg.gather [hbm4b:s2+s3], $0x80, v4, vm0, $0xb8;
	[tilespmem:$0x10080] =	vst v63  }
0x10d: {  	s15 =	simm.s32 $0xE880  }
0x10e: {  	[tilespmem:s15], [sflag:$0x1] =	stream.indirect_vreg.gather [hbm4b:s4+s3], $0x80, v4, vm0, $0xb8;
	[tilespmem:$0x10080] =	vst v63  }
0x10f: {  	s15 =	simm.s32 $0xF080  }
0x110: {  	[tilespmem:s15], [sflag:$0x1] =	stream.indirect_vreg.gather [hbm4b:s2+s3], $0x80, v3, vm0, $0xb8;
	[tilespmem:$0x10080] =	vst v63  }
0x111: {  	s15 =	simm.s32 $0xF880  }
0x112: {  	[tilespmem:s15], [sflag:$0x1] =	stream.indirect_vreg.gather [hbm4b:s4+s3], $0x80, v3, vm0, $0xb8;
	[tilespmem:$0x10080] =	vst v63  }
0x113: {  	_ =	swait.ge [sflag:s14], $0x10000  }
0x114: {  	p0 =	sne.s32 s5, $0x1;
	s0 =	simm.s32 $0x80;
	[sflag:s14] =	ssyncset.done $0x0  }
.Ltmp0:
0x115: {  	s15 =	rddreg [dreg:$0x6];
	[sflag:s14] =	ssyncadd.s32 $0xFFFF0000;
	(pc) =	sbr.rel @p0 .LBB2_1-.Ltmp0, $4  }
0x116: {  	[hbm4b:s15+s3] =	stream.linear.scatter [tilespmem:s0], [sflag:$0x2], $0x10000, $0x38;
	[tilespmem:$0x10080] =	vst v63  }
0x117: {  	_ =	swait.ge [sflag:s6], $0x10000  }
0x118: {  	[sflag:s6] =	ssyncset.done $0x0  }
0x119: {  	s5 =	sadd.s32 $0xFFFFFFFF, s5;
	[sflag:s6] =	ssyncadd.s32 $0xFFFF0000  }
0x11a: {  	_ =	sfence.sel $0x180000  }
0x11b: {  	[bflag:$0x0] =	sbarrier.arrive $0xFFFF  }
0x11c: {  	_ =	strace $0x9000004A  }
0x11d: {  	s0 =	stileid.u32;
	[bflag:$0x2] =	sbarrier.arrive $0xFFFF  }
0x11e: {  	p0 =	sne.s32 s0, $0x0;
	s0 =	rddreg [dreg:$0x2]  }
0x11f: {  	s0 =	sadd.s32 @!p0 $0x100000, s0  }
0x120: {  	[sflag:s0] =	ssyncadd.tile.s32 @!p0 $0x1;
	_ =	shalt  }
.Lfunc_end2:
_tile_overlayer_lowered:
.L_overlay_start_2:
0x121: {  	(tag) =	ssettag $0x2  }
0x122: {  	s0 =	rddreg [dreg:$0x0];
	s2 =	stileid.u32  }
0x123: {  	s1 =	rddreg [dreg:$0x1];
	p0 =	sne.s32 s2, $0x0  }
0x124: {  	s3 =	rddreg [dreg:$0x2];
	[bflag:$0x3] =	sbarrier.arrive $0xFFFF;
	s2 =	simm.s32 @!p0 $0x1C02  }
0x125: {  	[timem:s3], [sflag:s2] =	dma.local @!p0 [hbm:s0], s1  }
0x126: {  	s0 =	simm.s32 @!p0 $0x2  }
0x127: {  	_ =	swait.ge @!p0 [sflag:s0], s1  }
0x128: {  	s1 =	ssub.s32 @!p0 $0x0, s1;
	[sflag:s0] =	ssyncset.done @!p0 $0x0  }
0x129: {  	[sflag:s0] =	ssyncadd.s32 @!p0 s1  }
0x12a: {  	[bflag:$0x3] =	sbarrier.arrive $0xFFFF  }
0x12b: {  	_ =	shalt  }

// kernel: kernel.8.cloned.1.call-start
scs
__scs_entry_jumppad:
0x0: {  	(pc) =	sbr.rel $0x88, $3  }
0x1: {  	(tag) =	ssettag $0x0;
	lr =	simm.s32 $0x1  }
0x2: {  	[smem:$0x3F9A] =	sst lr;
	_ =	strace $0xD0000000  }
0x3: {  	_ = 	snop  }
0x4: {  	_ = 	snop  }
0x5: {  	_ = 	snop  }
0x6: {  	_ = 	snop  }
0x7: {  	_ = 	snop  }
__scs_overlays_trampoline_lowered:
0x8: {  	[smem:$0x3FA9] =	sst s0  }
0x9: {  	[smem:$0x3FAA] =	sst s1  }
0xa: {  	[smem:$0x3FAB] =	sst s2  }
0xb: {  	[smem:$0x3FAC] =	sst s3  }
0xc: {  	[smem:$0x3FAD] =	sst s4  }
0xd: {  	[smem:$0x3FAE] =	sst s5  }
0xe: {  	[smem:$0x3FAF] =	sst s6  }
0xf: {  	[smem:$0x3FB0] =	sst s7  }
0x10: {  	[smem:$0x3FB1] =	sst s8  }
0x11: {  	[smem:$0x3FB2] =	sst s9;
	s0 =	simm.s32 @!p0 $0x0  }
0x12: {  	s1 =	sld [smem:$0x3F98];
	s0 =	simm.s32 @p0 $0x1  }
0x13: {  	[smem:$0x3FB3] =	sst s0;
	s0 =	simm.s32 @!p1 $0x0  }
0x14: {  	s2 =	sld [smem:$0x3F97];
	s0 =	simm.s32 @p1 $0x1  }
0x15: {  	[smem:$0x3FB4] =	sst s0;
	s0 =	simm.s32 @!p2 $0x0  }
0x16: {  	s3 =	sld [smem:$0x3FDB];
	s0 =	simm.s32 @p2 $0x1  }
0x17: {  	s4 =	simm.s32 $0x1BF5;
	[smem:$0x3FB6] =	sst s0  }
0x18: {  	s0 =	sld [smem:$0x3F99];
	_ =	swait.ge [sflag:s4], $0x0  }
0x19: {  	s7 =	sld [smem:$0x3F9A]  }
0x1a: {  	s8 =	sadd.s32 $0xFFFFE003, lr  }
0x1b: {  	s9 =	sadd.s32 $0xFFFFFEF7, lr;
	s5 =	simm.s32 $0xFFFFFFFF;
	p2 =	slt.u32 s8, $0xFFFFF086  }
0x1c: {  	p1 =	slt.u32 s9, $0xF7A;
	s5 =	simm.s32 @!p2 $0x0  }
0x1d: {  	s5 =	simm.s32 @p1 $0x1;
	p0 =	seq.s32 s7, s2  }
0x1e: {  	s7 =	smul.u32 @!p0 $0xF7A, s2;
	p2 =	seq.s32 @!p0 s5, $0x0  }
0x1f: {  	s9 =	smul.u32 $0xF7A, s1;
	s8 =	simm.s32 @!p0 $0x1BF5;
	p2 =	por !p2, p0  }
0x20: {  	[sflag:s8] =	ssyncset.s32 @!p0 $0xFFFFF086;
	s6 =	sadd.s32 @!p0 s3, s7;
	s7 =	simm.s32 @!p0 $0x108  }
0x21: {  	s3 =	sadd.s32 s3, s9;
	s6 =	sadd.s32 @!p0 $0x88, s6;
	s7 =	simm.s32 @p2 $0x1082  }
0x22: {  	[simem:s7], [sflag:s8] =	dma.local @!p0 [hbm:s6], $0xF7A  }
0x23: {  	s9 =	sor.u32 $0xD0000000, s2;
	s6 =	simm.s32 $0x108;
	_ =	swait.ge @!p0 [sflag:s8], $0x0  }
0x24: {  	s3 =	sadd.s32 $0x88, s3;
	s6 =	simm.s32 @!p1 $0x1082;
	[sflag:s4] =	ssyncset.s32 $0xFFFFF086  }
0x25: {  	[simem:s6], [sflag:s4] =	dma.local [hbm:s3], $0xF7A  }
0x26: {  	[smem:$0x3F9A] =	sst s1;
	(tag) =	ssettag s2;
	_ =	strace s9  }
0x27: {  	s1 =	sld [smem:$0x3FAA]  }
0x28: {  	s2 =	sld [smem:$0x3FAB]  }
0x29: {  	s4 =	sld [smem:$0x3FAD]  }
0x2a: {  	p0 =	seq.s32 s5, $0x0;
	s5 =	sld [smem:$0x3FAE]  }
0x2b: {  	s6 =	sld [smem:$0x3FAF]  }
0x2c: {  	s7 =	sld [smem:$0x3FB0]  }
0x2d: {  	s3 =	simm.s32 $0x108;
	s8 =	sld [smem:$0x3FB1]  }
0x2e: {  	s3 =	simm.s32 @!p0 $0x1082;
	s9 =	sld [smem:$0x3FB2]  }
0x2f: {  	lr =	sadd.s32 s0, s3;
	s0 =	sld [smem:$0x3FA9]  }
0x30: {  	s3 =	sld [smem:$0x3FAC]  }
0x31: {  	[smem:$0x3FB5] =	sst s10  }
0x32: {  	s10 =	sld [smem:$0x3FB3];
	_ =	sdelay $0x3  }
0x33: {  	p0 =	seq.s32 s10, $0x1;
	s10 =	sld [smem:$0x3FB5];
	_ =	sdelay $0x3  }
0x34: {  	[smem:$0x3FB5] =	sst s10  }
0x35: {  	s10 =	sld [smem:$0x3FB4];
	_ =	sdelay $0x3  }
0x36: {  	p1 =	seq.s32 s10, $0x1;
	s10 =	sld [smem:$0x3FB5];
	_ =	sdelay $0x3  }
0x37: {  	[smem:$0x3FB5] =	sst s10  }
0x38: {  	s10 =	sld [smem:$0x3FB6]  }
0x39: {  	_ = 	snop;
	(pc) =	sbr.ind lr, $3  }
0x3a: {  	_ = 	snop  }
0x3b: {  	_ = 	snop  }
0x3c: {  	p2 =	seq.s32 s10, $0x1;
	s10 =	sld [smem:$0x3FB5]  }
0x3d: {  	_ =	shalt  }
0x3e: {  	_ =	shalt  }
0x3f: {  	_ =	shalt  }
0x40: {  	_ =	shalt  }
0x41: {  	_ =	shalt  }
0x42: {  	_ =	shalt  }
0x43: {  	_ =	shalt  }
0x44: {  	_ =	shalt  }
0x45: {  	_ =	shalt  }
0x46: {  	_ =	shalt  }
0x47: {  	_ =	shalt  }
0x48: {  	_ =	shalt  }
0x49: {  	_ =	shalt  }
0x4a: {  	_ =	shalt  }
0x4b: {  	_ =	shalt  }
0x4c: {  	_ =	shalt  }
0x4d: {  	_ =	shalt  }
0x4e: {  	_ =	shalt  }
0x4f: {  	_ =	shalt  }
0x50: {  	_ =	shalt  }
0x51: {  	_ =	shalt  }
0x52: {  	_ =	shalt  }
0x53: {  	_ =	shalt  }
0x54: {  	_ =	shalt  }
0x55: {  	_ =	shalt  }
0x56: {  	_ =	shalt  }
0x57: {  	_ =	shalt  }
0x58: {  	_ =	shalt  }
0x59: {  	_ =	shalt  }
0x5a: {  	_ =	shalt  }
0x5b: {  	_ =	shalt  }
0x5c: {  	_ =	shalt  }
0x5d: {  	_ =	shalt  }
0x5e: {  	_ =	shalt  }
0x5f: {  	_ =	shalt  }
0x60: {  	_ =	shalt  }
0x61: {  	_ =	shalt  }
0x62: {  	_ =	shalt  }
0x63: {  	_ =	shalt  }
0x64: {  	_ =	shalt  }
0x65: {  	_ =	shalt  }
0x66: {  	_ =	shalt  }
0x67: {  	_ =	shalt  }
0x68: {  	_ =	shalt  }
0x69: {  	_ =	shalt  }
0x6a: {  	_ =	shalt  }
0x6b: {  	_ =	shalt  }
0x6c: {  	_ =	shalt  }
0x6d: {  	_ =	shalt  }
0x6e: {  	_ =	shalt  }
0x6f: {  	_ =	shalt  }
0x70: {  	_ =	shalt  }
0x71: {  	_ =	shalt  }
0x72: {  	_ =	shalt  }
0x73: {  	_ =	shalt  }
0x74: {  	_ =	shalt  }
0x75: {  	_ =	shalt  }
0x76: {  	_ =	shalt  }
0x77: {  	_ =	shalt  }
0x78: {  	_ =	shalt  }
0x79: {  	_ =	shalt  }
0x7a: {  	_ =	shalt  }
0x7b: {  	_ =	shalt  }
0x7c: {  	_ =	shalt  }
0x7d: {  	_ =	shalt  }
0x7e: {  	_ =	shalt  }
0x7f: {  	_ =	shalt  }
0x80: {  	_ =	shalt  }
0x81: {  	_ =	shalt  }
0x82: {  	_ =	shalt  }
0x83: {  	_ =	shalt  }
0x84: {  	_ =	shalt  }
0x85: {  	_ =	shalt  }
0x86: {  	_ =	shalt  }
0x87: {  	_ =	shalt  }
.Lfunc_end0:
.L_simem_size_0:
called_computation_lowered:
.L_overlay_start_0:
0x88: {  	s2 =	sld [smem:$0x3FD9]  }
0x89: {  	s3 =	sld [smem:$0x3FFE];
	_ =	sdelay $0x1  }
0x8a: {  	s1 =	srdreg.scid  }
0x8b: {  	s0 =	sand.u32 $0x1, s1  }
0x8c: {  	s17 =	sshll.u32 s0, $0xA;
	s2 =	sadd.s32 s3, s2  }
0x8d: {  	s2 =	sadd.s32 s2, s17  }
0x8e: {  	[smem:$0x3FC1] =	sst s2  }
0x8f: {  	_ = 	snop  }
0x90: {  	s2 =	sld [smem:$0x3FD0];
	(tm) =	ssettm $0x1  }
0x91: {  	s18 =	sld [smem:$0x3FFB];
	_ =	sdelay $0x3  }
0x92: {  	_ =	strace s18  }
0x93: {  	s3 =	sld [smem:$0x3FFC];
	_ =	sdelay $0x3  }
0x94: {  	_ =	strace s3  }
0x95: {  	s3 =	sld [smem:$0x3FFD];
	_ =	sdelay $0x3  }
0x96: {  	_ =	strace s3  }
0x97: {  	_ =	strace $0x8FFFFFFF  }
0x98: {  	s19 =	sld [smem:$0x3FDB];
	_ =	sdelay $0x1  }
0x99: {  	s4 =	simm.s32 $_scs_section_size  }
0x9a: {  	s5 =	simm.s32 $_size__tile_overlayer_lowered;
	s6 =	simm.s32 $_tile_overlayer_lowered  }
0x9b: {  	s22 =	simm.s32 $0x1BFF;
	s21 =	sshll.u32 s6, $0x1;
	s3 =	sadd.s32 s4, s19  }
0x9c: {  	s7 =	simm.s32 $0x0;
	s20 =	sshll.u32 s5, $0x1;
	s5 =	sadd.s32 s21, s3  }
0x9d: {  	[timem:s7], [sflag:s22] =	dma.local [hbm:s5], s20  }
0x9e: {  	_ =	swait.ge [sflag:s22], s20  }
0x9f: {  	s4 =	ssub.s32 $0x0, s20;
	[sflag:s22] =	ssyncset.done $0x0  }
0xa0: {  	[sflag:s22] =	ssyncadd.s32 s4;
	_ =	sdelay $0x1  }
0xa1: {  	s23 =	simm.s32 $0x1B8B  }
0xa2: {  	_ =	swait.ge [sflag:s23], $0x1  }
0xa3: {  	[sflag:s23] =	ssyncset.done $0x0  }
0xa4: {  	s25 =	simm.s32 $0x1B8E;
	s24 =	sld [smem:$0x3FFE];
	[sflag:s23] =	ssyncadd.s32 $0xFFFFFFFF  }
0xa5: {  	s26 =	simm.s32 $execute0_lowered;
	[smem:$0x3FD2] =	sst s25  }
0xa6: {  	s5 =	sshll.u32 s26, $0x1;
	_ =	strace $0x80000046;
	[dreg:$0x1] =	wrdreg $0xFFFFFFFF  }
0xa7: {  	s28 =	simm.s32 $_size_execute0_lowered;
	s3 =	sadd.s32 s3, s5;
	[dreg:$0x0] =	wrdreg $0x0  }
0xa8: {  	s5 =	sshll.u32 s28, $0x1;
	[dreg:$0x2] =	wrdreg s3  }
0xa9: {  	[dreg:$0x3] =	wrdreg s5  }
0xaa: {  	[dreg:$0x4] =	wrdreg $0xC0  }
0xab: {  	_ =	task [dreg:s7], $0x5FFFF  }
0xac: {  	[dreg:$0x1] =	wrdreg $0xFFFFFFFF  }
0xad: {  	[dreg:$0x0] =	wrdreg $0x60  }
0xae: {  	[dreg:$0x2] =	wrdreg s2  }
0xaf: {  	[dreg:$0x3] =	wrdreg s24  }
0xb0: {  	[dreg:$0x4] =	wrdreg $0x9  }
0xb1: {  	_ =	task.clear_ibuf [dreg:s7], $0x5FFFF;
	_ =	strace $0x90000046  }
0xb2: {  	s29 =	simm.s32 $0x9;
	_ =	strace $0x80000048  }
0xb3: {  	_ =	swait.ge [sflag:s29], $0x1  }
0xb4: {  	[sflag:s29] =	ssyncadd.s32 $0xFFFFFFFF  }
0xb5: {  	_ =	strace $0x90000048  }
0xb6: {  	_ =	sfence  }
0xb7: {  	s30 =	sld [smem:$0x0];
	_ =	sdelay $0x2  }
0xb8: {  	s31 =	sshll.u32 s1, $0xD;
	s1 =	sshrl.u32 s1, $0x2  }
0xb9: {  	s3 =	sand.u32 $0x4000, s31;
	s1 =	sadd.s32 s1, s30  }
0xba: {  	s0 =	sor.u32 s3, s0;
	s1 =	sshll.u32 s1, $0x11  }
0xbb: {  	s0 =	sor.u32 s1, s0  }
0xbc: {  	s0 =	sadd.s32 $0x8F2B, s0  }
0xbd: {  	[sflag:s0] =	ssyncadd.remote.s32 $0x1  }
0xbe: {  	_ =	sfence.sel $0xFFFF  }
0xbf: {  	[dreg:$0x0] =	wrdreg $0xFFFFFFFF;
	(pc) =	sbr.abs _section_cstart, $3  }
0xc0: {  	[dreg:$0x1] =	wrdreg $0xFFFFFFFF  }
0xc1: {  	_ =	task.clear_ibuf [dreg:s7], $0x2FFFF;
	_ =	strace $0x9FFFFFFF  }
0xc2: {  	(tm) =	ssettm $0x7FFFFFFF  }
0xc3: {  	_ =	shalt  }
tec
execute0_lowered:
.L_overlay_start_1:
0x0: {  	(tag) =	ssettag $0x1  }
0x1: {  	s0 =	srdreg.scid;
	s1 =	rddreg [dreg:$0x0]  }
0x2: {  	s2 =	stileid.u32;
	s4 =	rddreg [dreg:$0x1];
	s26 =	simm.s32 $0x80  }
0x3: {  	s14 =	simm.s32 $0x1;
	s17 =	simm.s32 $0x1900;
	s18 =	simm.s32 $0x2100  }
0x4: {  	s19 =	simm.s32 $0x2900;
	s20 =	simm.s32 $0x3100;
	s21 =	simm.s32 $0x3900  }
0x5: {  	s22 =	simm.s32 $0x4100;
	s23 =	simm.s32 $0x4900;
	s24 =	simm.s32 $0x5100  }
0x6: {  	s25 =	simm.s32 $0x5900;
	s28 =	simm.s32 $0x6900;
	s29 =	simm.s32 $0x7100  }
0x7: {  	s30 =	simm.s32 $0x7900;
	s31 =	simm.s32 $0x8100;
	s9 =	simm.s32 $0xA100  }
0x8: {  	s10 =	simm.s32 $0xA900;
	s11 =	simm.s32 $0xB100;
	s12 =	simm.s32 $0xB900  }
0x9: {  	s0 =	sand.u32 $0x1, s0;
	s3 =	sshll.u32 s2, $0x8;
	s2 =	simm.s32 $0x0  }
0xa: {  	s13 =	simm.s32 $0xC100;
	s5 =	sshll.u32 s0, $0x7;
	[smem:$0x7FF] =	sst s2  }
0xb: {  	s0 =	ssub.s32 $0x2, s0;
	s5 =	sor.u32 s5, s3;
	_ =	strace $0x80000047  }
0xc: {  	s7 =	sshrl.u32 s0, $0x1;
	[dreg:$0x6] =	wrdreg s26;
	s26 =	simm.s32 $0x6100  }
0xd: {  	s3 =	sshrl.u32 s5, $0x3;
	s5 =	sshll.u32 s5, $0x6;
	s0 =	ssub.s32 s0, s7  }
0xe: {  	s6 =	sadd.s32 s3, s4;
	s3 =	sadd.s32 $0x3000, s4;
	s1 =	sadd.s32 s1, s5  }
0xf: {  	v2 =	vlaneseq.u32;
	s4 =	sadd.s32 $0x3100, s4;
	s8 =	sadd.s32 $0x2C00, s6;
	[dreg:$0x5] =	wrdreg s1  }
0x10: {  	vm0 =	vmmov $0xffff;
	v1 =	vshrl.u32 v2, $0x3;
	s5 =	smax.u32 s0, $0x1;
	s6 =	sadd.s32 $0x2E00, s6;
	[dreg:$0x3] =	wrdreg s8  }
0x11: {  	v0 =	vand.u32 $0x7, v2;
	v2 =	vor.u32 $0x8, v2;
	v1 =	vmul.u32 $0x8, v1;
	[dreg:$0x4] =	wrdreg s6;
	s6 =	simm.s32 $0x2;
	s8 =	simm.s32 $0x9900  }
.LBB2_1:
0x12: {  	s15 =	rddreg [dreg:$0x3]  }
0x13: {  	[tilespmem:s2], [sflag:$0x2] =	stream.linear.gather [hbm4b:s15+s2], $0x80, $0x38;
	[tilespmem:$0x10100] =	vst v63  }
0x14: {  	_ =	swait.ge [sflag:s6], $0x80  }
0x15: {  	s1 =	rddreg [dreg:$0x4];
	[sflag:s6] =	ssyncset.done $0x0  }
0x16: {  	s16 =	rddreg [dreg:$0x6];
	[sflag:s6] =	ssyncadd.s32 $0xFFFFFF80  }
0x17: {  	[tilespmem:s16], [sflag:$0x2] =	stream.linear.gather [hbm4b:s1+s2], $0x80, $0x38;
	[tilespmem:$0x10100] =	vst v63  }
0x18: {  	_ =	swait.ge [sflag:s6], $0x80  }
0x19: {  	[sflag:s6] =	ssyncset.done $0x0  }
0x1a: {  	s0 =	simm.s32 $0x100;
	s7 =	rddreg [dreg:$0x5];
	[sflag:s6] =	ssyncadd.s32 $0xFFFFFF80  }
0x1b: {  	[tilespmem:s0], [sflag:$0x2] =	stream.linear.gather [hbm4b:s7+s2], $0x10000, $0x38;
	[tilespmem:$0x10100] =	vst v63  }
0x1c: {  	_ =	swait.ge [sflag:s6], $0x10000  }
0x1d: {  	[sflag:s6] =	ssyncset.done $0x0  }
0x1e: {  	[sflag:s6] =	ssyncadd.s32 $0xFFFF0000  }
0x1f: {  	v3 =	vld [tilespmem:$0x0];
	_ =	sdelay $0x4  }
0x20: {  	v4 =	vshll.u32 v3, $0x2  }
0x21: {  	v3 =	vand.u32 $0x7, v3;
	v4 =	vand.u32 $0xFFFFFFE0, v4  }
0x22: {  	v3 =	vor.u32 v3, v4  }
0x23: {  	v4 =	vperm.xlane v3, v0;
	_ =	sdelay $0x1  }
0x24: {  	v4 =	vadd.s32 v1, v4;
	_ =	sdelay $0x1  }
0x25: {  	v3 =	vperm.xlane v3, v2;
	_ =	sdelay $0x1  }
0x26: {  	v3 =	vadd.s32 v1, v3  }
0x27: {  	[hbm4b:s3+s2] =	stream.indirect_vreg.scatter [tilespmem:s0], [sflag:$0x1], $0x80, v4, vm0, $0xb8;
	[tilespmem:$0x10100] =	vst v63  }
0x28: {  	s15 =	simm.s32 $0x900  }
0x29: {  	[hbm4b:s4+s2] =	stream.indirect_vreg.scatter [tilespmem:s15], [sflag:$0x1], $0x80, v4, vm0, $0xb8;
	[tilespmem:$0x10100] =	vst v63  }
0x2a: {  	s16 =	simm.s32 $0x1100  }
0x2b: {  	[hbm4b:s3+s2] =	stream.indirect_vreg.scatter [tilespmem:s16], [sflag:$0x1], $0x80, v3, vm0, $0xb8;
	[tilespmem:$0x10100] =	vst v63  }
0x2c: {  	_ = 	snop  }
0x2d: {  	[hbm4b:s4+s2] =	stream.indirect_vreg.scatter [tilespmem:s17], [sflag:$0x1], $0x80, v3, vm0, $0xb8;
	[tilespmem:$0x10100] =	vst v63  }
0x2e: {  	v3 =	vld [tilespmem:$0x10];
	_ =	sdelay $0x4  }
0x2f: {  	v49 =	vshll.u32 v3, $0x2  }
0x30: {  	v3 =	vand.u32 $0x7, v3;
	v4 =	vand.u32 $0xFFFFFFE0, v49  }
0x31: {  	v3 =	vor.u32 v3, v4  }
0x32: {  	v4 =	vperm.xlane v3, v0;
	_ =	sdelay $0x1  }
0x33: {  	v4 =	vadd.s32 v1, v4;
	_ =	sdelay $0x1  }
0x34: {  	v3 =	vperm.xlane v3, v2;
	_ =	sdelay $0x1  }
0x35: {  	v3 =	vadd.s32 v1, v3  }
0x36: {  	[hbm4b:s3+s2] =	stream.indirect_vreg.scatter [tilespmem:s18], [sflag:$0x1], $0x80, v4, vm0, $0xb8;
	[tilespmem:$0x10100] =	vst v63  }
0x37: {  	_ = 	snop  }
0x38: {  	[hbm4b:s4+s2] =	stream.indirect_vreg.scatter [tilespmem:s19], [sflag:$0x1], $0x80, v4, vm0, $0xb8;
	[tilespmem:$0x10100] =	vst v63  }
0x39: {  	_ = 	snop  }
0x3a: {  	[hbm4b:s3+s2] =	stream.indirect_vreg.scatter [tilespmem:s20], [sflag:$0x1], $0x80, v3, vm0, $0xb8;
	[tilespmem:$0x10100] =	vst v63  }
0x3b: {  	_ = 	snop  }
0x3c: {  	[hbm4b:s4+s2] =	stream.indirect_vreg.scatter [tilespmem:s21], [sflag:$0x1], $0x80, v3, vm0, $0xb8;
	[tilespmem:$0x10100] =	vst v63  }
0x3d: {  	v3 =	vld [tilespmem:$0x20];
	_ =	sdelay $0x4  }
0x3e: {  	v50 =	vshll.u32 v3, $0x2  }
0x3f: {  	v3 =	vand.u32 $0x7, v3;
	v4 =	vand.u32 $0xFFFFFFE0, v50  }
0x40: {  	v3 =	vor.u32 v3, v4  }
0x41: {  	v4 =	vperm.xlane v3, v0;
	_ =	sdelay $0x1  }
0x42: {  	v4 =	vadd.s32 v1, v4;
	_ =	sdelay $0x1  }
0x43: {  	v3 =	vperm.xlane v3, v2;
	_ =	sdelay $0x1  }
0x44: {  	v3 =	vadd.s32 v1, v3  }
0x45: {  	[hbm4b:s3+s2] =	stream.indirect_vreg.scatter [tilespmem:s22], [sflag:$0x1], $0x80, v4, vm0, $0xb8;
	[tilespmem:$0x10100] =	vst v63  }
0x46: {  	_ = 	snop  }
0x47: {  	[hbm4b:s4+s2] =	stream.indirect_vreg.scatter [tilespmem:s23], [sflag:$0x1], $0x80, v4, vm0, $0xb8;
	[tilespmem:$0x10100] =	vst v63  }
0x48: {  	_ = 	snop  }
0x49: {  	[hbm4b:s3+s2] =	stream.indirect_vreg.scatter [tilespmem:s24], [sflag:$0x1], $0x80, v3, vm0, $0xb8;
	[tilespmem:$0x10100] =	vst v63  }
0x4a: {  	_ = 	snop  }
0x4b: {  	[hbm4b:s4+s2] =	stream.indirect_vreg.scatter [tilespmem:s25], [sflag:$0x1], $0x80, v3, vm0, $0xb8;
	[tilespmem:$0x10100] =	vst v63  }
0x4c: {  	v3 =	vld [tilespmem:$0x30];
	_ =	sdelay $0x4  }
0x4d: {  	v51 =	vshll.u32 v3, $0x2  }
0x4e: {  	v3 =	vand.u32 $0x7, v3;
	v4 =	vand.u32 $0xFFFFFFE0, v51  }
0x4f: {  	v3 =	vor.u32 v3, v4  }
0x50: {  	v4 =	vperm.xlane v3, v0;
	_ =	sdelay $0x1  }
0x51: {  	v4 =	vadd.s32 v1, v4;
	_ =	sdelay $0x1  }
0x52: {  	v3 =	vperm.xlane v3, v2;
	_ =	sdelay $0x1  }
0x53: {  	v3 =	vadd.s32 v1, v3  }
0x54: {  	[hbm4b:s3+s2] =	stream.indirect_vreg.scatter [tilespmem:s26], [sflag:$0x1], $0x80, v4, vm0, $0xb8;
	[tilespmem:$0x10100] =	vst v63  }
0x55: {  	_ = 	snop  }
0x56: {  	[hbm4b:s4+s2] =	stream.indirect_vreg.scatter [tilespmem:s28], [sflag:$0x1], $0x80, v4, vm0, $0xb8;
	[tilespmem:$0x10100] =	vst v63  }
0x57: {  	_ = 	snop  }
0x58: {  	[hbm4b:s3+s2] =	stream.indirect_vreg.scatter [tilespmem:s29], [sflag:$0x1], $0x80, v3, vm0, $0xb8;
	[tilespmem:$0x10100] =	vst v63  }
0x59: {  	_ = 	snop  }
0x5a: {  	[hbm4b:s4+s2] =	stream.indirect_vreg.scatter [tilespmem:s30], [sflag:$0x1], $0x80, v3, vm0, $0xb8;
	[tilespmem:$0x10100] =	vst v63  }
0x5b: {  	v3 =	vld [tilespmem:$0x40];
	_ =	sdelay $0x4  }
0x5c: {  	v52 =	vshll.u32 v3, $0x2  }
0x5d: {  	v3 =	vand.u32 $0x7, v3;
	v4 =	vand.u32 $0xFFFFFFE0, v52  }
0x5e: {  	v3 =	vor.u32 v3, v4  }
0x5f: {  	v4 =	vperm.xlane v3, v0;
	_ =	sdelay $0x1  }
0x60: {  	v4 =	vadd.s32 v1, v4;
	_ =	sdelay $0x1  }
0x61: {  	v3 =	vperm.xlane v3, v2;
	_ =	sdelay $0x1  }
0x62: {  	v3 =	vadd.s32 v1, v3  }
0x63: {  	[hbm4b:s3+s2] =	stream.indirect_vreg.scatter [tilespmem:s31], [sflag:$0x1], $0x80, v4, vm0, $0xb8;
	[tilespmem:$0x10100] =	vst v63  }
0x64: {  	s1 =	simm.s32 $0x8900  }
0x65: {  	[hbm4b:s4+s2] =	stream.indirect_vreg.scatter [tilespmem:s1], [sflag:$0x1], $0x80, v4, vm0, $0xb8;
	[tilespmem:$0x10100] =	vst v63  }
0x66: {  	s7 =	simm.s32 $0x9100  }
0x67: {  	[hbm4b:s3+s2] =	stream.indirect_vreg.scatter [tilespmem:s7], [sflag:$0x1], $0x80, v3, vm0, $0xb8;
	[tilespmem:$0x10100] =	vst v63  }
0x68: {  	_ = 	snop  }
0x69: {  	[hbm4b:s4+s2] =	stream.indirect_vreg.scatter [tilespmem:s8], [sflag:$0x1], $0x80, v3, vm0, $0xb8;
	[tilespmem:$0x10100] =	vst v63  }
0x6a: {  	v3 =	vld [tilespmem:$0x50];
	_ =	sdelay $0x4  }
0x6b: {  	v53 =	vshll.u32 v3, $0x2  }
0x6c: {  	v3 =	vand.u32 $0x7, v3;
	v4 =	vand.u32 $0xFFFFFFE0, v53  }
0x6d: {  	v3 =	vor.u32 v3, v4  }
0x6e: {  	v4 =	vperm.xlane v3, v0;
	_ =	sdelay $0x1  }
0x6f: {  	v4 =	vadd.s32 v1, v4;
	_ =	sdelay $0x1  }
0x70: {  	v3 =	vperm.xlane v3, v2;
	_ =	sdelay $0x1  }
0x71: {  	v3 =	vadd.s32 v1, v3  }
0x72: {  	[hbm4b:s3+s2] =	stream.indirect_vreg.scatter [tilespmem:s9], [sflag:$0x1], $0x80, v4, vm0, $0xb8;
	[tilespmem:$0x10100] =	vst v63  }
0x73: {  	_ = 	snop  }
0x74: {  	[hbm4b:s4+s2] =	stream.indirect_vreg.scatter [tilespmem:s10], [sflag:$0x1], $0x80, v4, vm0, $0xb8;
	[tilespmem:$0x10100] =	vst v63  }
0x75: {  	_ = 	snop  }
0x76: {  	[hbm4b:s3+s2] =	stream.indirect_vreg.scatter [tilespmem:s11], [sflag:$0x1], $0x80, v3, vm0, $0xb8;
	[tilespmem:$0x10100] =	vst v63  }
0x77: {  	_ = 	snop  }
0x78: {  	[hbm4b:s4+s2] =	stream.indirect_vreg.scatter [tilespmem:s12], [sflag:$0x1], $0x80, v3, vm0, $0xb8;
	[tilespmem:$0x10100] =	vst v63  }
0x79: {  	v3 =	vld [tilespmem:$0x60];
	_ =	sdelay $0x4  }
0x7a: {  	v54 =	vshll.u32 v3, $0x2  }
0x7b: {  	v3 =	vand.u32 $0x7, v3;
	v4 =	vand.u32 $0xFFFFFFE0, v54  }
0x7c: {  	v3 =	vor.u32 v3, v4  }
0x7d: {  	v4 =	vperm.xlane v3, v0;
	_ =	sdelay $0x1  }
0x7e: {  	v4 =	vadd.s32 v1, v4;
	_ =	sdelay $0x1  }
0x7f: {  	v3 =	vperm.xlane v3, v2;
	_ =	sdelay $0x1  }
0x80: {  	v3 =	vadd.s32 v1, v3  }
0x81: {  	[hbm4b:s3+s2] =	stream.indirect_vreg.scatter [tilespmem:s13], [sflag:$0x1], $0x80, v4, vm0, $0xb8;
	[tilespmem:$0x10100] =	vst v63  }
0x82: {  	s7 =	simm.s32 $0xC900  }
0x83: {  	[hbm4b:s4+s2] =	stream.indirect_vreg.scatter [tilespmem:s7], [sflag:$0x1], $0x80, v4, vm0, $0xb8;
	[tilespmem:$0x10100] =	vst v63  }
0x84: {  	s1 =	simm.s32 $0xD100  }
0x85: {  	[hbm4b:s3+s2] =	stream.indirect_vreg.scatter [tilespmem:s1], [sflag:$0x1], $0x80, v3, vm0, $0xb8;
	[tilespmem:$0x10100] =	vst v63  }
0x86: {  	s1 =	simm.s32 $0xD900  }
0x87: {  	[hbm4b:s4+s2] =	stream.indirect_vreg.scatter [tilespmem:s1], [sflag:$0x1], $0x80, v3, vm0, $0xb8;
	[tilespmem:$0x10100] =	vst v63  }
0x88: {  	v3 =	vld [tilespmem:$0x70];
	_ =	sdelay $0x4  }
0x89: {  	v55 =	vshll.u32 v3, $0x2  }
0x8a: {  	v3 =	vand.u32 $0x7, v3;
	v4 =	vand.u32 $0xFFFFFFE0, v55  }
0x8b: {  	v3 =	vor.u32 v3, v4  }
0x8c: {  	v4 =	vperm.xlane v3, v0;
	_ =	sdelay $0x1  }
0x8d: {  	v4 =	vadd.s32 v1, v4;
	_ =	sdelay $0x1  }
0x8e: {  	v3 =	vperm.xlane v3, v2;
	_ =	sdelay $0x1  }
0x8f: {  	s1 =	simm.s32 $0xE100;
	v3 =	vadd.s32 v1, v3  }
0x90: {  	[hbm4b:s3+s2] =	stream.indirect_vreg.scatter [tilespmem:s1], [sflag:$0x1], $0x80, v4, vm0, $0xb8;
	[tilespmem:$0x10100] =	vst v63  }
0x91: {  	s1 =	simm.s32 $0xE900  }
0x92: {  	[hbm4b:s4+s2] =	stream.indirect_vreg.scatter [tilespmem:s1], [sflag:$0x1], $0x80, v4, vm0, $0xb8;
	[tilespmem:$0x10100] =	vst v63  }
0x93: {  	s1 =	simm.s32 $0xF100  }
0x94: {  	[hbm4b:s3+s2] =	stream.indirect_vreg.scatter [tilespmem:s1], [sflag:$0x1], $0x80, v3, vm0, $0xb8;
	[tilespmem:$0x10100] =	vst v63  }
0x95: {  	s1 =	simm.s32 $0xF900  }
0x96: {  	[hbm4b:s4+s2] =	stream.indirect_vreg.scatter [tilespmem:s1], [sflag:$0x1], $0x80, v3, vm0, $0xb8;
	[tilespmem:$0x10100] =	vst v63  }
0x97: {  	_ =	swait.ge [sflag:s14], $0x10000  }
0x98: {  	[sflag:s14] =	ssyncset.done $0x0  }
0x99: {  	[sflag:s14] =	ssyncadd.s32 $0xFFFF0000  }
0x9a: {  	v3 =	vld [tilespmem:$0x80];
	_ =	sdelay $0x4  }
0x9b: {  	v56 =	vshll.u32 v3, $0x2  }
0x9c: {  	v3 =	vand.u32 $0x7, v3;
	v4 =	vand.u32 $0xFFFFFFE0, v56  }
0x9d: {  	v3 =	vor.u32 v3, v4  }
0x9e: {  	v4 =	vperm.xlane v3, v0;
	_ =	sdelay $0x1  }
0x9f: {  	v4 =	vadd.s32 v1, v4;
	_ =	sdelay $0x1  }
0xa0: {  	v3 =	vperm.xlane v3, v2;
	_ =	sdelay $0x1  }
0xa1: {  	v3 =	vadd.s32 v1, v3  }
0xa2: {  	[hbm4b:s3+s2] =	stream.indirect_vreg.scatter [tilespmem:s0], [sflag:$0x1], $0x80, v4, vm0, $0xb8;
	[tilespmem:$0x10100] =	vst v63  }
0xa3: {  	_ = 	snop  }
0xa4: {  	[hbm4b:s4+s2] =	stream.indirect_vreg.scatter [tilespmem:s15], [sflag:$0x1], $0x80, v4, vm0, $0xb8;
	[tilespmem:$0x10100] =	vst v63  }
0xa5: {  	_ = 	snop  }
0xa6: {  	[hbm4b:s3+s2] =	stream.indirect_vreg.scatter [tilespmem:s16], [sflag:$0x1], $0x80, v3, vm0, $0xb8;
	[tilespmem:$0x10100] =	vst v63  }
0xa7: {  	_ = 	snop  }
0xa8: {  	[hbm4b:s4+s2] =	stream.indirect_vreg.scatter [tilespmem:s17], [sflag:$0x1], $0x80, v3, vm0, $0xb8;
	[tilespmem:$0x10100] =	vst v63  }
0xa9: {  	v3 =	vld [tilespmem:$0x90];
	_ =	sdelay $0x4  }
0xaa: {  	v57 =	vshll.u32 v3, $0x2  }
0xab: {  	v3 =	vand.u32 $0x7, v3;
	v4 =	vand.u32 $0xFFFFFFE0, v57  }
0xac: {  	v3 =	vor.u32 v3, v4  }
0xad: {  	v4 =	vperm.xlane v3, v0;
	_ =	sdelay $0x1  }
0xae: {  	v4 =	vadd.s32 v1, v4;
	_ =	sdelay $0x1  }
0xaf: {  	v3 =	vperm.xlane v3, v2;
	_ =	sdelay $0x1  }
0xb0: {  	v3 =	vadd.s32 v1, v3  }
0xb1: {  	[hbm4b:s3+s2] =	stream.indirect_vreg.scatter [tilespmem:s18], [sflag:$0x1], $0x80, v4, vm0, $0xb8;
	[tilespmem:$0x10100] =	vst v63  }
0xb2: {  	_ = 	snop  }
0xb3: {  	[hbm4b:s4+s2] =	stream.indirect_vreg.scatter [tilespmem:s19], [sflag:$0x1], $0x80, v4, vm0, $0xb8;
	[tilespmem:$0x10100] =	vst v63  }
0xb4: {  	_ = 	snop  }
0xb5: {  	[hbm4b:s3+s2] =	stream.indirect_vreg.scatter [tilespmem:s20], [sflag:$0x1], $0x80, v3, vm0, $0xb8;
	[tilespmem:$0x10100] =	vst v63  }
0xb6: {  	_ = 	snop  }
0xb7: {  	[hbm4b:s4+s2] =	stream.indirect_vreg.scatter [tilespmem:s21], [sflag:$0x1], $0x80, v3, vm0, $0xb8;
	[tilespmem:$0x10100] =	vst v63  }
0xb8: {  	v3 =	vld [tilespmem:$0xA0];
	_ =	sdelay $0x4  }
0xb9: {  	v58 =	vshll.u32 v3, $0x2  }
0xba: {  	v3 =	vand.u32 $0x7, v3;
	v4 =	vand.u32 $0xFFFFFFE0, v58  }
0xbb: {  	v3 =	vor.u32 v3, v4  }
0xbc: {  	v4 =	vperm.xlane v3, v0;
	_ =	sdelay $0x1  }
0xbd: {  	v4 =	vadd.s32 v1, v4;
	_ =	sdelay $0x1  }
0xbe: {  	v3 =	vperm.xlane v3, v2;
	_ =	sdelay $0x1  }
0xbf: {  	v3 =	vadd.s32 v1, v3  }
0xc0: {  	[hbm4b:s3+s2] =	stream.indirect_vreg.scatter [tilespmem:s22], [sflag:$0x1], $0x80, v4, vm0, $0xb8;
	[tilespmem:$0x10100] =	vst v63  }
0xc1: {  	_ = 	snop  }
0xc2: {  	[hbm4b:s4+s2] =	stream.indirect_vreg.scatter [tilespmem:s23], [sflag:$0x1], $0x80, v4, vm0, $0xb8;
	[tilespmem:$0x10100] =	vst v63  }
0xc3: {  	_ = 	snop  }
0xc4: {  	[hbm4b:s3+s2] =	stream.indirect_vreg.scatter [tilespmem:s24], [sflag:$0x1], $0x80, v3, vm0, $0xb8;
	[tilespmem:$0x10100] =	vst v63  }
0xc5: {  	_ = 	snop  }
0xc6: {  	[hbm4b:s4+s2] =	stream.indirect_vreg.scatter [tilespmem:s25], [sflag:$0x1], $0x80, v3, vm0, $0xb8;
	[tilespmem:$0x10100] =	vst v63  }
0xc7: {  	v3 =	vld [tilespmem:$0xB0];
	_ =	sdelay $0x4  }
0xc8: {  	v59 =	vshll.u32 v3, $0x2  }
0xc9: {  	v3 =	vand.u32 $0x7, v3;
	v4 =	vand.u32 $0xFFFFFFE0, v59  }
0xca: {  	v3 =	vor.u32 v3, v4  }
0xcb: {  	v4 =	vperm.xlane v3, v0;
	_ =	sdelay $0x1  }
0xcc: {  	v4 =	vadd.s32 v1, v4;
	_ =	sdelay $0x1  }
0xcd: {  	v3 =	vperm.xlane v3, v2;
	_ =	sdelay $0x1  }
0xce: {  	v3 =	vadd.s32 v1, v3  }
0xcf: {  	[hbm4b:s3+s2] =	stream.indirect_vreg.scatter [tilespmem:s26], [sflag:$0x1], $0x80, v4, vm0, $0xb8;
	[tilespmem:$0x10100] =	vst v63  }
0xd0: {  	_ = 	snop  }
0xd1: {  	[hbm4b:s4+s2] =	stream.indirect_vreg.scatter [tilespmem:s28], [sflag:$0x1], $0x80, v4, vm0, $0xb8;
	[tilespmem:$0x10100] =	vst v63  }
0xd2: {  	_ = 	snop  }
0xd3: {  	[hbm4b:s3+s2] =	stream.indirect_vreg.scatter [tilespmem:s29], [sflag:$0x1], $0x80, v3, vm0, $0xb8;
	[tilespmem:$0x10100] =	vst v63  }
0xd4: {  	_ = 	snop  }
0xd5: {  	[hbm4b:s4+s2] =	stream.indirect_vreg.scatter [tilespmem:s30], [sflag:$0x1], $0x80, v3, vm0, $0xb8;
	[tilespmem:$0x10100] =	vst v63  }
0xd6: {  	v3 =	vld [tilespmem:$0xC0];
	_ =	sdelay $0x4  }
0xd7: {  	v60 =	vshll.u32 v3, $0x2  }
0xd8: {  	v3 =	vand.u32 $0x7, v3;
	v4 =	vand.u32 $0xFFFFFFE0, v60  }
0xd9: {  	v3 =	vor.u32 v3, v4  }
0xda: {  	v4 =	vperm.xlane v3, v0;
	_ =	sdelay $0x1  }
0xdb: {  	v4 =	vadd.s32 v1, v4;
	_ =	sdelay $0x1  }
0xdc: {  	v3 =	vperm.xlane v3, v2;
	_ =	sdelay $0x1  }
0xdd: {  	v3 =	vadd.s32 v1, v3  }
0xde: {  	[hbm4b:s3+s2] =	stream.indirect_vreg.scatter [tilespmem:s31], [sflag:$0x1], $0x80, v4, vm0, $0xb8;
	[tilespmem:$0x10100] =	vst v63  }
0xdf: {  	s15 =	simm.s32 $0x8900  }
0xe0: {  	[hbm4b:s4+s2] =	stream.indirect_vreg.scatter [tilespmem:s15], [sflag:$0x1], $0x80, v4, vm0, $0xb8;
	[tilespmem:$0x10100] =	vst v63  }
0xe1: {  	s16 =	simm.s32 $0x9100  }
0xe2: {  	[hbm4b:s3+s2] =	stream.indirect_vreg.scatter [tilespmem:s16], [sflag:$0x1], $0x80, v3, vm0, $0xb8;
	[tilespmem:$0x10100] =	vst v63  }
0xe3: {  	_ = 	snop  }
0xe4: {  	[hbm4b:s4+s2] =	stream.indirect_vreg.scatter [tilespmem:s8], [sflag:$0x1], $0x80, v3, vm0, $0xb8;
	[tilespmem:$0x10100] =	vst v63  }
0xe5: {  	v3 =	vld [tilespmem:$0xD0];
	_ =	sdelay $0x4  }
0xe6: {  	v61 =	vshll.u32 v3, $0x2  }
0xe7: {  	v3 =	vand.u32 $0x7, v3;
	v4 =	vand.u32 $0xFFFFFFE0, v61  }
0xe8: {  	v3 =	vor.u32 v3, v4  }
0xe9: {  	v4 =	vperm.xlane v3, v0;
	_ =	sdelay $0x1  }
0xea: {  	v4 =	vadd.s32 v1, v4;
	_ =	sdelay $0x1  }
0xeb: {  	v3 =	vperm.xlane v3, v2;
	_ =	sdelay $0x1  }
0xec: {  	v3 =	vadd.s32 v1, v3  }
0xed: {  	[hbm4b:s3+s2] =	stream.indirect_vreg.scatter [tilespmem:s9], [sflag:$0x1], $0x80, v4, vm0, $0xb8;
	[tilespmem:$0x10100] =	vst v63  }
0xee: {  	_ = 	snop  }
0xef: {  	[hbm4b:s4+s2] =	stream.indirect_vreg.scatter [tilespmem:s10], [sflag:$0x1], $0x80, v4, vm0, $0xb8;
	[tilespmem:$0x10100] =	vst v63  }
0xf0: {  	_ = 	snop  }
0xf1: {  	[hbm4b:s3+s2] =	stream.indirect_vreg.scatter [tilespmem:s11], [sflag:$0x1], $0x80, v3, vm0, $0xb8;
	[tilespmem:$0x10100] =	vst v63  }
0xf2: {  	_ = 	snop  }
0xf3: {  	[hbm4b:s4+s2] =	stream.indirect_vreg.scatter [tilespmem:s12], [sflag:$0x1], $0x80, v3, vm0, $0xb8;
	[tilespmem:$0x10100] =	vst v63  }
0xf4: {  	v3 =	vld [tilespmem:$0xE0];
	_ =	sdelay $0x4  }
0xf5: {  	v62 =	vshll.u32 v3, $0x2  }
0xf6: {  	v3 =	vand.u32 $0x7, v3;
	v4 =	vand.u32 $0xFFFFFFE0, v62  }
0xf7: {  	v3 =	vor.u32 v3, v4  }
0xf8: {  	v4 =	vperm.xlane v3, v0;
	_ =	sdelay $0x1  }
0xf9: {  	v4 =	vadd.s32 v1, v4;
	_ =	sdelay $0x1  }
0xfa: {  	v3 =	vperm.xlane v3, v2;
	_ =	sdelay $0x1  }
0xfb: {  	v3 =	vadd.s32 v1, v3  }
0xfc: {  	[hbm4b:s3+s2] =	stream.indirect_vreg.scatter [tilespmem:s13], [sflag:$0x1], $0x80, v4, vm0, $0xb8;
	[tilespmem:$0x10100] =	vst v63  }
0xfd: {  	_ = 	snop  }
0xfe: {  	[hbm4b:s4+s2] =	stream.indirect_vreg.scatter [tilespmem:s7], [sflag:$0x1], $0x80, v4, vm0, $0xb8;
	[tilespmem:$0x10100] =	vst v63  }
0xff: {  	s15 =	simm.s32 $0xD100  }
0x100: {  	[hbm4b:s3+s2] =	stream.indirect_vreg.scatter [tilespmem:s15], [sflag:$0x1], $0x80, v3, vm0, $0xb8;
	[tilespmem:$0x10100] =	vst v63  }
0x101: {  	s16 =	simm.s32 $0xD900  }
0x102: {  	[hbm4b:s4+s2] =	stream.indirect_vreg.scatter [tilespmem:s16], [sflag:$0x1], $0x80, v3, vm0, $0xb8;
	[tilespmem:$0x10100] =	vst v63  }
0x103: {  	v3 =	vld [tilespmem:$0xF0];
	_ =	sdelay $0x4  }
0x104: {  	v63 =	vshll.u32 v3, $0x2  }
0x105: {  	v3 =	vand.u32 $0x7, v3;
	v4 =	vand.u32 $0xFFFFFFE0, v63  }
0x106: {  	v3 =	vor.u32 v3, v4  }
0x107: {  	v4 =	vperm.xlane v3, v0;
	_ =	sdelay $0x1  }
0x108: {  	v4 =	vadd.s32 v1, v4;
	_ =	sdelay $0x1  }
0x109: {  	v3 =	vperm.xlane v3, v2;
	_ =	sdelay $0x1  }
0x10a: {  	s7 =	simm.s32 $0xE100;
	v3 =	vadd.s32 v1, v3  }
0x10b: {  	[hbm4b:s3+s2] =	stream.indirect_vreg.scatter [tilespmem:s7], [sflag:$0x1], $0x80, v4, vm0, $0xb8;
	[tilespmem:$0x10100] =	vst v63  }
0x10c: {  	s15 =	simm.s32 $0xE900  }
0x10d: {  	[hbm4b:s4+s2] =	stream.indirect_vreg.scatter [tilespmem:s15], [sflag:$0x1], $0x80, v4, vm0, $0xb8;
	[tilespmem:$0x10100] =	vst v63  }
0x10e: {  	p0 =	sne.s32 s5, $0x1;
	s16 =	simm.s32 $0xF100  }
0x10f: {  	[hbm4b:s3+s2] =	stream.indirect_vreg.scatter [tilespmem:s16], [sflag:$0x1], $0x80, v3, vm0, $0xb8;
	[tilespmem:$0x10100] =	vst v63  }
.Ltmp0:
0x110: {  	_ = 	snop;
	(pc) =	sbr.rel @p0 .LBB2_1-.Ltmp0, $4  }
0x111: {  	[hbm4b:s4+s2] =	stream.indirect_vreg.scatter [tilespmem:s1], [sflag:$0x1], $0x80, v3, vm0, $0xb8;
	[tilespmem:$0x10100] =	vst v63  }
0x112: {  	_ =	swait.ge [sflag:s14], $0x10000  }
0x113: {  	[sflag:s14] =	ssyncset.done $0x0  }
0x114: {  	s5 =	sadd.s32 $0xFFFFFFFF, s5;
	[sflag:s14] =	ssyncadd.s32 $0xFFFF0000  }
0x115: {  	_ =	sfence.sel $0x180000  }
0x116: {  	[bflag:$0x0] =	sbarrier.arrive $0xFFFF  }
0x117: {  	_ =	strace $0x90000047  }
0x118: {  	s0 =	stileid.u32;
	[bflag:$0x2] =	sbarrier.arrive $0xFFFF  }
0x119: {  	p0 =	sne.s32 s0, $0x0;
	s0 =	rddreg [dreg:$0x2]  }
0x11a: {  	s0 =	sadd.s32 @!p0 $0x100000, s0  }
0x11b: {  	[sflag:s0] =	ssyncadd.tile.s32 @!p0 $0x1;
	_ =	shalt  }
.Lfunc_end2:
_tile_overlayer_lowered:
.L_overlay_start_2:
0x11c: {  	(tag) =	ssettag $0x2  }
0x11d: {  	s0 =	rddreg [dreg:$0x0];
	s2 =	stileid.u32  }
0x11e: {  	s1 =	rddreg [dreg:$0x1];
	p0 =	sne.s32 s2, $0x0  }
0x11f: {  	s3 =	rddreg [dreg:$0x2];
	[bflag:$0x3] =	sbarrier.arrive $0xFFFF;
	s2 =	simm.s32 @!p0 $0x1C02  }
0x120: {  	[timem:s3], [sflag:s2] =	dma.local @!p0 [hbm:s0], s1  }
0x121: {  	s0 =	simm.s32 @!p0 $0x2  }
0x122: {  	_ =	swait.ge @!p0 [sflag:s0], s1  }
0x123: {  	s1 =	ssub.s32 @!p0 $0x0, s1;
	[sflag:s0] =	ssyncset.done @!p0 $0x0  }
0x124: {  	[sflag:s0] =	ssyncadd.s32 @!p0 s1  }
0x125: {  	[bflag:$0x3] =	sbarrier.arrive $0xFFFF  }
0x126: {  	_ =	shalt  }

</sc_bundles>
